<compile_context>
chip_gen: v7x
topology: tpu7x:2x2x1
jax: 0.10.2.dev20260603
libtpu: 0.0.44.dev20260713+nightly
codegen_flags: <defaults>
</compile_context>

<pallas_src>
import functools

import jax
import jax.numpy as jnp
from jax import lax
from jax.experimental import pallas as pl
from jax.experimental.pallas import tpu as pltpu
from jax.experimental.pallas import tpu_sc as plsc

M = 10000
D = 128
G = 64
L = 16
NC = 2
NS = 16
NW = NC * NS
CHUNK = 320
NV = CHUNK // L
PADM = NW * CHUNK
NEG = -1e30

_mesh = plsc.VectorSubcoreMesh(
    core_axis_name="c", subcore_axis_name="s", num_cores=NC, num_subcores=NS)
_params = pltpu.CompilerParams(needs_layout_passes=False)


def _wid_base():
    wid = lax.axis_index("c") * NS + lax.axis_index("s")
    base = wid * CHUNK
    nvalid = jnp.minimum(CHUNK, M - base)
    ngrp = (nvalid + L - 1) // L
    return wid, base, ngrp


def _k1_body(x_hbm, batch_hbm, w_hbm, imp_hbm, pmax_hbm, psum_hbm,
             xbuf, bbuf, wvbuf, impbuf, pmaxbuf, psumbuf):
    wid, base, ngrp = _wid_base()

    pltpu.sync_copy(w_hbm, wvbuf)
    pltpu.sync_copy(batch_hbm.at[pl.ds(base, CHUNK)], bbuf)
    wv = [wvbuf[pl.ds(c * L, L)] for c in range(D // L)]

    neg = jnp.full((L,), NEG, jnp.float32)
    for j in range(NV):
        impbuf[pl.ds(j * L, L)] = neg

    lanes = lax.iota(jnp.int32, L)

    def grp(g, _):
        pltpu.sync_copy(x_hbm.at[pl.ds(base + g * L, L)], xbuf)

        def row(r, impv):
            acc = xbuf[r, pl.ds(0, L)] * wv[0]
            for c in range(1, D // L):
                acc = acc + xbuf[r, pl.ds(c * L, L)] * wv[c]
            val = jnp.sum(acc)
            return jnp.where(lanes == r, val, impv)

        impv = lax.fori_loop(0, L, row, neg)
        impbuf[pl.ds(g * L, L)] = impv
        return 0

    lax.fori_loop(0, ngrp, grp, 0)

    zero = jnp.zeros((L,), jnp.float32)
    for q in range(G // L):
        pmaxbuf[pl.ds(q * L, L)] = neg
        psumbuf[pl.ds(q * L, L)] = zero

    g_lo = jnp.min(bbuf[pl.ds(0, L)])
    g_hi = jnp.max(bbuf[pl.ds((ngrp - 1) * L, L)])

    def seg(g, _):
        macc = neg
        for j in range(NV):
            bm = bbuf[pl.ds(j * L, L)] == g
            macc = jnp.maximum(macc, jnp.where(bm, impbuf[pl.ds(j * L, L)], NEG))
        mg = jnp.max(macc)
        sacc = zero
        for j in range(NV):
            bm = bbuf[pl.ds(j * L, L)] == g
            e = jnp.exp(impbuf[pl.ds(j * L, L)] - mg)
            sacc = sacc + jnp.where(bm, e, 0.0)
        sg = jnp.sum(sacc)
        q, lane = g // L, g % L
        hit = lanes == lane
        pmaxbuf[pl.ds(q * L, L)] = jnp.where(hit, mg, pmaxbuf[pl.ds(q * L, L)])
        psumbuf[pl.ds(q * L, L)] = jnp.where(hit, sg, psumbuf[pl.ds(q * L, L)])
        return 0

    lax.fori_loop(g_lo, g_hi + 1, seg, 0)

    pltpu.sync_copy(impbuf, imp_hbm.at[pl.ds(base, CHUNK)])
    pltpu.sync_copy(pmaxbuf, pmax_hbm.at[wid])
    pltpu.sync_copy(psumbuf, psum_hbm.at[wid])


def _k2_body(x_hbm, batch_hbm, imp_hbm, pmax_hbm, psum_hbm, out_hbm,
             xbuf, bbuf, impbuf, wbuf, pmaxs, psums, mbuf, sbuf):
    wid, base, ngrp = _wid_base()

    pltpu.sync_copy(pmax_hbm, pmaxs)
    pltpu.sync_copy(psum_hbm, psums)
    pltpu.sync_copy(batch_hbm.at[pl.ds(base, CHUNK)], bbuf)
    pltpu.sync_copy(imp_hbm.at[pl.ds(base, CHUNK)], impbuf)

    NQ = G // L

    def mrow(r, carry):
        return tuple(jnp.maximum(carry[q], pmaxs[r, pl.ds(q * L, L)])
                     for q in range(NQ))

    m = lax.fori_loop(0, NW, mrow,
                      tuple(jnp.full((L,), NEG, jnp.float32) for _ in range(NQ)))

    def srow(r, carry):
        return tuple(carry[q] + psums[r, pl.ds(q * L, L)]
                     * jnp.exp(pmaxs[r, pl.ds(q * L, L)] - m[q])
                     for q in range(NQ))

    s = lax.fori_loop(0, NW, srow,
                      tuple(jnp.zeros((L,), jnp.float32) for _ in range(NQ)))
    for q in range(NQ):
        mbuf[pl.ds(q * L, L)] = m[q]
        sbuf[pl.ds(q * L, L)] = s[q]

    for j in range(NV):
        bv = bbuf[pl.ds(j * L, L)]
        mv = plsc.load_gather(mbuf, [bv])
        sv = plsc.load_gather(sbuf, [bv])
        wbuf[pl.ds(j * L, L)] = jnp.exp(impbuf[pl.ds(j * L, L)] - mv) / sv

    def grp(g, _):
        pltpu.sync_copy(x_hbm.at[pl.ds(base + g * L, L)], xbuf)

        def row(r, _):
            wr = plsc.load_gather(wbuf, [jnp.full((L,), g * L, jnp.int32) + r])
            for c in range(D // L):
                xbuf[r, pl.ds(c * L, L)] = xbuf[r, pl.ds(c * L, L)] * wr
            return 0

        lax.fori_loop(0, L, row, 0)
        pltpu.sync_copy(xbuf, out_hbm.at[pl.ds(base + g * L, L)])
        return 0

    lax.fori_loop(0, ngrp, grp, 0)


_k1 = pl.kernel(
    _k1_body,
    out_type=(
        jax.ShapeDtypeStruct((PADM,), jnp.float32),
        jax.ShapeDtypeStruct((NW, G), jnp.float32),
        jax.ShapeDtypeStruct((NW, G), jnp.float32),
    ),
    mesh=_mesh,
    compiler_params=_params,
    scratch_types=[
        pltpu.VMEM((L, D), jnp.float32),
        pltpu.VMEM((CHUNK,), jnp.int32),
        pltpu.VMEM((D,), jnp.float32),
        pltpu.VMEM((CHUNK,), jnp.float32),
        pltpu.VMEM((G,), jnp.float32),
        pltpu.VMEM((G,), jnp.float32),
    ],
)

_k2 = pl.kernel(
    _k2_body,
    out_type=jax.ShapeDtypeStruct((M, D), jnp.float32),
    mesh=_mesh,
    compiler_params=_params,
    scratch_types=[
        pltpu.VMEM((L, D), jnp.float32),
        pltpu.VMEM((CHUNK,), jnp.int32),
        pltpu.VMEM((CHUNK,), jnp.float32),
        pltpu.VMEM((CHUNK,), jnp.float32),
        pltpu.VMEM((NW, G), jnp.float32),
        pltpu.VMEM((NW, G), jnp.float32),
        pltpu.VMEM((G,), jnp.float32),
        pltpu.VMEM((G,), jnp.float32),
    ],
)


def kernel(x, batch, edge, W, b):
    del edge, b
    batch_pad = jnp.pad(batch, (0, PADM - M), constant_values=G - 1)
    wflat = W.reshape(D)
    imp, pmax, psum = _k1(x, batch_pad, wflat)
    return _k2(x, batch_pad, imp, pmax, psum)

# --- scband reference (transcript-rebuilt; emitter-appended) ---
"""Pipeline reference for scband-spatial-gate-attention-22814866277112 (READ-ONLY COPY).

The authoritative reference and input builder live on the scoring server;
editing this copy changes nothing except your own understanding.
"""

import jax, jax.numpy as jnp
import numpy as np

M = 10000
E = 320000
D = 128
NUM_GRAPHS = 64


def setup_inputs(seed: int = 0) -> dict:
    key = jax.random.key(seed)
    k1, k2, k3, k4 = jax.random.split(key, 4)
    x = jax.random.normal(k1, (M, D), dtype=jnp.float32)
    batch = jnp.sort(jax.random.randint(k2, (M,), 0, NUM_GRAPHS, dtype=jnp.int32))
    edge = jax.random.randint(k3, (2, E), 0, M, dtype=jnp.int32)
    # nn.Linear(hidden_channels, 1) parameters
    W = jax.random.normal(k4, (1, D), dtype=jnp.float32) * 0.05
    b = jnp.zeros((1,), dtype=jnp.float32)
    return {"x": x, "batch": batch, "edge": edge, "W": W, "b": b}


def _scatter_softmax(vals, seg, num_segments):
    # per-segment softmax along dim 0 (vals: [M, 1], seg: [M])
    m = jax.ops.segment_max(vals, seg, num_segments=num_segments)
    m = jnp.where(jnp.isfinite(m), m, 0.0)
    shifted = vals - m[seg]
    e = jnp.exp(shifted)
    s = jax.ops.segment_sum(e, seg, num_segments=num_segments)
    return e / s[seg]


def reference(x, batch, edge, W, b):
    # imp = self.attention(x)  -> Linear(hidden_channels, 1)
    imp = x @ W.T + b  # [M, 1]
    # degree = torch_geometric.utils.degree(edge[0]).reshape(-1, 1)
    deg = jnp.bincount(edge[0], length=M).astype(jnp.float32).reshape(-1, 1)
    # use_softmax=True branch: scatter_softmax over the graph-batch vector
    imp = _scatter_softmax(imp, batch, NUM_GRAPHS)
    deg = _scatter_softmax(deg, batch, NUM_GRAPHS)  # computed but unused (degree=False)
    out = imp * x
    return out

if __name__ == "__main__":
    import jax
    _d = setup_inputs()
    print(jax.jit(kernel)(*tuple(_d.values())))

</pallas_src>

<mosaic_0001>
#map = affine_map<(d0, d1) -> (0, 0)>
#map1 = affine_map<(d0, d1) -> (0)>
module attributes {stable_mosaic.version = 14 : i64} {
  func.func @_k1_body(%arg0: i32, %arg1: i32, %arg2: memref<10000x128xf32, #tpu.memory_space<hbm>>, %arg3: memref<10240xi32, #tpu.memory_space<hbm>>, %arg4: memref<128xf32, #tpu.memory_space<hbm>>, %arg5: memref<10240xf32, #tpu.memory_space<hbm>>, %arg6: memref<32x64xf32, #tpu.memory_space<hbm>>, %arg7: memref<32x64xf32, #tpu.memory_space<hbm>>, %arg8: memref<16x128xf32, #tpu.memory_space<vmem>>, %arg9: memref<320xi32, #tpu.memory_space<vmem>>, %arg10: memref<128xf32, #tpu.memory_space<vmem>>, %arg11: memref<320xf32, #tpu.memory_space<vmem>>, %arg12: memref<64xf32, #tpu.memory_space<vmem>>, %arg13: memref<64xf32, #tpu.memory_space<vmem>>) attributes {dimension_semantics = [#tpu.dimension_semantics<core_parallel>, #tpu.dimension_semantics<subcore_parallel>], iteration_bounds = array<i64: 2, 16>, scalar_prefetch = 0 : i64, scratch_operands = 6 : i64, tpu.core_type = #tpu.core_type<sc_vector_subcore>, window_params = [{transform_indices = #map}, {transform_indices = #map1}, {transform_indices = #map1}, {transform_indices = #map1}, {transform_indices = #map}, {transform_indices = #map}]} {
    %mul3A = arith.constant 16 : i32
    %mul3A_0 = arith.muli %arg0, %mul3A : i32
    %add3A = arith.addi %mul3A_0, %arg1 : i32
    %mul3A_1 = arith.constant 320 : i32
    %mul3A_2 = arith.muli %add3A, %mul3A_1 : i32
    %sub3A = arith.constant 10000 : i32
    %sub3A_3 = arith.subi %sub3A, %mul3A_2 : i32
    %min3A = arith.constant 320 : i32
    %min3A_4 = arith.minsi %min3A, %sub3A_3 : i32
    %add3A_5 = arith.constant 16 : i32
    %add3A_6 = arith.addi %min3A_4, %add3A_5 : i32
    %sub3A_7 = arith.constant 1 : i32
    %sub3A_8 = arith.subi %add3A_6, %sub3A_7 : i32
    %jit3A = arith.constant 16 : i32
    %div3A = arith.divsi %sub3A_8, %jit3A : i32
    %sign3A = arith.constant 0 : i32
    %sign3A_9 = arith.cmpi sgt, %sub3A_8, %sign3A : i32
    %sign3A_10 = arith.extui %sign3A_9 : i1 to i32
    %sign3A_11 = arith.constant 0 : i32
    %sign3A_12 = arith.cmpi slt, %sub3A_8, %sign3A_11 : i32
    %sign3A_13 = arith.extui %sign3A_12 : i1 to i32
    %sign3A_14 = arith.subi %sign3A_10, %sign3A_13 : i32
    %sign3A_15 = arith.constant 0 : i32
    %sign3A_16 = arith.cmpi sgt, %jit3A, %sign3A_15 : i32
    %sign3A_17 = arith.extui %sign3A_16 : i1 to i32
    %sign3A_18 = arith.constant 0 : i32
    %sign3A_19 = arith.cmpi slt, %jit3A, %sign3A_18 : i32
    %sign3A_20 = arith.extui %sign3A_19 : i1 to i32
    %sign3A_21 = arith.subi %sign3A_17, %sign3A_20 : i32
    %ne3A = arith.cmpi ne, %sign3A_14, %sign3A_21 : i32
    %rem3A = arith.remsi %sub3A_8, %jit3A : i32
    %ne3A_22 = arith.constant 0 : i32
    %ne3A_23 = arith.cmpi ne, %rem3A, %ne3A_22 : i32
    %and3A = arith.andi %ne3A, %ne3A_23 : i1
    %sub3A_24 = arith.constant 1 : i32
    %sub3A_25 = arith.subi %div3A, %sub3A_24 : i32
    %select_n3A = arith.select %and3A, %sub3A_25, %div3A : i32
    "tpu.region"() ({
      %run_scoped3A = tpu.sem_alloc : memref<!tpu.dma_semaphore, #tpu.memory_space<semaphore_mem>>
      tpu.enqueue_dma source(%arg4 : memref<128xf32, #tpu.memory_space<hbm>>) target(%arg10 : memref<128xf32, #tpu.memory_space<vmem>>) target_semaphore(%run_scoped3A : memref<!tpu.dma_semaphore, #tpu.memory_space<semaphore_mem>>)
      tpu.wait_dma2 semaphore(%run_scoped3A : memref<!tpu.dma_semaphore, #tpu.memory_space<semaphore_mem>>) src(%arg4 : memref<128xf32, #tpu.memory_space<hbm>>) dst(%arg10 : memref<128xf32, #tpu.memory_space<vmem>>)
      tpu.yield
    }) : () -> ()
    "tpu.region"() ({
      %run_scoped3A = tpu.sem_alloc : memref<!tpu.dma_semaphore, #tpu.memory_space<semaphore_mem>>
      %dma_start3A = tpu.memref_slice %arg3[%mul3A_2] : memref<10240xi32, #tpu.memory_space<hbm>> -> memref<320xi32, #tpu.memory_space<hbm>>
      %dma_start3A_145 = tpu.memref_slice %arg3[%mul3A_2] : memref<10240xi32, #tpu.memory_space<hbm>> -> memref<320xi32, #tpu.memory_space<hbm>>
      tpu.enqueue_dma source(%dma_start3A_145 : memref<320xi32, #tpu.memory_space<hbm>>) target(%arg9 : memref<320xi32, #tpu.memory_space<vmem>>) target_semaphore(%run_scoped3A : memref<!tpu.dma_semaphore, #tpu.memory_space<semaphore_mem>>)
      %dma_wait3A = tpu.memref_slice %arg3[%mul3A_2] : memref<10240xi32, #tpu.memory_space<hbm>> -> memref<320xi32, #tpu.memory_space<hbm>>
      %dma_wait3A_146 = tpu.memref_slice %arg3[%mul3A_2] : memref<10240xi32, #tpu.memory_space<hbm>> -> memref<320xi32, #tpu.memory_space<hbm>>
      tpu.wait_dma2 semaphore(%run_scoped3A : memref<!tpu.dma_semaphore, #tpu.memory_space<semaphore_mem>>) src(%dma_wait3A_146 : memref<320xi32, #tpu.memory_space<hbm>>) dst(%arg9 : memref<320xi32, #tpu.memory_space<vmem>>)
      tpu.yield
    }) : () -> ()
    %get3A = arith.constant 0 : index
    %get3A_26 = tpu.vector_load %arg10[%get3A] {strides = array<i32>} : memref<128xf32, #tpu.memory_space<vmem>>, vector<16xf32>,
    %get3A_27 = arith.constant 16 : index
    %get3A_28 = tpu.vector_load %arg10[%get3A_27] {strides = array<i32>} : memref<128xf32, #tpu.memory_space<vmem>>, vector<16xf32>,
    %get3A_29 = arith.constant 32 : index
    %get3A_30 = tpu.vector_load %arg10[%get3A_29] {strides = array<i32>} : memref<128xf32, #tpu.memory_space<vmem>>, vector<16xf32>,
    %get3A_31 = arith.constant 48 : index
    %get3A_32 = tpu.vector_load %arg10[%get3A_31] {strides = array<i32>} : memref<128xf32, #tpu.memory_space<vmem>>, vector<16xf32>,
    %get3A_33 = arith.constant 64 : index
    %get3A_34 = tpu.vector_load %arg10[%get3A_33] {strides = array<i32>} : memref<128xf32, #tpu.memory_space<vmem>>, vector<16xf32>,
    %get3A_35 = arith.constant 80 : index
    %get3A_36 = tpu.vector_load %arg10[%get3A_35] {strides = array<i32>} : memref<128xf32, #tpu.memory_space<vmem>>, vector<16xf32>,
    %get3A_37 = arith.constant 96 : index
    %get3A_38 = tpu.vector_load %arg10[%get3A_37] {strides = array<i32>} : memref<128xf32, #tpu.memory_space<vmem>>, vector<16xf32>,
    %get3A_39 = arith.constant 112 : index
    %get3A_40 = tpu.vector_load %arg10[%get3A_39] {strides = array<i32>} : memref<128xf32, #tpu.memory_space<vmem>>, vector<16xf32>,
    %broadcast_in_dim3A = arith.constant -1.000000e+30 : f32
    %broadcast_in_dim3A_41 = vector.broadcast %broadcast_in_dim3A : f32 to vector<16xf32>
    %swap3A = arith.constant 0 : index
    %swap3A_42 = tpu.vector_load %arg11[%swap3A] {strides = array<i32>} : memref<320xf32, #tpu.memory_space<vmem>>, vector<16xf32>,
    tpu.vector_store %arg11[%swap3A], %broadcast_in_dim3A_41 {strides = array<i32>} : memref<320xf32, #tpu.memory_space<vmem>>, vector<16xf32>,
    %swap3A_43 = arith.constant 16 : index
    %swap3A_44 = tpu.vector_load %arg11[%swap3A_43] {strides = array<i32>} : memref<320xf32, #tpu.memory_space<vmem>>, vector<16xf32>,
    tpu.vector_store %arg11[%swap3A_43], %broadcast_in_dim3A_41 {strides = array<i32>} : memref<320xf32, #tpu.memory_space<vmem>>, vector<16xf32>,
    %swap3A_45 = arith.constant 32 : index
    %swap3A_46 = tpu.vector_load %arg11[%swap3A_45] {strides = array<i32>} : memref<320xf32, #tpu.memory_space<vmem>>, vector<16xf32>,
    tpu.vector_store %arg11[%swap3A_45], %broadcast_in_dim3A_41 {strides = array<i32>} : memref<320xf32, #tpu.memory_space<vmem>>, vector<16xf32>,
    %swap3A_47 = arith.constant 48 : index
    %swap3A_48 = tpu.vector_load %arg11[%swap3A_47] {strides = array<i32>} : memref<320xf32, #tpu.memory_space<vmem>>, vector<16xf32>,
    tpu.vector_store %arg11[%swap3A_47], %broadcast_in_dim3A_41 {strides = array<i32>} : memref<320xf32, #tpu.memory_space<vmem>>, vector<16xf32>,
    %swap3A_49 = arith.constant 64 : index
    %swap3A_50 = tpu.vector_load %arg11[%swap3A_49] {strides = array<i32>} : memref<320xf32, #tpu.memory_space<vmem>>, vector<16xf32>,
    tpu.vector_store %arg11[%swap3A_49], %broadcast_in_dim3A_41 {strides = array<i32>} : memref<320xf32, #tpu.memory_space<vmem>>, vector<16xf32>,
    %swap3A_51 = arith.constant 80 : index
    %swap3A_52 = tpu.vector_load %arg11[%swap3A_51] {strides = array<i32>} : memref<320xf32, #tpu.memory_space<vmem>>, vector<16xf32>,
    tpu.vector_store %arg11[%swap3A_51], %broadcast_in_dim3A_41 {strides = array<i32>} : memref<320xf32, #tpu.memory_space<vmem>>, vector<16xf32>,
    %swap3A_53 = arith.constant 96 : index
    %swap3A_54 = tpu.vector_load %arg11[%swap3A_53] {strides = array<i32>} : memref<320xf32, #tpu.memory_space<vmem>>, vector<16xf32>,
    tpu.vector_store %arg11[%swap3A_53], %broadcast_in_dim3A_41 {strides = array<i32>} : memref<320xf32, #tpu.memory_space<vmem>>, vector<16xf32>,
    %swap3A_55 = arith.constant 112 : index
    %swap3A_56 = tpu.vector_load %arg11[%swap3A_55] {strides = array<i32>} : memref<320xf32, #tpu.memory_space<vmem>>, vector<16xf32>,
    tpu.vector_store %arg11[%swap3A_55], %broadcast_in_dim3A_41 {strides = array<i32>} : memref<320xf32, #tpu.memory_space<vmem>>, vector<16xf32>,
    %swap3A_57 = arith.constant 128 : index
    %swap3A_58 = tpu.vector_load %arg11[%swap3A_57] {strides = array<i32>} : memref<320xf32, #tpu.memory_space<vmem>>, vector<16xf32>,
    tpu.vector_store %arg11[%swap3A_57], %broadcast_in_dim3A_41 {strides = array<i32>} : memref<320xf32, #tpu.memory_space<vmem>>, vector<16xf32>,
    %swap3A_59 = arith.constant 144 : index
    %swap3A_60 = tpu.vector_load %arg11[%swap3A_59] {strides = array<i32>} : memref<320xf32, #tpu.memory_space<vmem>>, vector<16xf32>,
    tpu.vector_store %arg11[%swap3A_59], %broadcast_in_dim3A_41 {strides = array<i32>} : memref<320xf32, #tpu.memory_space<vmem>>, vector<16xf32>,
    %swap3A_61 = arith.constant 160 : index
    %swap3A_62 = tpu.vector_load %arg11[%swap3A_61] {strides = array<i32>} : memref<320xf32, #tpu.memory_space<vmem>>, vector<16xf32>,
    tpu.vector_store %arg11[%swap3A_61], %broadcast_in_dim3A_41 {strides = array<i32>} : memref<320xf32, #tpu.memory_space<vmem>>, vector<16xf32>,
    %swap3A_63 = arith.constant 176 : index
    %swap3A_64 = tpu.vector_load %arg11[%swap3A_63] {strides = array<i32>} : memref<320xf32, #tpu.memory_space<vmem>>, vector<16xf32>,
    tpu.vector_store %arg11[%swap3A_63], %broadcast_in_dim3A_41 {strides = array<i32>} : memref<320xf32, #tpu.memory_space<vmem>>, vector<16xf32>,
    %swap3A_65 = arith.constant 192 : index
    %swap3A_66 = tpu.vector_load %arg11[%swap3A_65] {strides = array<i32>} : memref<320xf32, #tpu.memory_space<vmem>>, vector<16xf32>,
    tpu.vector_store %arg11[%swap3A_65], %broadcast_in_dim3A_41 {strides = array<i32>} : memref<320xf32, #tpu.memory_space<vmem>>, vector<16xf32>,
    %swap3A_67 = arith.constant 208 : index
    %swap3A_68 = tpu.vector_load %arg11[%swap3A_67] {strides = array<i32>} : memref<320xf32, #tpu.memory_space<vmem>>, vector<16xf32>,
    tpu.vector_store %arg11[%swap3A_67], %broadcast_in_dim3A_41 {strides = array<i32>} : memref<320xf32, #tpu.memory_space<vmem>>, vector<16xf32>,
    %swap3A_69 = arith.constant 224 : index
    %swap3A_70 = tpu.vector_load %arg11[%swap3A_69] {strides = array<i32>} : memref<320xf32, #tpu.memory_space<vmem>>, vector<16xf32>,
    tpu.vector_store %arg11[%swap3A_69], %broadcast_in_dim3A_41 {strides = array<i32>} : memref<320xf32, #tpu.memory_space<vmem>>, vector<16xf32>,
    %swap3A_71 = arith.constant 240 : index
    %swap3A_72 = tpu.vector_load %arg11[%swap3A_71] {strides = array<i32>} : memref<320xf32, #tpu.memory_space<vmem>>, vector<16xf32>,
    tpu.vector_store %arg11[%swap3A_71], %broadcast_in_dim3A_41 {strides = array<i32>} : memref<320xf32, #tpu.memory_space<vmem>>, vector<16xf32>,
    %swap3A_73 = arith.constant 256 : index
    %swap3A_74 = tpu.vector_load %arg11[%swap3A_73] {strides = array<i32>} : memref<320xf32, #tpu.memory_space<vmem>>, vector<16xf32>,
    tpu.vector_store %arg11[%swap3A_73], %broadcast_in_dim3A_41 {strides = array<i32>} : memref<320xf32, #tpu.memory_space<vmem>>, vector<16xf32>,
    %swap3A_75 = arith.constant 272 : index
    %swap3A_76 = tpu.vector_load %arg11[%swap3A_75] {strides = array<i32>} : memref<320xf32, #tpu.memory_space<vmem>>, vector<16xf32>,
    tpu.vector_store %arg11[%swap3A_75], %broadcast_in_dim3A_41 {strides = array<i32>} : memref<320xf32, #tpu.memory_space<vmem>>, vector<16xf32>,
    %swap3A_77 = arith.constant 288 : index
    %swap3A_78 = tpu.vector_load %arg11[%swap3A_77] {strides = array<i32>} : memref<320xf32, #tpu.memory_space<vmem>>, vector<16xf32>,
    tpu.vector_store %arg11[%swap3A_77], %broadcast_in_dim3A_41 {strides = array<i32>} : memref<320xf32, #tpu.memory_space<vmem>>, vector<16xf32>,
    %swap3A_79 = arith.constant 304 : index
    %swap3A_80 = tpu.vector_load %arg11[%swap3A_79] {strides = array<i32>} : memref<320xf32, #tpu.memory_space<vmem>>, vector<16xf32>,
    tpu.vector_store %arg11[%swap3A_79], %broadcast_in_dim3A_41 {strides = array<i32>} : memref<320xf32, #tpu.memory_space<vmem>>, vector<16xf32>,
    %iota3A = tpu.iota {dimensions = array<i32: 0>} : vector<16xi32>
    %while3A = arith.constant 0 : i32
    %while3A_81 = arith.constant 0 : i32
    %while3A_82 = arith.subi %select_n3A, %while3A : i32
    %while3A_83 = arith.addi %while3A, %while3A_82 : i32
    %while3A_84 = arith.constant 1 : i32
    %while3A_85 = arith.divsi %while3A_82, %while3A_84 : i32
    %while3A_86 = arith.muli %while3A_85, %while3A_84 : i32
    %while3A_87 = arith.addi %while3A, %while3A_86 : i32
    %while3A_88 = arith.constant 1 : i32
    %while3A_89 = scf.for %while3A_145 = %while3A to %while3A_87 step %while3A_88 iter_args(%while3A_146 = %while3A_81) -> (i32)  : i32 {
      %mul3A_147 = arith.constant 16 : i32
      %mul3A_148 = arith.muli %while3A_145, %mul3A_147 : i32
      %add3A_149 = arith.addi %mul3A_2, %mul3A_148 : i32
      "tpu.region"() ({
        %run_scoped3A = tpu.sem_alloc : memref<!tpu.dma_semaphore, #tpu.memory_space<semaphore_mem>>
        %dma_start3A = arith.constant 0 : i32
        %dma_start3A_160 = tpu.memref_slice %arg2[%add3A_149, %dma_start3A] : memref<10000x128xf32, #tpu.memory_space<hbm>> -> memref<16x128xf32, #tpu.memory_space<hbm>>
        %dma_start3A_161 = arith.constant 0 : i32
        %dma_start3A_162 = tpu.memref_slice %arg2[%add3A_149, %dma_start3A_161] : memref<10000x128xf32, #tpu.memory_space<hbm>> -> memref<16x128xf32, #tpu.memory_space<hbm>>
        tpu.enqueue_dma source(%dma_start3A_162 : memref<16x128xf32, #tpu.memory_space<hbm>>) target(%arg8 : memref<16x128xf32, #tpu.memory_space<vmem>>) target_semaphore(%run_scoped3A : memref<!tpu.dma_semaphore, #tpu.memory_space<semaphore_mem>>)
        %dma_wait3A = arith.constant 0 : i32
        %dma_wait3A_163 = tpu.memref_slice %arg2[%add3A_149, %dma_wait3A] : memref<10000x128xf32, #tpu.memory_space<hbm>> -> memref<16x128xf32, #tpu.memory_space<hbm>>
        %dma_wait3A_164 = arith.constant 0 : i32
        %dma_wait3A_165 = tpu.memref_slice %arg2[%add3A_149, %dma_wait3A_164] : memref<10000x128xf32, #tpu.memory_space<hbm>> -> memref<16x128xf32, #tpu.memory_space<hbm>>
        tpu.wait_dma2 semaphore(%run_scoped3A : memref<!tpu.dma_semaphore, #tpu.memory_space<semaphore_mem>>) src(%dma_wait3A_165 : memref<16x128xf32, #tpu.memory_space<hbm>>) dst(%arg8 : memref<16x128xf32, #tpu.memory_space<vmem>>)
        tpu.yield
      }) : () -> ()
      %scan3A = arith.constant 0 : i32
      %scan3A_150 = arith.constant 16 : i32
      %scan3A_151 = arith.addi %scan3A, %scan3A_150 : i32
      %scan3A_152 = arith.constant 1 : i32
      %scan3A_153 = scf.for %scan3A_160 = %scan3A to %scan3A_151 step %scan3A_152 iter_args(%scan3A_161 = %broadcast_in_dim3A_41) -> (vector<16xf32>)  : i32 {
        %get3A_162 = arith.index_cast %scan3A_160 : i32 to index
        %get3A_163 = arith.constant 0 : index
        %get3A_164 = tpu.vector_load %arg8[%get3A_162, %get3A_163] {strides = array<i32>} : memref<16x128xf32, #tpu.memory_space<vmem>>, vector<16xf32>,
        %mul3A_165 = arith.mulf %get3A_164, %get3A_26 : vector<16xf32>
        %get3A_166 = arith.index_cast %scan3A_160 : i32 to index
        %get3A_167 = arith.constant 16 : index
        %get3A_168 = tpu.vector_load %arg8[%get3A_166, %get3A_167] {strides = array<i32>} : memref<16x128xf32, #tpu.memory_space<vmem>>, vector<16xf32>,
        %mul3A_169 = arith.mulf %get3A_168, %get3A_28 : vector<16xf32>
        %add3A_170 = arith.addf %mul3A_165, %mul3A_169 : vector<16xf32>
        %get3A_171 = arith.index_cast %scan3A_160 : i32 to index
        %get3A_172 = arith.constant 32 : index
        %get3A_173 = tpu.vector_load %arg8[%get3A_171, %get3A_172] {strides = array<i32>} : memref<16x128xf32, #tpu.memory_space<vmem>>, vector<16xf32>,
        %mul3A_174 = arith.mulf %get3A_173, %get3A_30 : vector<16xf32>
        %add3A_175 = arith.addf %add3A_170, %mul3A_174 : vector<16xf32>
        %get3A_176 = arith.index_cast %scan3A_160 : i32 to index
        %get3A_177 = arith.constant 48 : index
        %get3A_178 = tpu.vector_load %arg8[%get3A_176, %get3A_177] {strides = array<i32>} : memref<16x128xf32, #tpu.memory_space<vmem>>, vector<16xf32>,
        %mul3A_179 = arith.mulf %get3A_178, %get3A_32 : vector<16xf32>
        %add3A_180 = arith.addf %add3A_175, %mul3A_179 : vector<16xf32>
        %get3A_181 = arith.index_cast %scan3A_160 : i32 to index
        %get3A_182 = arith.constant 64 : index
        %get3A_183 = tpu.vector_load %arg8[%get3A_181, %get3A_182] {strides = array<i32>} : memref<16x128xf32, #tpu.memory_space<vmem>>, vector<16xf32>,
        %mul3A_184 = arith.mulf %get3A_183, %get3A_34 : vector<16xf32>
        %add3A_185 = arith.addf %add3A_180, %mul3A_184 : vector<16xf32>
        %get3A_186 = arith.index_cast %scan3A_160 : i32 to index
        %get3A_187 = arith.constant 80 : index
        %get3A_188 = tpu.vector_load %arg8[%get3A_186, %get3A_187] {strides = array<i32>} : memref<16x128xf32, #tpu.memory_space<vmem>>, vector<16xf32>,
        %mul3A_189 = arith.mulf %get3A_188, %get3A_36 : vector<16xf32>
        %add3A_190 = arith.addf %add3A_185, %mul3A_189 : vector<16xf32>
        %get3A_191 = arith.index_cast %scan3A_160 : i32 to index
        %get3A_192 = arith.constant 96 : index
        %get3A_193 = tpu.vector_load %arg8[%get3A_191, %get3A_192] {strides = array<i32>} : memref<16x128xf32, #tpu.memory_space<vmem>>, vector<16xf32>,
        %mul3A_194 = arith.mulf %get3A_193, %get3A_38 : vector<16xf32>
        %add3A_195 = arith.addf %add3A_190, %mul3A_194 : vector<16xf32>
        %get3A_196 = arith.index_cast %scan3A_160 : i32 to index
        %get3A_197 = arith.constant 112 : index
        %get3A_198 = tpu.vector_load %arg8[%get3A_196, %get3A_197] {strides = array<i32>} : memref<16x128xf32, #tpu.memory_space<vmem>>, vector<16xf32>,
        %mul3A_199 = arith.mulf %get3A_198, %get3A_40 : vector<16xf32>
        %add3A_200 = arith.addf %add3A_195, %mul3A_199 : vector<16xf32>
        %reduce_sum3A = arith.constant true
        %reduce_sum3A_201 = vector.broadcast %reduce_sum3A : i1 to vector<16xi1>
        %reduce_sum3A_202 = tpu.scan <sum>, %add3A_200 masked %reduce_sum3A_201 : vector<16xf32>, vector<16xi1> -> vector<16xf32>
        %reduce_sum3A_203 = vector.extract %reduce_sum3A_202[15] : f32 from vector<16xf32>
        %eq3A = vector.broadcast %scan3A_160 : i32 to vector<16xi32>
        %eq3A_204 = arith.cmpi eq, %iota3A, %eq3A : vector<16xi32>
        %broadcast_in_dim3A_205 = vector.broadcast %reduce_sum3A_203 : f32 to vector<16xf32>
        %select_n3A_206 = arith.select %eq3A_204, %broadcast_in_dim3A_205, %scan3A_161 : vector<16xi1>, vector<16xf32>
        scf.yield %select_n3A_206 : vector<16xf32>
      }
      %scan3A_154 = arith.constant 16 : i32
      %mul3A_155 = arith.constant 16 : i32
      %mul3A_156 = arith.muli %while3A_145, %mul3A_155 : i32
      %swap3A_157 = arith.index_cast %mul3A_156 : i32 to index
      %swap3A_158 = tpu.vector_load %arg11[%swap3A_157] {strides = array<i32>} : memref<320xf32, #tpu.memory_space<vmem>>, vector<16xf32>,
      tpu.vector_store %arg11[%swap3A_157], %scan3A_153 {strides = array<i32>} : memref<320xf32, #tpu.memory_space<vmem>>, vector<16xf32>,
      %while3A_159 = arith.constant 0 : i32
      scf.yield %while3A_159 : i32
    }
    %while3A_90 = arith.constant 1 : i32
    %while3A_91 = scf.for %while3A_145 = %while3A_87 to %while3A_83 step %while3A_90 iter_args(%while3A_146 = %while3A_89) -> (i32)  : i32 {
      %mul3A_147 = arith.constant 16 : i32
      %mul3A_148 = arith.muli %while3A_145, %mul3A_147 : i32
      %add3A_149 = arith.addi %mul3A_2, %mul3A_148 : i32
      "tpu.region"() ({
        %run_scoped3A = tpu.sem_alloc : memref<!tpu.dma_semaphore, #tpu.memory_space<semaphore_mem>>
        %dma_start3A = arith.constant 0 : i32
        %dma_start3A_160 = tpu.memref_slice %arg2[%add3A_149, %dma_start3A] : memref<10000x128xf32, #tpu.memory_space<hbm>> -> memref<16x128xf32, #tpu.memory_space<hbm>>
        %dma_start3A_161 = arith.constant 0 : i32
        %dma_start3A_162 = tpu.memref_slice %arg2[%add3A_149, %dma_start3A_161] : memref<10000x128xf32, #tpu.memory_space<hbm>> -> memref<16x128xf32, #tpu.memory_space<hbm>>
        tpu.enqueue_dma source(%dma_start3A_162 : memref<16x128xf32, #tpu.memory_space<hbm>>) target(%arg8 : memref<16x128xf32, #tpu.memory_space<vmem>>) target_semaphore(%run_scoped3A : memref<!tpu.dma_semaphore, #tpu.memory_space<semaphore_mem>>)
        %dma_wait3A = arith.constant 0 : i32
        %dma_wait3A_163 = tpu.memref_slice %arg2[%add3A_149, %dma_wait3A] : memref<10000x128xf32, #tpu.memory_space<hbm>> -> memref<16x128xf32, #tpu.memory_space<hbm>>
        %dma_wait3A_164 = arith.constant 0 : i32
        %dma_wait3A_165 = tpu.memref_slice %arg2[%add3A_149, %dma_wait3A_164] : memref<10000x128xf32, #tpu.memory_space<hbm>> -> memref<16x128xf32, #tpu.memory_space<hbm>>
        tpu.wait_dma2 semaphore(%run_scoped3A : memref<!tpu.dma_semaphore, #tpu.memory_space<semaphore_mem>>) src(%dma_wait3A_165 : memref<16x128xf32, #tpu.memory_space<hbm>>) dst(%arg8 : memref<16x128xf32, #tpu.memory_space<vmem>>)
        tpu.yield
      }) : () -> ()
      %scan3A = arith.constant 0 : i32
      %scan3A_150 = arith.constant 16 : i32
      %scan3A_151 = arith.addi %scan3A, %scan3A_150 : i32
      %scan3A_152 = arith.constant 1 : i32
      %scan3A_153 = scf.for %scan3A_160 = %scan3A to %scan3A_151 step %scan3A_152 iter_args(%scan3A_161 = %broadcast_in_dim3A_41) -> (vector<16xf32>)  : i32 {
        %get3A_162 = arith.index_cast %scan3A_160 : i32 to index
        %get3A_163 = arith.constant 0 : index
        %get3A_164 = tpu.vector_load %arg8[%get3A_162, %get3A_163] {strides = array<i32>} : memref<16x128xf32, #tpu.memory_space<vmem>>, vector<16xf32>,
        %mul3A_165 = arith.mulf %get3A_164, %get3A_26 : vector<16xf32>
        %get3A_166 = arith.index_cast %scan3A_160 : i32 to index
        %get3A_167 = arith.constant 16 : index
        %get3A_168 = tpu.vector_load %arg8[%get3A_166, %get3A_167] {strides = array<i32>} : memref<16x128xf32, #tpu.memory_space<vmem>>, vector<16xf32>,
        %mul3A_169 = arith.mulf %get3A_168, %get3A_28 : vector<16xf32>
        %add3A_170 = arith.addf %mul3A_165, %mul3A_169 : vector<16xf32>
        %get3A_171 = arith.index_cast %scan3A_160 : i32 to index
        %get3A_172 = arith.constant 32 : index
        %get3A_173 = tpu.vector_load %arg8[%get3A_171, %get3A_172] {strides = array<i32>} : memref<16x128xf32, #tpu.memory_space<vmem>>, vector<16xf32>,
        %mul3A_174 = arith.mulf %get3A_173, %get3A_30 : vector<16xf32>
        %add3A_175 = arith.addf %add3A_170, %mul3A_174 : vector<16xf32>
        %get3A_176 = arith.index_cast %scan3A_160 : i32 to index
        %get3A_177 = arith.constant 48 : index
        %get3A_178 = tpu.vector_load %arg8[%get3A_176, %get3A_177] {strides = array<i32>} : memref<16x128xf32, #tpu.memory_space<vmem>>, vector<16xf32>,
        %mul3A_179 = arith.mulf %get3A_178, %get3A_32 : vector<16xf32>
        %add3A_180 = arith.addf %add3A_175, %mul3A_179 : vector<16xf32>
        %get3A_181 = arith.index_cast %scan3A_160 : i32 to index
        %get3A_182 = arith.constant 64 : index
        %get3A_183 = tpu.vector_load %arg8[%get3A_181, %get3A_182] {strides = array<i32>} : memref<16x128xf32, #tpu.memory_space<vmem>>, vector<16xf32>,
        %mul3A_184 = arith.mulf %get3A_183, %get3A_34 : vector<16xf32>
        %add3A_185 = arith.addf %add3A_180, %mul3A_184 : vector<16xf32>
        %get3A_186 = arith.index_cast %scan3A_160 : i32 to index
        %get3A_187 = arith.constant 80 : index
        %get3A_188 = tpu.vector_load %arg8[%get3A_186, %get3A_187] {strides = array<i32>} : memref<16x128xf32, #tpu.memory_space<vmem>>, vector<16xf32>,
        %mul3A_189 = arith.mulf %get3A_188, %get3A_36 : vector<16xf32>
        %add3A_190 = arith.addf %add3A_185, %mul3A_189 : vector<16xf32>
        %get3A_191 = arith.index_cast %scan3A_160 : i32 to index
        %get3A_192 = arith.constant 96 : index
        %get3A_193 = tpu.vector_load %arg8[%get3A_191, %get3A_192] {strides = array<i32>} : memref<16x128xf32, #tpu.memory_space<vmem>>, vector<16xf32>,
        %mul3A_194 = arith.mulf %get3A_193, %get3A_38 : vector<16xf32>
        %add3A_195 = arith.addf %add3A_190, %mul3A_194 : vector<16xf32>
        %get3A_196 = arith.index_cast %scan3A_160 : i32 to index
        %get3A_197 = arith.constant 112 : index
        %get3A_198 = tpu.vector_load %arg8[%get3A_196, %get3A_197] {strides = array<i32>} : memref<16x128xf32, #tpu.memory_space<vmem>>, vector<16xf32>,
        %mul3A_199 = arith.mulf %get3A_198, %get3A_40 : vector<16xf32>
        %add3A_200 = arith.addf %add3A_195, %mul3A_199 : vector<16xf32>
        %reduce_sum3A = arith.constant true
        %reduce_sum3A_201 = vector.broadcast %reduce_sum3A : i1 to vector<16xi1>
        %reduce_sum3A_202 = tpu.scan <sum>, %add3A_200 masked %reduce_sum3A_201 : vector<16xf32>, vector<16xi1> -> vector<16xf32>
        %reduce_sum3A_203 = vector.extract %reduce_sum3A_202[15] : f32 from vector<16xf32>
        %eq3A = vector.broadcast %scan3A_160 : i32 to vector<16xi32>
        %eq3A_204 = arith.cmpi eq, %iota3A, %eq3A : vector<16xi32>
        %broadcast_in_dim3A_205 = vector.broadcast %reduce_sum3A_203 : f32 to vector<16xf32>
        %select_n3A_206 = arith.select %eq3A_204, %broadcast_in_dim3A_205, %scan3A_161 : vector<16xi1>, vector<16xf32>
        scf.yield %select_n3A_206 : vector<16xf32>
      }
      %scan3A_154 = arith.constant 16 : i32
      %mul3A_155 = arith.constant 16 : i32
      %mul3A_156 = arith.muli %while3A_145, %mul3A_155 : i32
      %swap3A_157 = arith.index_cast %mul3A_156 : i32 to index
      %swap3A_158 = tpu.vector_load %arg11[%swap3A_157] {strides = array<i32>} : memref<320xf32, #tpu.memory_space<vmem>>, vector<16xf32>,
      tpu.vector_store %arg11[%swap3A_157], %scan3A_153 {strides = array<i32>} : memref<320xf32, #tpu.memory_space<vmem>>, vector<16xf32>,
      %while3A_159 = arith.constant 0 : i32
      scf.yield %while3A_159 : i32
    }
    %broadcast_in_dim3A_92 = arith.constant 0.000000e+00 : f32
    %broadcast_in_dim3A_93 = vector.broadcast %broadcast_in_dim3A_92 : f32 to vector<16xf32>
    %swap3A_94 = arith.constant 0 : index
    %swap3A_95 = tpu.vector_load %arg12[%swap3A_94] {strides = array<i32>} : memref<64xf32, #tpu.memory_space<vmem>>, vector<16xf32>,
    tpu.vector_store %arg12[%swap3A_94], %broadcast_in_dim3A_41 {strides = array<i32>} : memref<64xf32, #tpu.memory_space<vmem>>, vector<16xf32>,
    %swap3A_96 = arith.constant 0 : index
    %swap3A_97 = tpu.vector_load %arg13[%swap3A_96] {strides = array<i32>} : memref<64xf32, #tpu.memory_space<vmem>>, vector<16xf32>,
    tpu.vector_store %arg13[%swap3A_96], %broadcast_in_dim3A_93 {strides = array<i32>} : memref<64xf32, #tpu.memory_space<vmem>>, vector<16xf32>,
    %swap3A_98 = arith.constant 16 : index
    %swap3A_99 = tpu.vector_load %arg12[%swap3A_98] {strides = array<i32>} : memref<64xf32, #tpu.memory_space<vmem>>, vector<16xf32>,
    tpu.vector_store %arg12[%swap3A_98], %broadcast_in_dim3A_41 {strides = array<i32>} : memref<64xf32, #tpu.memory_space<vmem>>, vector<16xf32>,
    %swap3A_100 = arith.constant 16 : index
    %swap3A_101 = tpu.vector_load %arg13[%swap3A_100] {strides = array<i32>} : memref<64xf32, #tpu.memory_space<vmem>>, vector<16xf32>,
    tpu.vector_store %arg13[%swap3A_100], %broadcast_in_dim3A_93 {strides = array<i32>} : memref<64xf32, #tpu.memory_space<vmem>>, vector<16xf32>,
    %swap3A_102 = arith.constant 32 : index
    %swap3A_103 = tpu.vector_load %arg12[%swap3A_102] {strides = array<i32>} : memref<64xf32, #tpu.memory_space<vmem>>, vector<16xf32>,
    tpu.vector_store %arg12[%swap3A_102], %broadcast_in_dim3A_41 {strides = array<i32>} : memref<64xf32, #tpu.memory_space<vmem>>, vector<16xf32>,
    %swap3A_104 = arith.constant 32 : index
    %swap3A_105 = tpu.vector_load %arg13[%swap3A_104] {strides = array<i32>} : memref<64xf32, #tpu.memory_space<vmem>>, vector<16xf32>,
    tpu.vector_store %arg13[%swap3A_104], %broadcast_in_dim3A_93 {strides = array<i32>} : memref<64xf32, #tpu.memory_space<vmem>>, vector<16xf32>,
    %swap3A_106 = arith.constant 48 : index
    %swap3A_107 = tpu.vector_load %arg12[%swap3A_106] {strides = array<i32>} : memref<64xf32, #tpu.memory_space<vmem>>, vector<16xf32>,
    tpu.vector_store %arg12[%swap3A_106], %broadcast_in_dim3A_41 {strides = array<i32>} : memref<64xf32, #tpu.memory_space<vmem>>, vector<16xf32>,
    %swap3A_108 = arith.constant 48 : index
    %swap3A_109 = tpu.vector_load %arg13[%swap3A_108] {strides = array<i32>} : memref<64xf32, #tpu.memory_space<vmem>>, vector<16xf32>,
    tpu.vector_store %arg13[%swap3A_108], %broadcast_in_dim3A_93 {strides = array<i32>} : memref<64xf32, #tpu.memory_space<vmem>>, vector<16xf32>,
    %get3A_110 = arith.constant 0 : index
    %get3A_111 = tpu.vector_load %arg9[%get3A_110] {strides = array<i32>} : memref<320xi32, #tpu.memory_space<vmem>>, vector<16xi32>,
    %reduce_min3A = arith.constant true
    %reduce_min3A_112 = vector.broadcast %reduce_min3A : i1 to vector<16xi1>
    %reduce_min3A_113 = arith.constant -2147483648 : i32
    %reduce_min3A_114 = vector.broadcast %reduce_min3A_113 : i32 to vector<16xi32>
    %reduce_min3A_115 = arith.xori %get3A_111, %reduce_min3A_114 : vector<16xi32>
    %reduce_min3A_116 = tpu.scan <min>, %reduce_min3A_115 masked %reduce_min3A_112 : vector<16xi32>, vector<16xi1> -> vector<16xi32>
    %reduce_min3A_117 = arith.xori %reduce_min3A_116, %reduce_min3A_114 : vector<16xi32>
    %reduce_min3A_118 = vector.extract %reduce_min3A_117[15] : i32 from vector<16xi32>
    %sub3A_119 = arith.constant 1 : i32
    %sub3A_120 = arith.subi %select_n3A, %sub3A_119 : i32
    %mul3A_121 = arith.constant 16 : i32
    %mul3A_122 = arith.muli %sub3A_120, %mul3A_121 : i32
    %get3A_123 = arith.index_cast %mul3A_122 : i32 to index
    %get3A_124 = tpu.vector_load %arg9[%get3A_123] {strides = array<i32>} : memref<320xi32, #tpu.memory_space<vmem>>, vector<16xi32>,
    %reduce_max3A = arith.constant true
    %reduce_max3A_125 = vector.broadcast %reduce_max3A : i1 to vector<16xi1>
    %reduce_max3A_126 = arith.constant -2147483648 : i32
    %reduce_max3A_127 = vector.broadcast %reduce_max3A_126 : i32 to vector<16xi32>
    %reduce_max3A_128 = arith.xori %get3A_124, %reduce_max3A_127 : vector<16xi32>
    %reduce_max3A_129 = tpu.scan <max>, %reduce_max3A_128 masked %reduce_max3A_125 : vector<16xi32>, vector<16xi1> -> vector<16xi32>
    %reduce_max3A_130 = arith.xori %reduce_max3A_129, %reduce_max3A_127 : vector<16xi32>
    %reduce_max3A_131 = vector.extract %reduce_max3A_130[15] : i32 from vector<16xi32>
    %add3A_132 = arith.constant 1 : i32
    %add3A_133 = arith.addi %reduce_max3A_131, %add3A_132 : i32
    %while3A_134 = arith.constant 0 : i32
    %while3A_135 = arith.subi %add3A_133, %reduce_min3A_118 : i32
    %while3A_136 = arith.addi %reduce_min3A_118, %while3A_135 : i32
    %while3A_137 = arith.constant 1 : i32
    %while3A_138 = arith.divsi %while3A_135, %while3A_137 : i32
    %while3A_139 = arith.muli %while3A_138, %while3A_137 : i32
    %while3A_140 = arith.addi %reduce_min3A_118, %while3A_139 : i32
    %while3A_141 = arith.constant 1 : i32
    %while3A_142 = scf.for %while3A_145 = %reduce_min3A_118 to %while3A_140 step %while3A_141 iter_args(%while3A_146 = %while3A_134) -> (i32)  : i32 {
      %get3A_147 = arith.constant 0 : index
      %get3A_148 = tpu.vector_load %arg9[%get3A_147] {strides = array<i32>} : memref<320xi32, #tpu.memory_space<vmem>>, vector<16xi32>,
      %eq3A = vector.broadcast %while3A_145 : i32 to vector<16xi32>
      %eq3A_149 = arith.cmpi eq, %get3A_148, %eq3A : vector<16xi32>
      %get3A_150 = arith.constant 0 : index
      %get3A_151 = tpu.vector_load %arg11[%get3A_150] {strides = array<i32>} : memref<320xf32, #tpu.memory_space<vmem>>, vector<16xf32>,
      %jit3A_152 = arith.constant -1.000000e+30 : f32
      %broadcast_in_dim3A_153 = vector.broadcast %jit3A_152 : f32 to vector<16xf32>
      %select_n3A_154 = arith.select %eq3A_149, %get3A_151, %broadcast_in_dim3A_153 : vector<16xi1>, vector<16xf32>
      %max3A = arith.maximumf %broadcast_in_dim3A_41, %select_n3A_154 : vector<16xf32>
      %get3A_155 = arith.constant 16 : index
      %get3A_156 = tpu.vector_load %arg9[%get3A_155] {strides = array<i32>} : memref<320xi32, #tpu.memory_space<vmem>>, vector<16xi32>,
      %eq3A_157 = vector.broadcast %while3A_145 : i32 to vector<16xi32>
      %eq3A_158 = arith.cmpi eq, %get3A_156, %eq3A_157 : vector<16xi32>
      %get3A_159 = arith.constant 16 : index
      %get3A_160 = tpu.vector_load %arg11[%get3A_159] {strides = array<i32>} : memref<320xf32, #tpu.memory_space<vmem>>, vector<16xf32>,
      %jit3A_161 = arith.constant -1.000000e+30 : f32
      %broadcast_in_dim3A_162 = vector.broadcast %jit3A_161 : f32 to vector<16xf32>
      %select_n3A_163 = arith.select %eq3A_158, %get3A_160, %broadcast_in_dim3A_162 : vector<16xi1>, vector<16xf32>
      %max3A_164 = arith.maximumf %max3A, %select_n3A_163 : vector<16xf32>
      %get3A_165 = arith.constant 32 : index
      %get3A_166 = tpu.vector_load %arg9[%get3A_165] {strides = array<i32>} : memref<320xi32, #tpu.memory_space<vmem>>, vector<16xi32>,
      %eq3A_167 = vector.broadcast %while3A_145 : i32 to vector<16xi32>
      %eq3A_168 = arith.cmpi eq, %get3A_166, %eq3A_167 : vector<16xi32>
      %get3A_169 = arith.constant 32 : index
      %get3A_170 = tpu.vector_load %arg11[%get3A_169] {strides = array<i32>} : memref<320xf32, #tpu.memory_space<vmem>>, vector<16xf32>,
      %jit3A_171 = arith.constant -1.000000e+30 : f32
      %broadcast_in_dim3A_172 = vector.broadcast %jit3A_171 : f32 to vector<16xf32>
      %select_n3A_173 = arith.select %eq3A_168, %get3A_170, %broadcast_in_dim3A_172 : vector<16xi1>, vector<16xf32>
      %max3A_174 = arith.maximumf %max3A_164, %select_n3A_173 : vector<16xf32>
      %get3A_175 = arith.constant 48 : index
      %get3A_176 = tpu.vector_load %arg9[%get3A_175] {strides = array<i32>} : memref<320xi32, #tpu.memory_space<vmem>>, vector<16xi32>,
      %eq3A_177 = vector.broadcast %while3A_145 : i32 to vector<16xi32>
      %eq3A_178 = arith.cmpi eq, %get3A_176, %eq3A_177 : vector<16xi32>
      %get3A_179 = arith.constant 48 : index
      %get3A_180 = tpu.vector_load %arg11[%get3A_179] {strides = array<i32>} : memref<320xf32, #tpu.memory_space<vmem>>, vector<16xf32>,
      %jit3A_181 = arith.constant -1.000000e+30 : f32
      %broadcast_in_dim3A_182 = vector.broadcast %jit3A_181 : f32 to vector<16xf32>
      %select_n3A_183 = arith.select %eq3A_178, %get3A_180, %broadcast_in_dim3A_182 : vector<16xi1>, vector<16xf32>
      %max3A_184 = arith.maximumf %max3A_174, %select_n3A_183 : vector<16xf32>
      %get3A_185 = arith.constant 64 : index
      %get3A_186 = tpu.vector_load %arg9[%get3A_185] {strides = array<i32>} : memref<320xi32, #tpu.memory_space<vmem>>, vector<16xi32>,
      %eq3A_187 = vector.broadcast %while3A_145 : i32 to vector<16xi32>
      %eq3A_188 = arith.cmpi eq, %get3A_186, %eq3A_187 : vector<16xi32>
      %get3A_189 = arith.constant 64 : index
      %get3A_190 = tpu.vector_load %arg11[%get3A_189] {strides = array<i32>} : memref<320xf32, #tpu.memory_space<vmem>>, vector<16xf32>,
      %jit3A_191 = arith.constant -1.000000e+30 : f32
      %broadcast_in_dim3A_192 = vector.broadcast %jit3A_191 : f32 to vector<16xf32>
      %select_n3A_193 = arith.select %eq3A_188, %get3A_190, %broadcast_in_dim3A_192 : vector<16xi1>, vector<16xf32>
      %max3A_194 = arith.maximumf %max3A_184, %select_n3A_193 : vector<16xf32>
      %get3A_195 = arith.constant 80 : index
      %get3A_196 = tpu.vector_load %arg9[%get3A_195] {strides = array<i32>} : memref<320xi32, #tpu.memory_space<vmem>>, vector<16xi32>,
      %eq3A_197 = vector.broadcast %while3A_145 : i32 to vector<16xi32>
      %eq3A_198 = arith.cmpi eq, %get3A_196, %eq3A_197 : vector<16xi32>
      %get3A_199 = arith.constant 80 : index
      %get3A_200 = tpu.vector_load %arg11[%get3A_199] {strides = array<i32>} : memref<320xf32, #tpu.memory_space<vmem>>, vector<16xf32>,
      %jit3A_201 = arith.constant -1.000000e+30 : f32
      %broadcast_in_dim3A_202 = vector.broadcast %jit3A_201 : f32 to vector<16xf32>
      %select_n3A_203 = arith.select %eq3A_198, %get3A_200, %broadcast_in_dim3A_202 : vector<16xi1>, vector<16xf32>
      %max3A_204 = arith.maximumf %max3A_194, %select_n3A_203 : vector<16xf32>
      %get3A_205 = arith.constant 96 : index
      %get3A_206 = tpu.vector_load %arg9[%get3A_205] {strides = array<i32>} : memref<320xi32, #tpu.memory_space<vmem>>, vector<16xi32>,
      %eq3A_207 = vector.broadcast %while3A_145 : i32 to vector<16xi32>
      %eq3A_208 = arith.cmpi eq, %get3A_206, %eq3A_207 : vector<16xi32>
      %get3A_209 = arith.constant 96 : index
      %get3A_210 = tpu.vector_load %arg11[%get3A_209] {strides = array<i32>} : memref<320xf32, #tpu.memory_space<vmem>>, vector<16xf32>,
      %jit3A_211 = arith.constant -1.000000e+30 : f32
      %broadcast_in_dim3A_212 = vector.broadcast %jit3A_211 : f32 to vector<16xf32>
      %select_n3A_213 = arith.select %eq3A_208, %get3A_210, %broadcast_in_dim3A_212 : vector<16xi1>, vector<16xf32>
      %max3A_214 = arith.maximumf %max3A_204, %select_n3A_213 : vector<16xf32>
      %get3A_215 = arith.constant 112 : index
      %get3A_216 = tpu.vector_load %arg9[%get3A_215] {strides = array<i32>} : memref<320xi32, #tpu.memory_space<vmem>>, vector<16xi32>,
      %eq3A_217 = vector.broadcast %while3A_145 : i32 to vector<16xi32>
      %eq3A_218 = arith.cmpi eq, %get3A_216, %eq3A_217 : vector<16xi32>
      %get3A_219 = arith.constant 112 : index
      %get3A_220 = tpu.vector_load %arg11[%get3A_219] {strides = array<i32>} : memref<320xf32, #tpu.memory_space<vmem>>, vector<16xf32>,
      %jit3A_221 = arith.constant -1.000000e+30 : f32
      %broadcast_in_dim3A_222 = vector.broadcast %jit3A_221 : f32 to vector<16xf32>
      %select_n3A_223 = arith.select %eq3A_218, %get3A_220, %broadcast_in_dim3A_222 : vector<16xi1>, vector<16xf32>
      %max3A_224 = arith.maximumf %max3A_214, %select_n3A_223 : vector<16xf32>
      %get3A_225 = arith.constant 128 : index
      %get3A_226 = tpu.vector_load %arg9[%get3A_225] {strides = array<i32>} : memref<320xi32, #tpu.memory_space<vmem>>, vector<16xi32>,
      %eq3A_227 = vector.broadcast %while3A_145 : i32 to vector<16xi32>
      %eq3A_228 = arith.cmpi eq, %get3A_226, %eq3A_227 : vector<16xi32>
      %get3A_229 = arith.constant 128 : index
      %get3A_230 = tpu.vector_load %arg11[%get3A_229] {strides = array<i32>} : memref<320xf32, #tpu.memory_space<vmem>>, vector<16xf32>,
      %jit3A_231 = arith.constant -1.000000e+30 : f32
      %broadcast_in_dim3A_232 = vector.broadcast %jit3A_231 : f32 to vector<16xf32>
      %select_n3A_233 = arith.select %eq3A_228, %get3A_230, %broadcast_in_dim3A_232 : vector<16xi1>, vector<16xf32>
      %max3A_234 = arith.maximumf %max3A_224, %select_n3A_233 : vector<16xf32>
      %get3A_235 = arith.constant 144 : index
      %get3A_236 = tpu.vector_load %arg9[%get3A_235] {strides = array<i32>} : memref<320xi32, #tpu.memory_space<vmem>>, vector<16xi32>,
      %eq3A_237 = vector.broadcast %while3A_145 : i32 to vector<16xi32>
      %eq3A_238 = arith.cmpi eq, %get3A_236, %eq3A_237 : vector<16xi32>
      %get3A_239 = arith.constant 144 : index
      %get3A_240 = tpu.vector_load %arg11[%get3A_239] {strides = array<i32>} : memref<320xf32, #tpu.memory_space<vmem>>, vector<16xf32>,
      %jit3A_241 = arith.constant -1.000000e+30 : f32
      %broadcast_in_dim3A_242 = vector.broadcast %jit3A_241 : f32 to vector<16xf32>
      %select_n3A_243 = arith.select %eq3A_238, %get3A_240, %broadcast_in_dim3A_242 : vector<16xi1>, vector<16xf32>
      %max3A_244 = arith.maximumf %max3A_234, %select_n3A_243 : vector<16xf32>
      %get3A_245 = arith.constant 160 : index
      %get3A_246 = tpu.vector_load %arg9[%get3A_245] {strides = array<i32>} : memref<320xi32, #tpu.memory_space<vmem>>, vector<16xi32>,
      %eq3A_247 = vector.broadcast %while3A_145 : i32 to vector<16xi32>
      %eq3A_248 = arith.cmpi eq, %get3A_246, %eq3A_247 : vector<16xi32>
      %get3A_249 = arith.constant 160 : index
      %get3A_250 = tpu.vector_load %arg11[%get3A_249] {strides = array<i32>} : memref<320xf32, #tpu.memory_space<vmem>>, vector<16xf32>,
      %jit3A_251 = arith.constant -1.000000e+30 : f32
      %broadcast_in_dim3A_252 = vector.broadcast %jit3A_251 : f32 to vector<16xf32>
      %select_n3A_253 = arith.select %eq3A_248, %get3A_250, %broadcast_in_dim3A_252 : vector<16xi1>, vector<16xf32>
      %max3A_254 = arith.maximumf %max3A_244, %select_n3A_253 : vector<16xf32>
      %get3A_255 = arith.constant 176 : index
      %get3A_256 = tpu.vector_load %arg9[%get3A_255] {strides = array<i32>} : memref<320xi32, #tpu.memory_space<vmem>>, vector<16xi32>,
      %eq3A_257 = vector.broadcast %while3A_145 : i32 to vector<16xi32>
      %eq3A_258 = arith.cmpi eq, %get3A_256, %eq3A_257 : vector<16xi32>
      %get3A_259 = arith.constant 176 : index
      %get3A_260 = tpu.vector_load %arg11[%get3A_259] {strides = array<i32>} : memref<320xf32, #tpu.memory_space<vmem>>, vector<16xf32>,
      %jit3A_261 = arith.constant -1.000000e+30 : f32
      %broadcast_in_dim3A_262 = vector.broadcast %jit3A_261 : f32 to vector<16xf32>
      %select_n3A_263 = arith.select %eq3A_258, %get3A_260, %broadcast_in_dim3A_262 : vector<16xi1>, vector<16xf32>
      %max3A_264 = arith.maximumf %max3A_254, %select_n3A_263 : vector<16xf32>
      %get3A_265 = arith.constant 192 : index
      %get3A_266 = tpu.vector_load %arg9[%get3A_265] {strides = array<i32>} : memref<320xi32, #tpu.memory_space<vmem>>, vector<16xi32>,
      %eq3A_267 = vector.broadcast %while3A_145 : i32 to vector<16xi32>
      %eq3A_268 = arith.cmpi eq, %get3A_266, %eq3A_267 : vector<16xi32>
      %get3A_269 = arith.constant 192 : index
      %get3A_270 = tpu.vector_load %arg11[%get3A_269] {strides = array<i32>} : memref<320xf32, #tpu.memory_space<vmem>>, vector<16xf32>,
      %jit3A_271 = arith.constant -1.000000e+30 : f32
      %broadcast_in_dim3A_272 = vector.broadcast %jit3A_271 : f32 to vector<16xf32>
      %select_n3A_273 = arith.select %eq3A_268, %get3A_270, %broadcast_in_dim3A_272 : vector<16xi1>, vector<16xf32>
      %max3A_274 = arith.maximumf %max3A_264, %select_n3A_273 : vector<16xf32>
      %get3A_275 = arith.constant 208 : index
      %get3A_276 = tpu.vector_load %arg9[%get3A_275] {strides = array<i32>} : memref<320xi32, #tpu.memory_space<vmem>>, vector<16xi32>,
      %eq3A_277 = vector.broadcast %while3A_145 : i32 to vector<16xi32>
      %eq3A_278 = arith.cmpi eq, %get3A_276, %eq3A_277 : vector<16xi32>
      %get3A_279 = arith.constant 208 : index
      %get3A_280 = tpu.vector_load %arg11[%get3A_279] {strides = array<i32>} : memref<320xf32, #tpu.memory_space<vmem>>, vector<16xf32>,
      %jit3A_281 = arith.constant -1.000000e+30 : f32
      %broadcast_in_dim3A_282 = vector.broadcast %jit3A_281 : f32 to vector<16xf32>
      %select_n3A_283 = arith.select %eq3A_278, %get3A_280, %broadcast_in_dim3A_282 : vector<16xi1>, vector<16xf32>
      %max3A_284 = arith.maximumf %max3A_274, %select_n3A_283 : vector<16xf32>
      %get3A_285 = arith.constant 224 : index
      %get3A_286 = tpu.vector_load %arg9[%get3A_285] {strides = array<i32>} : memref<320xi32, #tpu.memory_space<vmem>>, vector<16xi32>,
      %eq3A_287 = vector.broadcast %while3A_145 : i32 to vector<16xi32>
      %eq3A_288 = arith.cmpi eq, %get3A_286, %eq3A_287 : vector<16xi32>
      %get3A_289 = arith.constant 224 : index
      %get3A_290 = tpu.vector_load %arg11[%get3A_289] {strides = array<i32>} : memref<320xf32, #tpu.memory_space<vmem>>, vector<16xf32>,
      %jit3A_291 = arith.constant -1.000000e+30 : f32
      %broadcast_in_dim3A_292 = vector.broadcast %jit3A_291 : f32 to vector<16xf32>
      %select_n3A_293 = arith.select %eq3A_288, %get3A_290, %broadcast_in_dim3A_292 : vector<16xi1>, vector<16xf32>
      %max3A_294 = arith.maximumf %max3A_284, %select_n3A_293 : vector<16xf32>
      %get3A_295 = arith.constant 240 : index
      %get3A_296 = tpu.vector_load %arg9[%get3A_295] {strides = array<i32>} : memref<320xi32, #tpu.memory_space<vmem>>, vector<16xi32>,
      %eq3A_297 = vector.broadcast %while3A_145 : i32 to vector<16xi32>
      %eq3A_298 = arith.cmpi eq, %get3A_296, %eq3A_297 : vector<16xi32>
      %get3A_299 = arith.constant 240 : index
      %get3A_300 = tpu.vector_load %arg11[%get3A_299] {strides = array<i32>} : memref<320xf32, #tpu.memory_space<vmem>>, vector<16xf32>,
      %jit3A_301 = arith.constant -1.000000e+30 : f32
      %broadcast_in_dim3A_302 = vector.broadcast %jit3A_301 : f32 to vector<16xf32>
      %select_n3A_303 = arith.select %eq3A_298, %get3A_300, %broadcast_in_dim3A_302 : vector<16xi1>, vector<16xf32>
      %max3A_304 = arith.maximumf %max3A_294, %select_n3A_303 : vector<16xf32>
      %get3A_305 = arith.constant 256 : index
      %get3A_306 = tpu.vector_load %arg9[%get3A_305] {strides = array<i32>} : memref<320xi32, #tpu.memory_space<vmem>>, vector<16xi32>,
      %eq3A_307 = vector.broadcast %while3A_145 : i32 to vector<16xi32>
      %eq3A_308 = arith.cmpi eq, %get3A_306, %eq3A_307 : vector<16xi32>
      %get3A_309 = arith.constant 256 : index
      %get3A_310 = tpu.vector_load %arg11[%get3A_309] {strides = array<i32>} : memref<320xf32, #tpu.memory_space<vmem>>, vector<16xf32>,
      %jit3A_311 = arith.constant -1.000000e+30 : f32
      %broadcast_in_dim3A_312 = vector.broadcast %jit3A_311 : f32 to vector<16xf32>
      %select_n3A_313 = arith.select %eq3A_308, %get3A_310, %broadcast_in_dim3A_312 : vector<16xi1>, vector<16xf32>
      %max3A_314 = arith.maximumf %max3A_304, %select_n3A_313 : vector<16xf32>
      %get3A_315 = arith.constant 272 : index
      %get3A_316 = tpu.vector_load %arg9[%get3A_315] {strides = array<i32>} : memref<320xi32, #tpu.memory_space<vmem>>, vector<16xi32>,
      %eq3A_317 = vector.broadcast %while3A_145 : i32 to vector<16xi32>
      %eq3A_318 = arith.cmpi eq, %get3A_316, %eq3A_317 : vector<16xi32>
      %get3A_319 = arith.constant 272 : index
      %get3A_320 = tpu.vector_load %arg11[%get3A_319] {strides = array<i32>} : memref<320xf32, #tpu.memory_space<vmem>>, vector<16xf32>,
      %jit3A_321 = arith.constant -1.000000e+30 : f32
      %broadcast_in_dim3A_322 = vector.broadcast %jit3A_321 : f32 to vector<16xf32>
      %select_n3A_323 = arith.select %eq3A_318, %get3A_320, %broadcast_in_dim3A_322 : vector<16xi1>, vector<16xf32>
      %max3A_324 = arith.maximumf %max3A_314, %select_n3A_323 : vector<16xf32>
      %get3A_325 = arith.constant 288 : index
      %get3A_326 = tpu.vector_load %arg9[%get3A_325] {strides = array<i32>} : memref<320xi32, #tpu.memory_space<vmem>>, vector<16xi32>,
      %eq3A_327 = vector.broadcast %while3A_145 : i32 to vector<16xi32>
      %eq3A_328 = arith.cmpi eq, %get3A_326, %eq3A_327 : vector<16xi32>
      %get3A_329 = arith.constant 288 : index
      %get3A_330 = tpu.vector_load %arg11[%get3A_329] {strides = array<i32>} : memref<320xf32, #tpu.memory_space<vmem>>, vector<16xf32>,
      %jit3A_331 = arith.constant -1.000000e+30 : f32
      %broadcast_in_dim3A_332 = vector.broadcast %jit3A_331 : f32 to vector<16xf32>
      %select_n3A_333 = arith.select %eq3A_328, %get3A_330, %broadcast_in_dim3A_332 : vector<16xi1>, vector<16xf32>
      %max3A_334 = arith.maximumf %max3A_324, %select_n3A_333 : vector<16xf32>
      %get3A_335 = arith.constant 304 : index
      %get3A_336 = tpu.vector_load %arg9[%get3A_335] {strides = array<i32>} : memref<320xi32, #tpu.memory_space<vmem>>, vector<16xi32>,
      %eq3A_337 = vector.broadcast %while3A_145 : i32 to vector<16xi32>
      %eq3A_338 = arith.cmpi eq, %get3A_336, %eq3A_337 : vector<16xi32>
      %get3A_339 = arith.constant 304 : index
      %get3A_340 = tpu.vector_load %arg11[%get3A_339] {strides = array<i32>} : memref<320xf32, #tpu.memory_space<vmem>>, vector<16xf32>,
      %jit3A_341 = arith.constant -1.000000e+30 : f32
      %broadcast_in_dim3A_342 = vector.broadcast %jit3A_341 : f32 to vector<16xf32>
      %select_n3A_343 = arith.select %eq3A_338, %get3A_340, %broadcast_in_dim3A_342 : vector<16xi1>, vector<16xf32>
      %max3A_344 = arith.maximumf %max3A_334, %select_n3A_343 : vector<16xf32>
      %reduce_max3A_345 = arith.constant true
      %reduce_max3A_346 = vector.broadcast %reduce_max3A_345 : i1 to vector<16xi1>
      %reduce_max3A_347 = tpu.scan <max>, %max3A_344 masked %reduce_max3A_346 : vector<16xf32>, vector<16xi1> -> vector<16xf32>
      %reduce_max3A_348 = vector.extract %reduce_max3A_347[15] : f32 from vector<16xf32>
      %get3A_349 = arith.constant 0 : index
      %get3A_350 = tpu.vector_load %arg9[%get3A_349] {strides = array<i32>} : memref<320xi32, #tpu.memory_space<vmem>>, vector<16xi32>,
      %eq3A_351 = vector.broadcast %while3A_145 : i32 to vector<16xi32>
      %eq3A_352 = arith.cmpi eq, %get3A_350, %eq3A_351 : vector<16xi32>
      %get3A_353 = arith.constant 0 : index
      %get3A_354 = tpu.vector_load %arg11[%get3A_353] {strides = array<i32>} : memref<320xf32, #tpu.memory_space<vmem>>, vector<16xf32>,
      %sub3A_355 = vector.broadcast %reduce_max3A_348 : f32 to vector<16xf32>
      %sub3A_356 = arith.subf %get3A_354, %sub3A_355 : vector<16xf32>
      %exp3A = math.exp %sub3A_356 : vector<16xf32>
      %jit3A_357 = arith.constant 0.000000e+00 : f32
      %broadcast_in_dim3A_358 = vector.broadcast %jit3A_357 : f32 to vector<16xf32>
      %select_n3A_359 = arith.select %eq3A_352, %exp3A, %broadcast_in_dim3A_358 : vector<16xi1>, vector<16xf32>
      %add3A_360 = arith.addf %broadcast_in_dim3A_93, %select_n3A_359 : vector<16xf32>
      %get3A_361 = arith.constant 16 : index
      %get3A_362 = tpu.vector_load %arg9[%get3A_361] {strides = array<i32>} : memref<320xi32, #tpu.memory_space<vmem>>, vector<16xi32>,
      %eq3A_363 = vector.broadcast %while3A_145 : i32 to vector<16xi32>
      %eq3A_364 = arith.cmpi eq, %get3A_362, %eq3A_363 : vector<16xi32>
      %get3A_365 = arith.constant 16 : index
      %get3A_366 = tpu.vector_load %arg11[%get3A_365] {strides = array<i32>} : memref<320xf32, #tpu.memory_space<vmem>>, vector<16xf32>,
      %sub3A_367 = vector.broadcast %reduce_max3A_348 : f32 to vector<16xf32>
      %sub3A_368 = arith.subf %get3A_366, %sub3A_367 : vector<16xf32>
      %exp3A_369 = math.exp %sub3A_368 : vector<16xf32>
      %jit3A_370 = arith.constant 0.000000e+00 : f32
      %broadcast_in_dim3A_371 = vector.broadcast %jit3A_370 : f32 to vector<16xf32>
      %select_n3A_372 = arith.select %eq3A_364, %exp3A_369, %broadcast_in_dim3A_371 : vector<16xi1>, vector<16xf32>
      %add3A_373 = arith.addf %add3A_360, %select_n3A_372 : vector<16xf32>
      %get3A_374 = arith.constant 32 : index
      %get3A_375 = tpu.vector_load %arg9[%get3A_374] {strides = array<i32>} : memref<320xi32, #tpu.memory_space<vmem>>, vector<16xi32>,
      %eq3A_376 = vector.broadcast %while3A_145 : i32 to vector<16xi32>
      %eq3A_377 = arith.cmpi eq, %get3A_375, %eq3A_376 : vector<16xi32>
      %get3A_378 = arith.constant 32 : index
      %get3A_379 = tpu.vector_load %arg11[%get3A_378] {strides = array<i32>} : memref<320xf32, #tpu.memory_space<vmem>>, vector<16xf32>,
      %sub3A_380 = vector.broadcast %reduce_max3A_348 : f32 to vector<16xf32>
      %sub3A_381 = arith.subf %get3A_379, %sub3A_380 : vector<16xf32>
      %exp3A_382 = math.exp %sub3A_381 : vector<16xf32>
      %jit3A_383 = arith.constant 0.000000e+00 : f32
      %broadcast_in_dim3A_384 = vector.broadcast %jit3A_383 : f32 to vector<16xf32>
      %select_n3A_385 = arith.select %eq3A_377, %exp3A_382, %broadcast_in_dim3A_384 : vector<16xi1>, vector<16xf32>
      %add3A_386 = arith.addf %add3A_373, %select_n3A_385 : vector<16xf32>
      %get3A_387 = arith.constant 48 : index
      %get3A_388 = tpu.vector_load %arg9[%get3A_387] {strides = array<i32>} : memref<320xi32, #tpu.memory_space<vmem>>, vector<16xi32>,
      %eq3A_389 = vector.broadcast %while3A_145 : i32 to vector<16xi32>
      %eq3A_390 = arith.cmpi eq, %get3A_388, %eq3A_389 : vector<16xi32>
      %get3A_391 = arith.constant 48 : index
      %get3A_392 = tpu.vector_load %arg11[%get3A_391] {strides = array<i32>} : memref<320xf32, #tpu.memory_space<vmem>>, vector<16xf32>,
      %sub3A_393 = vector.broadcast %reduce_max3A_348 : f32 to vector<16xf32>
      %sub3A_394 = arith.subf %get3A_392, %sub3A_393 : vector<16xf32>
      %exp3A_395 = math.exp %sub3A_394 : vector<16xf32>
      %jit3A_396 = arith.constant 0.000000e+00 : f32
      %broadcast_in_dim3A_397 = vector.broadcast %jit3A_396 : f32 to vector<16xf32>
      %select_n3A_398 = arith.select %eq3A_390, %exp3A_395, %broadcast_in_dim3A_397 : vector<16xi1>, vector<16xf32>
      %add3A_399 = arith.addf %add3A_386, %select_n3A_398 : vector<16xf32>
      %get3A_400 = arith.constant 64 : index
      %get3A_401 = tpu.vector_load %arg9[%get3A_400] {strides = array<i32>} : memref<320xi32, #tpu.memory_space<vmem>>, vector<16xi32>,
      %eq3A_402 = vector.broadcast %while3A_145 : i32 to vector<16xi32>
      %eq3A_403 = arith.cmpi eq, %get3A_401, %eq3A_402 : vector<16xi32>
      %get3A_404 = arith.constant 64 : index
      %get3A_405 = tpu.vector_load %arg11[%get3A_404] {strides = array<i32>} : memref<320xf32, #tpu.memory_space<vmem>>, vector<16xf32>,
      %sub3A_406 = vector.broadcast %reduce_max3A_348 : f32 to vector<16xf32>
      %sub3A_407 = arith.subf %get3A_405, %sub3A_406 : vector<16xf32>
      %exp3A_408 = math.exp %sub3A_407 : vector<16xf32>
      %jit3A_409 = arith.constant 0.000000e+00 : f32
      %broadcast_in_dim3A_410 = vector.broadcast %jit3A_409 : f32 to vector<16xf32>
      %select_n3A_411 = arith.select %eq3A_403, %exp3A_408, %broadcast_in_dim3A_410 : vector<16xi1>, vector<16xf32>
      %add3A_412 = arith.addf %add3A_399, %select_n3A_411 : vector<16xf32>
      %get3A_413 = arith.constant 80 : index
      %get3A_414 = tpu.vector_load %arg9[%get3A_413] {strides = array<i32>} : memref<320xi32, #tpu.memory_space<vmem>>, vector<16xi32>,
      %eq3A_415 = vector.broadcast %while3A_145 : i32 to vector<16xi32>
      %eq3A_416 = arith.cmpi eq, %get3A_414, %eq3A_415 : vector<16xi32>
      %get3A_417 = arith.constant 80 : index
      %get3A_418 = tpu.vector_load %arg11[%get3A_417] {strides = array<i32>} : memref<320xf32, #tpu.memory_space<vmem>>, vector<16xf32>,
      %sub3A_419 = vector.broadcast %reduce_max3A_348 : f32 to vector<16xf32>
      %sub3A_420 = arith.subf %get3A_418, %sub3A_419 : vector<16xf32>
      %exp3A_421 = math.exp %sub3A_420 : vector<16xf32>
      %jit3A_422 = arith.constant 0.000000e+00 : f32
      %broadcast_in_dim3A_423 = vector.broadcast %jit3A_422 : f32 to vector<16xf32>
      %select_n3A_424 = arith.select %eq3A_416, %exp3A_421, %broadcast_in_dim3A_423 : vector<16xi1>, vector<16xf32>
      %add3A_425 = arith.addf %add3A_412, %select_n3A_424 : vector<16xf32>
      %get3A_426 = arith.constant 96 : index
      %get3A_427 = tpu.vector_load %arg9[%get3A_426] {strides = array<i32>} : memref<320xi32, #tpu.memory_space<vmem>>, vector<16xi32>,
      %eq3A_428 = vector.broadcast %while3A_145 : i32 to vector<16xi32>
      %eq3A_429 = arith.cmpi eq, %get3A_427, %eq3A_428 : vector<16xi32>
      %get3A_430 = arith.constant 96 : index
      %get3A_431 = tpu.vector_load %arg11[%get3A_430] {strides = array<i32>} : memref<320xf32, #tpu.memory_space<vmem>>, vector<16xf32>,
      %sub3A_432 = vector.broadcast %reduce_max3A_348 : f32 to vector<16xf32>
      %sub3A_433 = arith.subf %get3A_431, %sub3A_432 : vector<16xf32>
      %exp3A_434 = math.exp %sub3A_433 : vector<16xf32>
      %jit3A_435 = arith.constant 0.000000e+00 : f32
      %broadcast_in_dim3A_436 = vector.broadcast %jit3A_435 : f32 to vector<16xf32>
      %select_n3A_437 = arith.select %eq3A_429, %exp3A_434, %broadcast_in_dim3A_436 : vector<16xi1>, vector<16xf32>
      %add3A_438 = arith.addf %add3A_425, %select_n3A_437 : vector<16xf32>
      %get3A_439 = arith.constant 112 : index
      %get3A_440 = tpu.vector_load %arg9[%get3A_439] {strides = array<i32>} : memref<320xi32, #tpu.memory_space<vmem>>, vector<16xi32>,
      %eq3A_441 = vector.broadcast %while3A_145 : i32 to vector<16xi32>
      %eq3A_442 = arith.cmpi eq, %get3A_440, %eq3A_441 : vector<16xi32>
      %get3A_443 = arith.constant 112 : index
      %get3A_444 = tpu.vector_load %arg11[%get3A_443] {strides = array<i32>} : memref<320xf32, #tpu.memory_space<vmem>>, vector<16xf32>,
      %sub3A_445 = vector.broadcast %reduce_max3A_348 : f32 to vector<16xf32>
      %sub3A_446 = arith.subf %get3A_444, %sub3A_445 : vector<16xf32>
      %exp3A_447 = math.exp %sub3A_446 : vector<16xf32>
      %jit3A_448 = arith.constant 0.000000e+00 : f32
      %broadcast_in_dim3A_449 = vector.broadcast %jit3A_448 : f32 to vector<16xf32>
      %select_n3A_450 = arith.select %eq3A_442, %exp3A_447, %broadcast_in_dim3A_449 : vector<16xi1>, vector<16xf32>
      %add3A_451 = arith.addf %add3A_438, %select_n3A_450 : vector<16xf32>
      %get3A_452 = arith.constant 128 : index
      %get3A_453 = tpu.vector_load %arg9[%get3A_452] {strides = array<i32>} : memref<320xi32, #tpu.memory_space<vmem>>, vector<16xi32>,
      %eq3A_454 = vector.broadcast %while3A_145 : i32 to vector<16xi32>
      %eq3A_455 = arith.cmpi eq, %get3A_453, %eq3A_454 : vector<16xi32>
      %get3A_456 = arith.constant 128 : index
      %get3A_457 = tpu.vector_load %arg11[%get3A_456] {strides = array<i32>} : memref<320xf32, #tpu.memory_space<vmem>>, vector<16xf32>,
      %sub3A_458 = vector.broadcast %reduce_max3A_348 : f32 to vector<16xf32>
      %sub3A_459 = arith.subf %get3A_457, %sub3A_458 : vector<16xf32>
      %exp3A_460 = math.exp %sub3A_459 : vector<16xf32>
      %jit3A_461 = arith.constant 0.000000e+00 : f32
      %broadcast_in_dim3A_462 = vector.broadcast %jit3A_461 : f32 to vector<16xf32>
      %select_n3A_463 = arith.select %eq3A_455, %exp3A_460, %broadcast_in_dim3A_462 : vector<16xi1>, vector<16xf32>
      %add3A_464 = arith.addf %add3A_451, %select_n3A_463 : vector<16xf32>
      %get3A_465 = arith.constant 144 : index
      %get3A_466 = tpu.vector_load %arg9[%get3A_465] {strides = array<i32>} : memref<320xi32, #tpu.memory_space<vmem>>, vector<16xi32>,
      %eq3A_467 = vector.broadcast %while3A_145 : i32 to vector<16xi32>
      %eq3A_468 = arith.cmpi eq, %get3A_466, %eq3A_467 : vector<16xi32>
      %get3A_469 = arith.constant 144 : index
      %get3A_470 = tpu.vector_load %arg11[%get3A_469] {strides = array<i32>} : memref<320xf32, #tpu.memory_space<vmem>>, vector<16xf32>,
      %sub3A_471 = vector.broadcast %reduce_max3A_348 : f32 to vector<16xf32>
      %sub3A_472 = arith.subf %get3A_470, %sub3A_471 : vector<16xf32>
      %exp3A_473 = math.exp %sub3A_472 : vector<16xf32>
      %jit3A_474 = arith.constant 0.000000e+00 : f32
      %broadcast_in_dim3A_475 = vector.broadcast %jit3A_474 : f32 to vector<16xf32>
      %select_n3A_476 = arith.select %eq3A_468, %exp3A_473, %broadcast_in_dim3A_475 : vector<16xi1>, vector<16xf32>
      %add3A_477 = arith.addf %add3A_464, %select_n3A_476 : vector<16xf32>
      %get3A_478 = arith.constant 160 : index
      %get3A_479 = tpu.vector_load %arg9[%get3A_478] {strides = array<i32>} : memref<320xi32, #tpu.memory_space<vmem>>, vector<16xi32>,
      %eq3A_480 = vector.broadcast %while3A_145 : i32 to vector<16xi32>
      %eq3A_481 = arith.cmpi eq, %get3A_479, %eq3A_480 : vector<16xi32>
      %get3A_482 = arith.constant 160 : index
      %get3A_483 = tpu.vector_load %arg11[%get3A_482] {strides = array<i32>} : memref<320xf32, #tpu.memory_space<vmem>>, vector<16xf32>,
      %sub3A_484 = vector.broadcast %reduce_max3A_348 : f32 to vector<16xf32>
      %sub3A_485 = arith.subf %get3A_483, %sub3A_484 : vector<16xf32>
      %exp3A_486 = math.exp %sub3A_485 : vector<16xf32>
      %jit3A_487 = arith.constant 0.000000e+00 : f32
      %broadcast_in_dim3A_488 = vector.broadcast %jit3A_487 : f32 to vector<16xf32>
      %select_n3A_489 = arith.select %eq3A_481, %exp3A_486, %broadcast_in_dim3A_488 : vector<16xi1>, vector<16xf32>
      %add3A_490 = arith.addf %add3A_477, %select_n3A_489 : vector<16xf32>
      %get3A_491 = arith.constant 176 : index
      %get3A_492 = tpu.vector_load %arg9[%get3A_491] {strides = array<i32>} : memref<320xi32, #tpu.memory_space<vmem>>, vector<16xi32>,
      %eq3A_493 = vector.broadcast %while3A_145 : i32 to vector<16xi32>
      %eq3A_494 = arith.cmpi eq, %get3A_492, %eq3A_493 : vector<16xi32>
      %get3A_495 = arith.constant 176 : index
      %get3A_496 = tpu.vector_load %arg11[%get3A_495] {strides = array<i32>} : memref<320xf32, #tpu.memory_space<vmem>>, vector<16xf32>,
      %sub3A_497 = vector.broadcast %reduce_max3A_348 : f32 to vector<16xf32>
      %sub3A_498 = arith.subf %get3A_496, %sub3A_497 : vector<16xf32>
      %exp3A_499 = math.exp %sub3A_498 : vector<16xf32>
      %jit3A_500 = arith.constant 0.000000e+00 : f32
      %broadcast_in_dim3A_501 = vector.broadcast %jit3A_500 : f32 to vector<16xf32>
      %select_n3A_502 = arith.select %eq3A_494, %exp3A_499, %broadcast_in_dim3A_501 : vector<16xi1>, vector<16xf32>
      %add3A_503 = arith.addf %add3A_490, %select_n3A_502 : vector<16xf32>
      %get3A_504 = arith.constant 192 : index
      %get3A_505 = tpu.vector_load %arg9[%get3A_504] {strides = array<i32>} : memref<320xi32, #tpu.memory_space<vmem>>, vector<16xi32>,
      %eq3A_506 = vector.broadcast %while3A_145 : i32 to vector<16xi32>
      %eq3A_507 = arith.cmpi eq, %get3A_505, %eq3A_506 : vector<16xi32>
      %get3A_508 = arith.constant 192 : index
      %get3A_509 = tpu.vector_load %arg11[%get3A_508] {strides = array<i32>} : memref<320xf32, #tpu.memory_space<vmem>>, vector<16xf32>,
      %sub3A_510 = vector.broadcast %reduce_max3A_348 : f32 to vector<16xf32>
      %sub3A_511 = arith.subf %get3A_509, %sub3A_510 : vector<16xf32>
      %exp3A_512 = math.exp %sub3A_511 : vector<16xf32>
      %jit3A_513 = arith.constant 0.000000e+00 : f32
      %broadcast_in_dim3A_514 = vector.broadcast %jit3A_513 : f32 to vector<16xf32>
      %select_n3A_515 = arith.select %eq3A_507, %exp3A_512, %broadcast_in_dim3A_514 : vector<16xi1>, vector<16xf32>
      %add3A_516 = arith.addf %add3A_503, %select_n3A_515 : vector<16xf32>
      %get3A_517 = arith.constant 208 : index
      %get3A_518 = tpu.vector_load %arg9[%get3A_517] {strides = array<i32>} : memref<320xi32, #tpu.memory_space<vmem>>, vector<16xi32>,
      %eq3A_519 = vector.broadcast %while3A_145 : i32 to vector<16xi32>
      %eq3A_520 = arith.cmpi eq, %get3A_518, %eq3A_519 : vector<16xi32>
      %get3A_521 = arith.constant 208 : index
      %get3A_522 = tpu.vector_load %arg11[%get3A_521] {strides = array<i32>} : memref<320xf32, #tpu.memory_space<vmem>>, vector<16xf32>,
      %sub3A_523 = vector.broadcast %reduce_max3A_348 : f32 to vector<16xf32>
      %sub3A_524 = arith.subf %get3A_522, %sub3A_523 : vector<16xf32>
      %exp3A_525 = math.exp %sub3A_524 : vector<16xf32>
      %jit3A_526 = arith.constant 0.000000e+00 : f32
      %broadcast_in_dim3A_527 = vector.broadcast %jit3A_526 : f32 to vector<16xf32>
      %select_n3A_528 = arith.select %eq3A_520, %exp3A_525, %broadcast_in_dim3A_527 : vector<16xi1>, vector<16xf32>
      %add3A_529 = arith.addf %add3A_516, %select_n3A_528 : vector<16xf32>
      %get3A_530 = arith.constant 224 : index
      %get3A_531 = tpu.vector_load %arg9[%get3A_530] {strides = array<i32>} : memref<320xi32, #tpu.memory_space<vmem>>, vector<16xi32>,
      %eq3A_532 = vector.broadcast %while3A_145 : i32 to vector<16xi32>
      %eq3A_533 = arith.cmpi eq, %get3A_531, %eq3A_532 : vector<16xi32>
      %get3A_534 = arith.constant 224 : index
      %get3A_535 = tpu.vector_load %arg11[%get3A_534] {strides = array<i32>} : memref<320xf32, #tpu.memory_space<vmem>>, vector<16xf32>,
      %sub3A_536 = vector.broadcast %reduce_max3A_348 : f32 to vector<16xf32>
      %sub3A_537 = arith.subf %get3A_535, %sub3A_536 : vector<16xf32>
      %exp3A_538 = math.exp %sub3A_537 : vector<16xf32>
      %jit3A_539 = arith.constant 0.000000e+00 : f32
      %broadcast_in_dim3A_540 = vector.broadcast %jit3A_539 : f32 to vector<16xf32>
      %select_n3A_541 = arith.select %eq3A_533, %exp3A_538, %broadcast_in_dim3A_540 : vector<16xi1>, vector<16xf32>
      %add3A_542 = arith.addf %add3A_529, %select_n3A_541 : vector<16xf32>
      %get3A_543 = arith.constant 240 : index
      %get3A_544 = tpu.vector_load %arg9[%get3A_543] {strides = array<i32>} : memref<320xi32, #tpu.memory_space<vmem>>, vector<16xi32>,
      %eq3A_545 = vector.broadcast %while3A_145 : i32 to vector<16xi32>
      %eq3A_546 = arith.cmpi eq, %get3A_544, %eq3A_545 : vector<16xi32>
      %get3A_547 = arith.constant 240 : index
      %get3A_548 = tpu.vector_load %arg11[%get3A_547] {strides = array<i32>} : memref<320xf32, #tpu.memory_space<vmem>>, vector<16xf32>,
      %sub3A_549 = vector.broadcast %reduce_max3A_348 : f32 to vector<16xf32>
      %sub3A_550 = arith.subf %get3A_548, %sub3A_549 : vector<16xf32>
      %exp3A_551 = math.exp %sub3A_550 : vector<16xf32>
      %jit3A_552 = arith.constant 0.000000e+00 : f32
      %broadcast_in_dim3A_553 = vector.broadcast %jit3A_552 : f32 to vector<16xf32>
      %select_n3A_554 = arith.select %eq3A_546, %exp3A_551, %broadcast_in_dim3A_553 : vector<16xi1>, vector<16xf32>
      %add3A_555 = arith.addf %add3A_542, %select_n3A_554 : vector<16xf32>
      %get3A_556 = arith.constant 256 : index
      %get3A_557 = tpu.vector_load %arg9[%get3A_556] {strides = array<i32>} : memref<320xi32, #tpu.memory_space<vmem>>, vector<16xi32>,
      %eq3A_558 = vector.broadcast %while3A_145 : i32 to vector<16xi32>
      %eq3A_559 = arith.cmpi eq, %get3A_557, %eq3A_558 : vector<16xi32>
      %get3A_560 = arith.constant 256 : index
      %get3A_561 = tpu.vector_load %arg11[%get3A_560] {strides = array<i32>} : memref<320xf32, #tpu.memory_space<vmem>>, vector<16xf32>,
      %sub3A_562 = vector.broadcast %reduce_max3A_348 : f32 to vector<16xf32>
      %sub3A_563 = arith.subf %get3A_561, %sub3A_562 : vector<16xf32>
      %exp3A_564 = math.exp %sub3A_563 : vector<16xf32>
      %jit3A_565 = arith.constant 0.000000e+00 : f32
      %broadcast_in_dim3A_566 = vector.broadcast %jit3A_565 : f32 to vector<16xf32>
      %select_n3A_567 = arith.select %eq3A_559, %exp3A_564, %broadcast_in_dim3A_566 : vector<16xi1>, vector<16xf32>
      %add3A_568 = arith.addf %add3A_555, %select_n3A_567 : vector<16xf32>
      %get3A_569 = arith.constant 272 : index
      %get3A_570 = tpu.vector_load %arg9[%get3A_569] {strides = array<i32>} : memref<320xi32, #tpu.memory_space<vmem>>, vector<16xi32>,
      %eq3A_571 = vector.broadcast %while3A_145 : i32 to vector<16xi32>
      %eq3A_572 = arith.cmpi eq, %get3A_570, %eq3A_571 : vector<16xi32>
      %get3A_573 = arith.constant 272 : index
      %get3A_574 = tpu.vector_load %arg11[%get3A_573] {strides = array<i32>} : memref<320xf32, #tpu.memory_space<vmem>>, vector<16xf32>,
      %sub3A_575 = vector.broadcast %reduce_max3A_348 : f32 to vector<16xf32>
      %sub3A_576 = arith.subf %get3A_574, %sub3A_575 : vector<16xf32>
      %exp3A_577 = math.exp %sub3A_576 : vector<16xf32>
      %jit3A_578 = arith.constant 0.000000e+00 : f32
      %broadcast_in_dim3A_579 = vector.broadcast %jit3A_578 : f32 to vector<16xf32>
      %select_n3A_580 = arith.select %eq3A_572, %exp3A_577, %broadcast_in_dim3A_579 : vector<16xi1>, vector<16xf32>
      %add3A_581 = arith.addf %add3A_568, %select_n3A_580 : vector<16xf32>
      %get3A_582 = arith.constant 288 : index
      %get3A_583 = tpu.vector_load %arg9[%get3A_582] {strides = array<i32>} : memref<320xi32, #tpu.memory_space<vmem>>, vector<16xi32>,
      %eq3A_584 = vector.broadcast %while3A_145 : i32 to vector<16xi32>
      %eq3A_585 = arith.cmpi eq, %get3A_583, %eq3A_584 : vector<16xi32>
      %get3A_586 = arith.constant 288 : index
      %get3A_587 = tpu.vector_load %arg11[%get3A_586] {strides = array<i32>} : memref<320xf32, #tpu.memory_space<vmem>>, vector<16xf32>,
      %sub3A_588 = vector.broadcast %reduce_max3A_348 : f32 to vector<16xf32>
      %sub3A_589 = arith.subf %get3A_587, %sub3A_588 : vector<16xf32>
      %exp3A_590 = math.exp %sub3A_589 : vector<16xf32>
      %jit3A_591 = arith.constant 0.000000e+00 : f32
      %broadcast_in_dim3A_592 = vector.broadcast %jit3A_591 : f32 to vector<16xf32>
      %select_n3A_593 = arith.select %eq3A_585, %exp3A_590, %broadcast_in_dim3A_592 : vector<16xi1>, vector<16xf32>
      %add3A_594 = arith.addf %add3A_581, %select_n3A_593 : vector<16xf32>
      %get3A_595 = arith.constant 304 : index
      %get3A_596 = tpu.vector_load %arg9[%get3A_595] {strides = array<i32>} : memref<320xi32, #tpu.memory_space<vmem>>, vector<16xi32>,
      %eq3A_597 = vector.broadcast %while3A_145 : i32 to vector<16xi32>
      %eq3A_598 = arith.cmpi eq, %get3A_596, %eq3A_597 : vector<16xi32>
      %get3A_599 = arith.constant 304 : index
      %get3A_600 = tpu.vector_load %arg11[%get3A_599] {strides = array<i32>} : memref<320xf32, #tpu.memory_space<vmem>>, vector<16xf32>,
      %sub3A_601 = vector.broadcast %reduce_max3A_348 : f32 to vector<16xf32>
      %sub3A_602 = arith.subf %get3A_600, %sub3A_601 : vector<16xf32>
      %exp3A_603 = math.exp %sub3A_602 : vector<16xf32>
      %jit3A_604 = arith.constant 0.000000e+00 : f32
      %broadcast_in_dim3A_605 = vector.broadcast %jit3A_604 : f32 to vector<16xf32>
      %select_n3A_606 = arith.select %eq3A_598, %exp3A_603, %broadcast_in_dim3A_605 : vector<16xi1>, vector<16xf32>
      %add3A_607 = arith.addf %add3A_594, %select_n3A_606 : vector<16xf32>
      %reduce_sum3A = arith.constant true
      %reduce_sum3A_608 = vector.broadcast %reduce_sum3A : i1 to vector<16xi1>
      %reduce_sum3A_609 = tpu.scan <sum>, %add3A_607 masked %reduce_sum3A_608 : vector<16xf32>, vector<16xi1> -> vector<16xf32>
      %reduce_sum3A_610 = vector.extract %reduce_sum3A_609[15] : f32 from vector<16xf32>
      %jit3A_611 = arith.constant 16 : i32
      %div3A_612 = arith.divsi %while3A_145, %jit3A_611 : i32
      %sign3A_613 = arith.constant 0 : i32
      %sign3A_614 = arith.cmpi sgt, %while3A_145, %sign3A_613 : i32
      %sign3A_615 = arith.extui %sign3A_614 : i1 to i32
      %sign3A_616 = arith.constant 0 : i32
      %sign3A_617 = arith.cmpi slt, %while3A_145, %sign3A_616 : i32
      %sign3A_618 = arith.extui %sign3A_617 : i1 to i32
      %sign3A_619 = arith.subi %sign3A_615, %sign3A_618 : i32
      %sign3A_620 = arith.constant 0 : i32
      %sign3A_621 = arith.cmpi sgt, %jit3A_611, %sign3A_620 : i32
      %sign3A_622 = arith.extui %sign3A_621 : i1 to i32
      %sign3A_623 = arith.constant 0 : i32
      %sign3A_624 = arith.cmpi slt, %jit3A_611, %sign3A_623 : i32
      %sign3A_625 = arith.extui %sign3A_624 : i1 to i32
      %sign3A_626 = arith.subi %sign3A_622, %sign3A_625 : i32
      %ne3A_627 = arith.cmpi ne, %sign3A_619, %sign3A_626 : i32
      %rem3A_628 = arith.remsi %while3A_145, %jit3A_611 : i32
      %ne3A_629 = arith.constant 0 : i32
      %ne3A_630 = arith.cmpi ne, %rem3A_628, %ne3A_629 : i32
      %and3A_631 = arith.andi %ne3A_627, %ne3A_630 : i1
      %sub3A_632 = arith.constant 1 : i32
      %sub3A_633 = arith.subi %div3A_612, %sub3A_632 : i32
      %select_n3A_634 = arith.select %and3A_631, %sub3A_633, %div3A_612 : i32
      %jit3A_635 = arith.constant 16 : i32
      %eq3A_636 = arith.constant 0 : i32
      %eq3A_637 = arith.cmpi eq, %jit3A_635, %eq3A_636 : i32
      %jit3A_638 = arith.constant 1 : i32
      %select_n3A_639 = arith.select %eq3A_637, %jit3A_638, %jit3A_635 : i32
      %rem3A_640 = arith.remsi %while3A_145, %select_n3A_639 : i32
      %ne3A_641 = arith.constant 0 : i32
      %ne3A_642 = arith.cmpi ne, %rem3A_640, %ne3A_641 : i32
      %lt3A = arith.constant 0 : i32
      %lt3A_643 = arith.cmpi slt, %rem3A_640, %lt3A : i32
      %lt3A_644 = arith.constant 0 : i32
      %lt3A_645 = arith.cmpi slt, %select_n3A_639, %lt3A_644 : i32
      %ne3A_646 = arith.xori %lt3A_643, %lt3A_645 : i1
      %and3A_647 = arith.andi %ne3A_646, %ne3A_642 : i1
      %add3A_648 = arith.addi %rem3A_640, %select_n3A_639 : i32
      %select_n3A_649 = arith.select %and3A_647, %add3A_648, %rem3A_640 : i32
      %eq3A_650 = vector.broadcast %select_n3A_649 : i32 to vector<16xi32>
      %eq3A_651 = arith.cmpi eq, %iota3A, %eq3A_650 : vector<16xi32>
      %mul3A_652 = arith.constant 16 : i32
      %mul3A_653 = arith.muli %select_n3A_634, %mul3A_652 : i32
      %get3A_654 = arith.index_cast %mul3A_653 : i32 to index
      %get3A_655 = tpu.vector_load %arg12[%get3A_654] {strides = array<i32>} : memref<64xf32, #tpu.memory_space<vmem>>, vector<16xf32>,
      %broadcast_in_dim3A_656 = vector.broadcast %reduce_max3A_348 : f32 to vector<16xf32>
      %select_n3A_657 = arith.select %eq3A_651, %broadcast_in_dim3A_656, %get3A_655 : vector<16xi1>, vector<16xf32>
      %mul3A_658 = arith.constant 16 : i32
      %mul3A_659 = arith.muli %select_n3A_634, %mul3A_658 : i32
      %swap3A_660 = arith.index_cast %mul3A_659 : i32 to index
      %swap3A_661 = tpu.vector_load %arg12[%swap3A_660] {strides = array<i32>} : memref<64xf32, #tpu.memory_space<vmem>>, vector<16xf32>,
      tpu.vector_store %arg12[%swap3A_660], %select_n3A_657 {strides = array<i32>} : memref<64xf32, #tpu.memory_space<vmem>>, vector<16xf32>,
      %mul3A_662 = arith.constant 16 : i32
      %mul3A_663 = arith.muli %select_n3A_634, %mul3A_662 : i32
      %get3A_664 = arith.index_cast %mul3A_663 : i32 to index
      %get3A_665 = tpu.vector_load %arg13[%get3A_664] {strides = array<i32>} : memref<64xf32, #tpu.memory_space<vmem>>, vector<16xf32>,
      %broadcast_in_dim3A_666 = vector.broadcast %reduce_sum3A_610 : f32 to vector<16xf32>
      %select_n3A_667 = arith.select %eq3A_651, %broadcast_in_dim3A_666, %get3A_665 : vector<16xi1>, vector<16xf32>
      %mul3A_668 = arith.constant 16 : i32
      %mul3A_669 = arith.muli %select_n3A_634, %mul3A_668 : i32
      %swap3A_670 = arith.index_cast %mul3A_669 : i32 to index
      %swap3A_671 = tpu.vector_load %arg13[%swap3A_670] {strides = array<i32>} : memref<64xf32, #tpu.memory_space<vmem>>, vector<16xf32>,
      tpu.vector_store %arg13[%swap3A_670], %select_n3A_667 {strides = array<i32>} : memref<64xf32, #tpu.memory_space<vmem>>, vector<16xf32>,
      %while3A_672 = arith.constant 0 : i32
      scf.yield %while3A_672 : i32
    }
    %while3A_143 = arith.constant 1 : i32
    %while3A_144 = scf.for %while3A_145 = %while3A_140 to %while3A_136 step %while3A_143 iter_args(%while3A_146 = %while3A_142) -> (i32)  : i32 {
      %get3A_147 = arith.constant 0 : index
      %get3A_148 = tpu.vector_load %arg9[%get3A_147] {strides = array<i32>} : memref<320xi32, #tpu.memory_space<vmem>>, vector<16xi32>,
      %eq3A = vector.broadcast %while3A_145 : i32 to vector<16xi32>
      %eq3A_149 = arith.cmpi eq, %get3A_148, %eq3A : vector<16xi32>
      %get3A_150 = arith.constant 0 : index
      %get3A_151 = tpu.vector_load %arg11[%get3A_150] {strides = array<i32>} : memref<320xf32, #tpu.memory_space<vmem>>, vector<16xf32>,
      %jit3A_152 = arith.constant -1.000000e+30 : f32
      %broadcast_in_dim3A_153 = vector.broadcast %jit3A_152 : f32 to vector<16xf32>
      %select_n3A_154 = arith.select %eq3A_149, %get3A_151, %broadcast_in_dim3A_153 : vector<16xi1>, vector<16xf32>
      %max3A = arith.maximumf %broadcast_in_dim3A_41, %select_n3A_154 : vector<16xf32>
      %get3A_155 = arith.constant 16 : index
      %get3A_156 = tpu.vector_load %arg9[%get3A_155] {strides = array<i32>} : memref<320xi32, #tpu.memory_space<vmem>>, vector<16xi32>,
      %eq3A_157 = vector.broadcast %while3A_145 : i32 to vector<16xi32>
      %eq3A_158 = arith.cmpi eq, %get3A_156, %eq3A_157 : vector<16xi32>
      %get3A_159 = arith.constant 16 : index
      %get3A_160 = tpu.vector_load %arg11[%get3A_159] {strides = array<i32>} : memref<320xf32, #tpu.memory_space<vmem>>, vector<16xf32>,
      %jit3A_161 = arith.constant -1.000000e+30 : f32
      %broadcast_in_dim3A_162 = vector.broadcast %jit3A_161 : f32 to vector<16xf32>
      %select_n3A_163 = arith.select %eq3A_158, %get3A_160, %broadcast_in_dim3A_162 : vector<16xi1>, vector<16xf32>
      %max3A_164 = arith.maximumf %max3A, %select_n3A_163 : vector<16xf32>
      %get3A_165 = arith.constant 32 : index
      %get3A_166 = tpu.vector_load %arg9[%get3A_165] {strides = array<i32>} : memref<320xi32, #tpu.memory_space<vmem>>, vector<16xi32>,
      %eq3A_167 = vector.broadcast %while3A_145 : i32 to vector<16xi32>
      %eq3A_168 = arith.cmpi eq, %get3A_166, %eq3A_167 : vector<16xi32>
      %get3A_169 = arith.constant 32 : index
      %get3A_170 = tpu.vector_load %arg11[%get3A_169] {strides = array<i32>} : memref<320xf32, #tpu.memory_space<vmem>>, vector<16xf32>,
      %jit3A_171 = arith.constant -1.000000e+30 : f32
      %broadcast_in_dim3A_172 = vector.broadcast %jit3A_171 : f32 to vector<16xf32>
      %select_n3A_173 = arith.select %eq3A_168, %get3A_170, %broadcast_in_dim3A_172 : vector<16xi1>, vector<16xf32>
      %max3A_174 = arith.maximumf %max3A_164, %select_n3A_173 : vector<16xf32>
      %get3A_175 = arith.constant 48 : index
      %get3A_176 = tpu.vector_load %arg9[%get3A_175] {strides = array<i32>} : memref<320xi32, #tpu.memory_space<vmem>>, vector<16xi32>,
      %eq3A_177 = vector.broadcast %while3A_145 : i32 to vector<16xi32>
      %eq3A_178 = arith.cmpi eq, %get3A_176, %eq3A_177 : vector<16xi32>
      %get3A_179 = arith.constant 48 : index
      %get3A_180 = tpu.vector_load %arg11[%get3A_179] {strides = array<i32>} : memref<320xf32, #tpu.memory_space<vmem>>, vector<16xf32>,
      %jit3A_181 = arith.constant -1.000000e+30 : f32
      %broadcast_in_dim3A_182 = vector.broadcast %jit3A_181 : f32 to vector<16xf32>
      %select_n3A_183 = arith.select %eq3A_178, %get3A_180, %broadcast_in_dim3A_182 : vector<16xi1>, vector<16xf32>
      %max3A_184 = arith.maximumf %max3A_174, %select_n3A_183 : vector<16xf32>
      %get3A_185 = arith.constant 64 : index
      %get3A_186 = tpu.vector_load %arg9[%get3A_185] {strides = array<i32>} : memref<320xi32, #tpu.memory_space<vmem>>, vector<16xi32>,
      %eq3A_187 = vector.broadcast %while3A_145 : i32 to vector<16xi32>
      %eq3A_188 = arith.cmpi eq, %get3A_186, %eq3A_187 : vector<16xi32>
      %get3A_189 = arith.constant 64 : index
      %get3A_190 = tpu.vector_load %arg11[%get3A_189] {strides = array<i32>} : memref<320xf32, #tpu.memory_space<vmem>>, vector<16xf32>,
      %jit3A_191 = arith.constant -1.000000e+30 : f32
      %broadcast_in_dim3A_192 = vector.broadcast %jit3A_191 : f32 to vector<16xf32>
      %select_n3A_193 = arith.select %eq3A_188, %get3A_190, %broadcast_in_dim3A_192 : vector<16xi1>, vector<16xf32>
      %max3A_194 = arith.maximumf %max3A_184, %select_n3A_193 : vector<16xf32>
      %get3A_195 = arith.constant 80 : index
      %get3A_196 = tpu.vector_load %arg9[%get3A_195] {strides = array<i32>} : memref<320xi32, #tpu.memory_space<vmem>>, vector<16xi32>,
      %eq3A_197 = vector.broadcast %while3A_145 : i32 to vector<16xi32>
      %eq3A_198 = arith.cmpi eq, %get3A_196, %eq3A_197 : vector<16xi32>
      %get3A_199 = arith.constant 80 : index
      %get3A_200 = tpu.vector_load %arg11[%get3A_199] {strides = array<i32>} : memref<320xf32, #tpu.memory_space<vmem>>, vector<16xf32>,
      %jit3A_201 = arith.constant -1.000000e+30 : f32
      %broadcast_in_dim3A_202 = vector.broadcast %jit3A_201 : f32 to vector<16xf32>
      %select_n3A_203 = arith.select %eq3A_198, %get3A_200, %broadcast_in_dim3A_202 : vector<16xi1>, vector<16xf32>
      %max3A_204 = arith.maximumf %max3A_194, %select_n3A_203 : vector<16xf32>
      %get3A_205 = arith.constant 96 : index
      %get3A_206 = tpu.vector_load %arg9[%get3A_205] {strides = array<i32>} : memref<320xi32, #tpu.memory_space<vmem>>, vector<16xi32>,
      %eq3A_207 = vector.broadcast %while3A_145 : i32 to vector<16xi32>
      %eq3A_208 = arith.cmpi eq, %get3A_206, %eq3A_207 : vector<16xi32>
      %get3A_209 = arith.constant 96 : index
      %get3A_210 = tpu.vector_load %arg11[%get3A_209] {strides = array<i32>} : memref<320xf32, #tpu.memory_space<vmem>>, vector<16xf32>,
      %jit3A_211 = arith.constant -1.000000e+30 : f32
      %broadcast_in_dim3A_212 = vector.broadcast %jit3A_211 : f32 to vector<16xf32>
      %select_n3A_213 = arith.select %eq3A_208, %get3A_210, %broadcast_in_dim3A_212 : vector<16xi1>, vector<16xf32>
      %max3A_214 = arith.maximumf %max3A_204, %select_n3A_213 : vector<16xf32>
      %get3A_215 = arith.constant 112 : index
      %get3A_216 = tpu.vector_load %arg9[%get3A_215] {strides = array<i32>} : memref<320xi32, #tpu.memory_space<vmem>>, vector<16xi32>,
      %eq3A_217 = vector.broadcast %while3A_145 : i32 to vector<16xi32>
      %eq3A_218 = arith.cmpi eq, %get3A_216, %eq3A_217 : vector<16xi32>
      %get3A_219 = arith.constant 112 : index
      %get3A_220 = tpu.vector_load %arg11[%get3A_219] {strides = array<i32>} : memref<320xf32, #tpu.memory_space<vmem>>, vector<16xf32>,
      %jit3A_221 = arith.constant -1.000000e+30 : f32
      %broadcast_in_dim3A_222 = vector.broadcast %jit3A_221 : f32 to vector<16xf32>
      %select_n3A_223 = arith.select %eq3A_218, %get3A_220, %broadcast_in_dim3A_222 : vector<16xi1>, vector<16xf32>
      %max3A_224 = arith.maximumf %max3A_214, %select_n3A_223 : vector<16xf32>
      %get3A_225 = arith.constant 128 : index
      %get3A_226 = tpu.vector_load %arg9[%get3A_225] {strides = array<i32>} : memref<320xi32, #tpu.memory_space<vmem>>, vector<16xi32>,
      %eq3A_227 = vector.broadcast %while3A_145 : i32 to vector<16xi32>
      %eq3A_228 = arith.cmpi eq, %get3A_226, %eq3A_227 : vector<16xi32>
      %get3A_229 = arith.constant 128 : index
      %get3A_230 = tpu.vector_load %arg11[%get3A_229] {strides = array<i32>} : memref<320xf32, #tpu.memory_space<vmem>>, vector<16xf32>,
      %jit3A_231 = arith.constant -1.000000e+30 : f32
      %broadcast_in_dim3A_232 = vector.broadcast %jit3A_231 : f32 to vector<16xf32>
      %select_n3A_233 = arith.select %eq3A_228, %get3A_230, %broadcast_in_dim3A_232 : vector<16xi1>, vector<16xf32>
      %max3A_234 = arith.maximumf %max3A_224, %select_n3A_233 : vector<16xf32>
      %get3A_235 = arith.constant 144 : index
      %get3A_236 = tpu.vector_load %arg9[%get3A_235] {strides = array<i32>} : memref<320xi32, #tpu.memory_space<vmem>>, vector<16xi32>,
      %eq3A_237 = vector.broadcast %while3A_145 : i32 to vector<16xi32>
      %eq3A_238 = arith.cmpi eq, %get3A_236, %eq3A_237 : vector<16xi32>
      %get3A_239 = arith.constant 144 : index
      %get3A_240 = tpu.vector_load %arg11[%get3A_239] {strides = array<i32>} : memref<320xf32, #tpu.memory_space<vmem>>, vector<16xf32>,
      %jit3A_241 = arith.constant -1.000000e+30 : f32
      %broadcast_in_dim3A_242 = vector.broadcast %jit3A_241 : f32 to vector<16xf32>
      %select_n3A_243 = arith.select %eq3A_238, %get3A_240, %broadcast_in_dim3A_242 : vector<16xi1>, vector<16xf32>
      %max3A_244 = arith.maximumf %max3A_234, %select_n3A_243 : vector<16xf32>
      %get3A_245 = arith.constant 160 : index
      %get3A_246 = tpu.vector_load %arg9[%get3A_245] {strides = array<i32>} : memref<320xi32, #tpu.memory_space<vmem>>, vector<16xi32>,
      %eq3A_247 = vector.broadcast %while3A_145 : i32 to vector<16xi32>
      %eq3A_248 = arith.cmpi eq, %get3A_246, %eq3A_247 : vector<16xi32>
      %get3A_249 = arith.constant 160 : index
      %get3A_250 = tpu.vector_load %arg11[%get3A_249] {strides = array<i32>} : memref<320xf32, #tpu.memory_space<vmem>>, vector<16xf32>,
      %jit3A_251 = arith.constant -1.000000e+30 : f32
      %broadcast_in_dim3A_252 = vector.broadcast %jit3A_251 : f32 to vector<16xf32>
      %select_n3A_253 = arith.select %eq3A_248, %get3A_250, %broadcast_in_dim3A_252 : vector<16xi1>, vector<16xf32>
      %max3A_254 = arith.maximumf %max3A_244, %select_n3A_253 : vector<16xf32>
      %get3A_255 = arith.constant 176 : index
      %get3A_256 = tpu.vector_load %arg9[%get3A_255] {strides = array<i32>} : memref<320xi32, #tpu.memory_space<vmem>>, vector<16xi32>,
      %eq3A_257 = vector.broadcast %while3A_145 : i32 to vector<16xi32>
      %eq3A_258 = arith.cmpi eq, %get3A_256, %eq3A_257 : vector<16xi32>
      %get3A_259 = arith.constant 176 : index
      %get3A_260 = tpu.vector_load %arg11[%get3A_259] {strides = array<i32>} : memref<320xf32, #tpu.memory_space<vmem>>, vector<16xf32>,
      %jit3A_261 = arith.constant -1.000000e+30 : f32
      %broadcast_in_dim3A_262 = vector.broadcast %jit3A_261 : f32 to vector<16xf32>
      %select_n3A_263 = arith.select %eq3A_258, %get3A_260, %broadcast_in_dim3A_262 : vector<16xi1>, vector<16xf32>
      %max3A_264 = arith.maximumf %max3A_254, %select_n3A_263 : vector<16xf32>
      %get3A_265 = arith.constant 192 : index
      %get3A_266 = tpu.vector_load %arg9[%get3A_265] {strides = array<i32>} : memref<320xi32, #tpu.memory_space<vmem>>, vector<16xi32>,
      %eq3A_267 = vector.broadcast %while3A_145 : i32 to vector<16xi32>
      %eq3A_268 = arith.cmpi eq, %get3A_266, %eq3A_267 : vector<16xi32>
      %get3A_269 = arith.constant 192 : index
      %get3A_270 = tpu.vector_load %arg11[%get3A_269] {strides = array<i32>} : memref<320xf32, #tpu.memory_space<vmem>>, vector<16xf32>,
      %jit3A_271 = arith.constant -1.000000e+30 : f32
      %broadcast_in_dim3A_272 = vector.broadcast %jit3A_271 : f32 to vector<16xf32>
      %select_n3A_273 = arith.select %eq3A_268, %get3A_270, %broadcast_in_dim3A_272 : vector<16xi1>, vector<16xf32>
      %max3A_274 = arith.maximumf %max3A_264, %select_n3A_273 : vector<16xf32>
      %get3A_275 = arith.constant 208 : index
      %get3A_276 = tpu.vector_load %arg9[%get3A_275] {strides = array<i32>} : memref<320xi32, #tpu.memory_space<vmem>>, vector<16xi32>,
      %eq3A_277 = vector.broadcast %while3A_145 : i32 to vector<16xi32>
      %eq3A_278 = arith.cmpi eq, %get3A_276, %eq3A_277 : vector<16xi32>
      %get3A_279 = arith.constant 208 : index
      %get3A_280 = tpu.vector_load %arg11[%get3A_279] {strides = array<i32>} : memref<320xf32, #tpu.memory_space<vmem>>, vector<16xf32>,
      %jit3A_281 = arith.constant -1.000000e+30 : f32
      %broadcast_in_dim3A_282 = vector.broadcast %jit3A_281 : f32 to vector<16xf32>
      %select_n3A_283 = arith.select %eq3A_278, %get3A_280, %broadcast_in_dim3A_282 : vector<16xi1>, vector<16xf32>
      %max3A_284 = arith.maximumf %max3A_274, %select_n3A_283 : vector<16xf32>
      %get3A_285 = arith.constant 224 : index
      %get3A_286 = tpu.vector_load %arg9[%get3A_285] {strides = array<i32>} : memref<320xi32, #tpu.memory_space<vmem>>, vector<16xi32>,
      %eq3A_287 = vector.broadcast %while3A_145 : i32 to vector<16xi32>
      %eq3A_288 = arith.cmpi eq, %get3A_286, %eq3A_287 : vector<16xi32>
      %get3A_289 = arith.constant 224 : index
      %get3A_290 = tpu.vector_load %arg11[%get3A_289] {strides = array<i32>} : memref<320xf32, #tpu.memory_space<vmem>>, vector<16xf32>,
      %jit3A_291 = arith.constant -1.000000e+30 : f32
      %broadcast_in_dim3A_292 = vector.broadcast %jit3A_291 : f32 to vector<16xf32>
      %select_n3A_293 = arith.select %eq3A_288, %get3A_290, %broadcast_in_dim3A_292 : vector<16xi1>, vector<16xf32>
      %max3A_294 = arith.maximumf %max3A_284, %select_n3A_293 : vector<16xf32>
      %get3A_295 = arith.constant 240 : index
      %get3A_296 = tpu.vector_load %arg9[%get3A_295] {strides = array<i32>} : memref<320xi32, #tpu.memory_space<vmem>>, vector<16xi32>,
      %eq3A_297 = vector.broadcast %while3A_145 : i32 to vector<16xi32>
      %eq3A_298 = arith.cmpi eq, %get3A_296, %eq3A_297 : vector<16xi32>
      %get3A_299 = arith.constant 240 : index
      %get3A_300 = tpu.vector_load %arg11[%get3A_299] {strides = array<i32>} : memref<320xf32, #tpu.memory_space<vmem>>, vector<16xf32>,
      %jit3A_301 = arith.constant -1.000000e+30 : f32
      %broadcast_in_dim3A_302 = vector.broadcast %jit3A_301 : f32 to vector<16xf32>
      %select_n3A_303 = arith.select %eq3A_298, %get3A_300, %broadcast_in_dim3A_302 : vector<16xi1>, vector<16xf32>
      %max3A_304 = arith.maximumf %max3A_294, %select_n3A_303 : vector<16xf32>
      %get3A_305 = arith.constant 256 : index
      %get3A_306 = tpu.vector_load %arg9[%get3A_305] {strides = array<i32>} : memref<320xi32, #tpu.memory_space<vmem>>, vector<16xi32>,
      %eq3A_307 = vector.broadcast %while3A_145 : i32 to vector<16xi32>
      %eq3A_308 = arith.cmpi eq, %get3A_306, %eq3A_307 : vector<16xi32>
      %get3A_309 = arith.constant 256 : index
      %get3A_310 = tpu.vector_load %arg11[%get3A_309] {strides = array<i32>} : memref<320xf32, #tpu.memory_space<vmem>>, vector<16xf32>,
      %jit3A_311 = arith.constant -1.000000e+30 : f32
      %broadcast_in_dim3A_312 = vector.broadcast %jit3A_311 : f32 to vector<16xf32>
      %select_n3A_313 = arith.select %eq3A_308, %get3A_310, %broadcast_in_dim3A_312 : vector<16xi1>, vector<16xf32>
      %max3A_314 = arith.maximumf %max3A_304, %select_n3A_313 : vector<16xf32>
      %get3A_315 = arith.constant 272 : index
      %get3A_316 = tpu.vector_load %arg9[%get3A_315] {strides = array<i32>} : memref<320xi32, #tpu.memory_space<vmem>>, vector<16xi32>,
      %eq3A_317 = vector.broadcast %while3A_145 : i32 to vector<16xi32>
      %eq3A_318 = arith.cmpi eq, %get3A_316, %eq3A_317 : vector<16xi32>
      %get3A_319 = arith.constant 272 : index
      %get3A_320 = tpu.vector_load %arg11[%get3A_319] {strides = array<i32>} : memref<320xf32, #tpu.memory_space<vmem>>, vector<16xf32>,
      %jit3A_321 = arith.constant -1.000000e+30 : f32
      %broadcast_in_dim3A_322 = vector.broadcast %jit3A_321 : f32 to vector<16xf32>
      %select_n3A_323 = arith.select %eq3A_318, %get3A_320, %broadcast_in_dim3A_322 : vector<16xi1>, vector<16xf32>
      %max3A_324 = arith.maximumf %max3A_314, %select_n3A_323 : vector<16xf32>
      %get3A_325 = arith.constant 288 : index
      %get3A_326 = tpu.vector_load %arg9[%get3A_325] {strides = array<i32>} : memref<320xi32, #tpu.memory_space<vmem>>, vector<16xi32>,
      %eq3A_327 = vector.broadcast %while3A_145 : i32 to vector<16xi32>
      %eq3A_328 = arith.cmpi eq, %get3A_326, %eq3A_327 : vector<16xi32>
      %get3A_329 = arith.constant 288 : index
      %get3A_330 = tpu.vector_load %arg11[%get3A_329] {strides = array<i32>} : memref<320xf32, #tpu.memory_space<vmem>>, vector<16xf32>,
      %jit3A_331 = arith.constant -1.000000e+30 : f32
      %broadcast_in_dim3A_332 = vector.broadcast %jit3A_331 : f32 to vector<16xf32>
      %select_n3A_333 = arith.select %eq3A_328, %get3A_330, %broadcast_in_dim3A_332 : vector<16xi1>, vector<16xf32>
      %max3A_334 = arith.maximumf %max3A_324, %select_n3A_333 : vector<16xf32>
      %get3A_335 = arith.constant 304 : index
      %get3A_336 = tpu.vector_load %arg9[%get3A_335] {strides = array<i32>} : memref<320xi32, #tpu.memory_space<vmem>>, vector<16xi32>,
      %eq3A_337 = vector.broadcast %while3A_145 : i32 to vector<16xi32>
      %eq3A_338 = arith.cmpi eq, %get3A_336, %eq3A_337 : vector<16xi32>
      %get3A_339 = arith.constant 304 : index
      %get3A_340 = tpu.vector_load %arg11[%get3A_339] {strides = array<i32>} : memref<320xf32, #tpu.memory_space<vmem>>, vector<16xf32>,
      %jit3A_341 = arith.constant -1.000000e+30 : f32
      %broadcast_in_dim3A_342 = vector.broadcast %jit3A_341 : f32 to vector<16xf32>
      %select_n3A_343 = arith.select %eq3A_338, %get3A_340, %broadcast_in_dim3A_342 : vector<16xi1>, vector<16xf32>
      %max3A_344 = arith.maximumf %max3A_334, %select_n3A_343 : vector<16xf32>
      %reduce_max3A_345 = arith.constant true
      %reduce_max3A_346 = vector.broadcast %reduce_max3A_345 : i1 to vector<16xi1>
      %reduce_max3A_347 = tpu.scan <max>, %max3A_344 masked %reduce_max3A_346 : vector<16xf32>, vector<16xi1> -> vector<16xf32>
      %reduce_max3A_348 = vector.extract %reduce_max3A_347[15] : f32 from vector<16xf32>
      %get3A_349 = arith.constant 0 : index
      %get3A_350 = tpu.vector_load %arg9[%get3A_349] {strides = array<i32>} : memref<320xi32, #tpu.memory_space<vmem>>, vector<16xi32>,
      %eq3A_351 = vector.broadcast %while3A_145 : i32 to vector<16xi32>
      %eq3A_352 = arith.cmpi eq, %get3A_350, %eq3A_351 : vector<16xi32>
      %get3A_353 = arith.constant 0 : index
      %get3A_354 = tpu.vector_load %arg11[%get3A_353] {strides = array<i32>} : memref<320xf32, #tpu.memory_space<vmem>>, vector<16xf32>,
      %sub3A_355 = vector.broadcast %reduce_max3A_348 : f32 to vector<16xf32>
      %sub3A_356 = arith.subf %get3A_354, %sub3A_355 : vector<16xf32>
      %exp3A = math.exp %sub3A_356 : vector<16xf32>
      %jit3A_357 = arith.constant 0.000000e+00 : f32
      %broadcast_in_dim3A_358 = vector.broadcast %jit3A_357 : f32 to vector<16xf32>
      %select_n3A_359 = arith.select %eq3A_352, %exp3A, %broadcast_in_dim3A_358 : vector<16xi1>, vector<16xf32>
      %add3A_360 = arith.addf %broadcast_in_dim3A_93, %select_n3A_359 : vector<16xf32>
      %get3A_361 = arith.constant 16 : index
      %get3A_362 = tpu.vector_load %arg9[%get3A_361] {strides = array<i32>} : memref<320xi32, #tpu.memory_space<vmem>>, vector<16xi32>,
      %eq3A_363 = vector.broadcast %while3A_145 : i32 to vector<16xi32>
      %eq3A_364 = arith.cmpi eq, %get3A_362, %eq3A_363 : vector<16xi32>
      %get3A_365 = arith.constant 16 : index
      %get3A_366 = tpu.vector_load %arg11[%get3A_365] {strides = array<i32>} : memref<320xf32, #tpu.memory_space<vmem>>, vector<16xf32>,
      %sub3A_367 = vector.broadcast %reduce_max3A_348 : f32 to vector<16xf32>
      %sub3A_368 = arith.subf %get3A_366, %sub3A_367 : vector<16xf32>
      %exp3A_369 = math.exp %sub3A_368 : vector<16xf32>
      %jit3A_370 = arith.constant 0.000000e+00 : f32
      %broadcast_in_dim3A_371 = vector.broadcast %jit3A_370 : f32 to vector<16xf32>
      %select_n3A_372 = arith.select %eq3A_364, %exp3A_369, %broadcast_in_dim3A_371 : vector<16xi1>, vector<16xf32>
      %add3A_373 = arith.addf %add3A_360, %select_n3A_372 : vector<16xf32>
      %get3A_374 = arith.constant 32 : index
      %get3A_375 = tpu.vector_load %arg9[%get3A_374] {strides = array<i32>} : memref<320xi32, #tpu.memory_space<vmem>>, vector<16xi32>,
      %eq3A_376 = vector.broadcast %while3A_145 : i32 to vector<16xi32>
      %eq3A_377 = arith.cmpi eq, %get3A_375, %eq3A_376 : vector<16xi32>
      %get3A_378 = arith.constant 32 : index
      %get3A_379 = tpu.vector_load %arg11[%get3A_378] {strides = array<i32>} : memref<320xf32, #tpu.memory_space<vmem>>, vector<16xf32>,
      %sub3A_380 = vector.broadcast %reduce_max3A_348 : f32 to vector<16xf32>
      %sub3A_381 = arith.subf %get3A_379, %sub3A_380 : vector<16xf32>
      %exp3A_382 = math.exp %sub3A_381 : vector<16xf32>
      %jit3A_383 = arith.constant 0.000000e+00 : f32
      %broadcast_in_dim3A_384 = vector.broadcast %jit3A_383 : f32 to vector<16xf32>
      %select_n3A_385 = arith.select %eq3A_377, %exp3A_382, %broadcast_in_dim3A_384 : vector<16xi1>, vector<16xf32>
      %add3A_386 = arith.addf %add3A_373, %select_n3A_385 : vector<16xf32>
      %get3A_387 = arith.constant 48 : index
      %get3A_388 = tpu.vector_load %arg9[%get3A_387] {strides = array<i32>} : memref<320xi32, #tpu.memory_space<vmem>>, vector<16xi32>,
      %eq3A_389 = vector.broadcast %while3A_145 : i32 to vector<16xi32>
      %eq3A_390 = arith.cmpi eq, %get3A_388, %eq3A_389 : vector<16xi32>
      %get3A_391 = arith.constant 48 : index
      %get3A_392 = tpu.vector_load %arg11[%get3A_391] {strides = array<i32>} : memref<320xf32, #tpu.memory_space<vmem>>, vector<16xf32>,
      %sub3A_393 = vector.broadcast %reduce_max3A_348 : f32 to vector<16xf32>
      %sub3A_394 = arith.subf %get3A_392, %sub3A_393 : vector<16xf32>
      %exp3A_395 = math.exp %sub3A_394 : vector<16xf32>
      %jit3A_396 = arith.constant 0.000000e+00 : f32
      %broadcast_in_dim3A_397 = vector.broadcast %jit3A_396 : f32 to vector<16xf32>
      %select_n3A_398 = arith.select %eq3A_390, %exp3A_395, %broadcast_in_dim3A_397 : vector<16xi1>, vector<16xf32>
      %add3A_399 = arith.addf %add3A_386, %select_n3A_398 : vector<16xf32>
      %get3A_400 = arith.constant 64 : index
      %get3A_401 = tpu.vector_load %arg9[%get3A_400] {strides = array<i32>} : memref<320xi32, #tpu.memory_space<vmem>>, vector<16xi32>,
      %eq3A_402 = vector.broadcast %while3A_145 : i32 to vector<16xi32>
      %eq3A_403 = arith.cmpi eq, %get3A_401, %eq3A_402 : vector<16xi32>
      %get3A_404 = arith.constant 64 : index
      %get3A_405 = tpu.vector_load %arg11[%get3A_404] {strides = array<i32>} : memref<320xf32, #tpu.memory_space<vmem>>, vector<16xf32>,
      %sub3A_406 = vector.broadcast %reduce_max3A_348 : f32 to vector<16xf32>
      %sub3A_407 = arith.subf %get3A_405, %sub3A_406 : vector<16xf32>
      %exp3A_408 = math.exp %sub3A_407 : vector<16xf32>
      %jit3A_409 = arith.constant 0.000000e+00 : f32
      %broadcast_in_dim3A_410 = vector.broadcast %jit3A_409 : f32 to vector<16xf32>
      %select_n3A_411 = arith.select %eq3A_403, %exp3A_408, %broadcast_in_dim3A_410 : vector<16xi1>, vector<16xf32>
      %add3A_412 = arith.addf %add3A_399, %select_n3A_411 : vector<16xf32>
      %get3A_413 = arith.constant 80 : index
      %get3A_414 = tpu.vector_load %arg9[%get3A_413] {strides = array<i32>} : memref<320xi32, #tpu.memory_space<vmem>>, vector<16xi32>,
      %eq3A_415 = vector.broadcast %while3A_145 : i32 to vector<16xi32>
      %eq3A_416 = arith.cmpi eq, %get3A_414, %eq3A_415 : vector<16xi32>
      %get3A_417 = arith.constant 80 : index
      %get3A_418 = tpu.vector_load %arg11[%get3A_417] {strides = array<i32>} : memref<320xf32, #tpu.memory_space<vmem>>, vector<16xf32>,
      %sub3A_419 = vector.broadcast %reduce_max3A_348 : f32 to vector<16xf32>
      %sub3A_420 = arith.subf %get3A_418, %sub3A_419 : vector<16xf32>
      %exp3A_421 = math.exp %sub3A_420 : vector<16xf32>
      %jit3A_422 = arith.constant 0.000000e+00 : f32
      %broadcast_in_dim3A_423 = vector.broadcast %jit3A_422 : f32 to vector<16xf32>
      %select_n3A_424 = arith.select %eq3A_416, %exp3A_421, %broadcast_in_dim3A_423 : vector<16xi1>, vector<16xf32>
      %add3A_425 = arith.addf %add3A_412, %select_n3A_424 : vector<16xf32>
      %get3A_426 = arith.constant 96 : index
      %get3A_427 = tpu.vector_load %arg9[%get3A_426] {strides = array<i32>} : memref<320xi32, #tpu.memory_space<vmem>>, vector<16xi32>,
      %eq3A_428 = vector.broadcast %while3A_145 : i32 to vector<16xi32>
      %eq3A_429 = arith.cmpi eq, %get3A_427, %eq3A_428 : vector<16xi32>
      %get3A_430 = arith.constant 96 : index
      %get3A_431 = tpu.vector_load %arg11[%get3A_430] {strides = array<i32>} : memref<320xf32, #tpu.memory_space<vmem>>, vector<16xf32>,
      %sub3A_432 = vector.broadcast %reduce_max3A_348 : f32 to vector<16xf32>
      %sub3A_433 = arith.subf %get3A_431, %sub3A_432 : vector<16xf32>
      %exp3A_434 = math.exp %sub3A_433 : vector<16xf32>
      %jit3A_435 = arith.constant 0.000000e+00 : f32
      %broadcast_in_dim3A_436 = vector.broadcast %jit3A_435 : f32 to vector<16xf32>
      %select_n3A_437 = arith.select %eq3A_429, %exp3A_434, %broadcast_in_dim3A_436 : vector<16xi1>, vector<16xf32>
      %add3A_438 = arith.addf %add3A_425, %select_n3A_437 : vector<16xf32>
      %get3A_439 = arith.constant 112 : index
      %get3A_440 = tpu.vector_load %arg9[%get3A_439] {strides = array<i32>} : memref<320xi32, #tpu.memory_space<vmem>>, vector<16xi32>,
      %eq3A_441 = vector.broadcast %while3A_145 : i32 to vector<16xi32>
      %eq3A_442 = arith.cmpi eq, %get3A_440, %eq3A_441 : vector<16xi32>
      %get3A_443 = arith.constant 112 : index
      %get3A_444 = tpu.vector_load %arg11[%get3A_443] {strides = array<i32>} : memref<320xf32, #tpu.memory_space<vmem>>, vector<16xf32>,
      %sub3A_445 = vector.broadcast %reduce_max3A_348 : f32 to vector<16xf32>
      %sub3A_446 = arith.subf %get3A_444, %sub3A_445 : vector<16xf32>
      %exp3A_447 = math.exp %sub3A_446 : vector<16xf32>
      %jit3A_448 = arith.constant 0.000000e+00 : f32
      %broadcast_in_dim3A_449 = vector.broadcast %jit3A_448 : f32 to vector<16xf32>
      %select_n3A_450 = arith.select %eq3A_442, %exp3A_447, %broadcast_in_dim3A_449 : vector<16xi1>, vector<16xf32>
      %add3A_451 = arith.addf %add3A_438, %select_n3A_450 : vector<16xf32>
      %get3A_452 = arith.constant 128 : index
      %get3A_453 = tpu.vector_load %arg9[%get3A_452] {strides = array<i32>} : memref<320xi32, #tpu.memory_space<vmem>>, vector<16xi32>,
      %eq3A_454 = vector.broadcast %while3A_145 : i32 to vector<16xi32>
      %eq3A_455 = arith.cmpi eq, %get3A_453, %eq3A_454 : vector<16xi32>
      %get3A_456 = arith.constant 128 : index
      %get3A_457 = tpu.vector_load %arg11[%get3A_456] {strides = array<i32>} : memref<320xf32, #tpu.memory_space<vmem>>, vector<16xf32>,
      %sub3A_458 = vector.broadcast %reduce_max3A_348 : f32 to vector<16xf32>
      %sub3A_459 = arith.subf %get3A_457, %sub3A_458 : vector<16xf32>
      %exp3A_460 = math.exp %sub3A_459 : vector<16xf32>
      %jit3A_461 = arith.constant 0.000000e+00 : f32
      %broadcast_in_dim3A_462 = vector.broadcast %jit3A_461 : f32 to vector<16xf32>
      %select_n3A_463 = arith.select %eq3A_455, %exp3A_460, %broadcast_in_dim3A_462 : vector<16xi1>, vector<16xf32>
      %add3A_464 = arith.addf %add3A_451, %select_n3A_463 : vector<16xf32>
      %get3A_465 = arith.constant 144 : index
      %get3A_466 = tpu.vector_load %arg9[%get3A_465] {strides = array<i32>} : memref<320xi32, #tpu.memory_space<vmem>>, vector<16xi32>,
      %eq3A_467 = vector.broadcast %while3A_145 : i32 to vector<16xi32>
      %eq3A_468 = arith.cmpi eq, %get3A_466, %eq3A_467 : vector<16xi32>
      %get3A_469 = arith.constant 144 : index
      %get3A_470 = tpu.vector_load %arg11[%get3A_469] {strides = array<i32>} : memref<320xf32, #tpu.memory_space<vmem>>, vector<16xf32>,
      %sub3A_471 = vector.broadcast %reduce_max3A_348 : f32 to vector<16xf32>
      %sub3A_472 = arith.subf %get3A_470, %sub3A_471 : vector<16xf32>
      %exp3A_473 = math.exp %sub3A_472 : vector<16xf32>
      %jit3A_474 = arith.constant 0.000000e+00 : f32
      %broadcast_in_dim3A_475 = vector.broadcast %jit3A_474 : f32 to vector<16xf32>
      %select_n3A_476 = arith.select %eq3A_468, %exp3A_473, %broadcast_in_dim3A_475 : vector<16xi1>, vector<16xf32>
      %add3A_477 = arith.addf %add3A_464, %select_n3A_476 : vector<16xf32>
      %get3A_478 = arith.constant 160 : index
      %get3A_479 = tpu.vector_load %arg9[%get3A_478] {strides = array<i32>} : memref<320xi32, #tpu.memory_space<vmem>>, vector<16xi32>,
      %eq3A_480 = vector.broadcast %while3A_145 : i32 to vector<16xi32>
      %eq3A_481 = arith.cmpi eq, %get3A_479, %eq3A_480 : vector<16xi32>
      %get3A_482 = arith.constant 160 : index
      %get3A_483 = tpu.vector_load %arg11[%get3A_482] {strides = array<i32>} : memref<320xf32, #tpu.memory_space<vmem>>, vector<16xf32>,
      %sub3A_484 = vector.broadcast %reduce_max3A_348 : f32 to vector<16xf32>
      %sub3A_485 = arith.subf %get3A_483, %sub3A_484 : vector<16xf32>
      %exp3A_486 = math.exp %sub3A_485 : vector<16xf32>
      %jit3A_487 = arith.constant 0.000000e+00 : f32
      %broadcast_in_dim3A_488 = vector.broadcast %jit3A_487 : f32 to vector<16xf32>
      %select_n3A_489 = arith.select %eq3A_481, %exp3A_486, %broadcast_in_dim3A_488 : vector<16xi1>, vector<16xf32>
      %add3A_490 = arith.addf %add3A_477, %select_n3A_489 : vector<16xf32>
      %get3A_491 = arith.constant 176 : index
      %get3A_492 = tpu.vector_load %arg9[%get3A_491] {strides = array<i32>} : memref<320xi32, #tpu.memory_space<vmem>>, vector<16xi32>,
      %eq3A_493 = vector.broadcast %while3A_145 : i32 to vector<16xi32>
      %eq3A_494 = arith.cmpi eq, %get3A_492, %eq3A_493 : vector<16xi32>
      %get3A_495 = arith.constant 176 : index
      %get3A_496 = tpu.vector_load %arg11[%get3A_495] {strides = array<i32>} : memref<320xf32, #tpu.memory_space<vmem>>, vector<16xf32>,
      %sub3A_497 = vector.broadcast %reduce_max3A_348 : f32 to vector<16xf32>
      %sub3A_498 = arith.subf %get3A_496, %sub3A_497 : vector<16xf32>
      %exp3A_499 = math.exp %sub3A_498 : vector<16xf32>
      %jit3A_500 = arith.constant 0.000000e+00 : f32
      %broadcast_in_dim3A_501 = vector.broadcast %jit3A_500 : f32 to vector<16xf32>
      %select_n3A_502 = arith.select %eq3A_494, %exp3A_499, %broadcast_in_dim3A_501 : vector<16xi1>, vector<16xf32>
      %add3A_503 = arith.addf %add3A_490, %select_n3A_502 : vector<16xf32>
      %get3A_504 = arith.constant 192 : index
      %get3A_505 = tpu.vector_load %arg9[%get3A_504] {strides = array<i32>} : memref<320xi32, #tpu.memory_space<vmem>>, vector<16xi32>,
      %eq3A_506 = vector.broadcast %while3A_145 : i32 to vector<16xi32>
      %eq3A_507 = arith.cmpi eq, %get3A_505, %eq3A_506 : vector<16xi32>
      %get3A_508 = arith.constant 192 : index
      %get3A_509 = tpu.vector_load %arg11[%get3A_508] {strides = array<i32>} : memref<320xf32, #tpu.memory_space<vmem>>, vector<16xf32>,
      %sub3A_510 = vector.broadcast %reduce_max3A_348 : f32 to vector<16xf32>
      %sub3A_511 = arith.subf %get3A_509, %sub3A_510 : vector<16xf32>
      %exp3A_512 = math.exp %sub3A_511 : vector<16xf32>
      %jit3A_513 = arith.constant 0.000000e+00 : f32
      %broadcast_in_dim3A_514 = vector.broadcast %jit3A_513 : f32 to vector<16xf32>
      %select_n3A_515 = arith.select %eq3A_507, %exp3A_512, %broadcast_in_dim3A_514 : vector<16xi1>, vector<16xf32>
      %add3A_516 = arith.addf %add3A_503, %select_n3A_515 : vector<16xf32>
      %get3A_517 = arith.constant 208 : index
      %get3A_518 = tpu.vector_load %arg9[%get3A_517] {strides = array<i32>} : memref<320xi32, #tpu.memory_space<vmem>>, vector<16xi32>,
      %eq3A_519 = vector.broadcast %while3A_145 : i32 to vector<16xi32>
      %eq3A_520 = arith.cmpi eq, %get3A_518, %eq3A_519 : vector<16xi32>
      %get3A_521 = arith.constant 208 : index
      %get3A_522 = tpu.vector_load %arg11[%get3A_521] {strides = array<i32>} : memref<320xf32, #tpu.memory_space<vmem>>, vector<16xf32>,
      %sub3A_523 = vector.broadcast %reduce_max3A_348 : f32 to vector<16xf32>
      %sub3A_524 = arith.subf %get3A_522, %sub3A_523 : vector<16xf32>
      %exp3A_525 = math.exp %sub3A_524 : vector<16xf32>
      %jit3A_526 = arith.constant 0.000000e+00 : f32
      %broadcast_in_dim3A_527 = vector.broadcast %jit3A_526 : f32 to vector<16xf32>
      %select_n3A_528 = arith.select %eq3A_520, %exp3A_525, %broadcast_in_dim3A_527 : vector<16xi1>, vector<16xf32>
      %add3A_529 = arith.addf %add3A_516, %select_n3A_528 : vector<16xf32>
      %get3A_530 = arith.constant 224 : index
      %get3A_531 = tpu.vector_load %arg9[%get3A_530] {strides = array<i32>} : memref<320xi32, #tpu.memory_space<vmem>>, vector<16xi32>,
      %eq3A_532 = vector.broadcast %while3A_145 : i32 to vector<16xi32>
      %eq3A_533 = arith.cmpi eq, %get3A_531, %eq3A_532 : vector<16xi32>
      %get3A_534 = arith.constant 224 : index
      %get3A_535 = tpu.vector_load %arg11[%get3A_534] {strides = array<i32>} : memref<320xf32, #tpu.memory_space<vmem>>, vector<16xf32>,
      %sub3A_536 = vector.broadcast %reduce_max3A_348 : f32 to vector<16xf32>
      %sub3A_537 = arith.subf %get3A_535, %sub3A_536 : vector<16xf32>
      %exp3A_538 = math.exp %sub3A_537 : vector<16xf32>
      %jit3A_539 = arith.constant 0.000000e+00 : f32
      %broadcast_in_dim3A_540 = vector.broadcast %jit3A_539 : f32 to vector<16xf32>
      %select_n3A_541 = arith.select %eq3A_533, %exp3A_538, %broadcast_in_dim3A_540 : vector<16xi1>, vector<16xf32>
      %add3A_542 = arith.addf %add3A_529, %select_n3A_541 : vector<16xf32>
      %get3A_543 = arith.constant 240 : index
      %get3A_544 = tpu.vector_load %arg9[%get3A_543] {strides = array<i32>} : memref<320xi32, #tpu.memory_space<vmem>>, vector<16xi32>,
      %eq3A_545 = vector.broadcast %while3A_145 : i32 to vector<16xi32>
      %eq3A_546 = arith.cmpi eq, %get3A_544, %eq3A_545 : vector<16xi32>
      %get3A_547 = arith.constant 240 : index
      %get3A_548 = tpu.vector_load %arg11[%get3A_547] {strides = array<i32>} : memref<320xf32, #tpu.memory_space<vmem>>, vector<16xf32>,
      %sub3A_549 = vector.broadcast %reduce_max3A_348 : f32 to vector<16xf32>
      %sub3A_550 = arith.subf %get3A_548, %sub3A_549 : vector<16xf32>
      %exp3A_551 = math.exp %sub3A_550 : vector<16xf32>
      %jit3A_552 = arith.constant 0.000000e+00 : f32
      %broadcast_in_dim3A_553 = vector.broadcast %jit3A_552 : f32 to vector<16xf32>
      %select_n3A_554 = arith.select %eq3A_546, %exp3A_551, %broadcast_in_dim3A_553 : vector<16xi1>, vector<16xf32>
      %add3A_555 = arith.addf %add3A_542, %select_n3A_554 : vector<16xf32>
      %get3A_556 = arith.constant 256 : index
      %get3A_557 = tpu.vector_load %arg9[%get3A_556] {strides = array<i32>} : memref<320xi32, #tpu.memory_space<vmem>>, vector<16xi32>,
      %eq3A_558 = vector.broadcast %while3A_145 : i32 to vector<16xi32>
      %eq3A_559 = arith.cmpi eq, %get3A_557, %eq3A_558 : vector<16xi32>
      %get3A_560 = arith.constant 256 : index
      %get3A_561 = tpu.vector_load %arg11[%get3A_560] {strides = array<i32>} : memref<320xf32, #tpu.memory_space<vmem>>, vector<16xf32>,
      %sub3A_562 = vector.broadcast %reduce_max3A_348 : f32 to vector<16xf32>
      %sub3A_563 = arith.subf %get3A_561, %sub3A_562 : vector<16xf32>
      %exp3A_564 = math.exp %sub3A_563 : vector<16xf32>
      %jit3A_565 = arith.constant 0.000000e+00 : f32
      %broadcast_in_dim3A_566 = vector.broadcast %jit3A_565 : f32 to vector<16xf32>
      %select_n3A_567 = arith.select %eq3A_559, %exp3A_564, %broadcast_in_dim3A_566 : vector<16xi1>, vector<16xf32>
      %add3A_568 = arith.addf %add3A_555, %select_n3A_567 : vector<16xf32>
      %get3A_569 = arith.constant 272 : index
      %get3A_570 = tpu.vector_load %arg9[%get3A_569] {strides = array<i32>} : memref<320xi32, #tpu.memory_space<vmem>>, vector<16xi32>,
      %eq3A_571 = vector.broadcast %while3A_145 : i32 to vector<16xi32>
      %eq3A_572 = arith.cmpi eq, %get3A_570, %eq3A_571 : vector<16xi32>
      %get3A_573 = arith.constant 272 : index
      %get3A_574 = tpu.vector_load %arg11[%get3A_573] {strides = array<i32>} : memref<320xf32, #tpu.memory_space<vmem>>, vector<16xf32>,
      %sub3A_575 = vector.broadcast %reduce_max3A_348 : f32 to vector<16xf32>
      %sub3A_576 = arith.subf %get3A_574, %sub3A_575 : vector<16xf32>
      %exp3A_577 = math.exp %sub3A_576 : vector<16xf32>
      %jit3A_578 = arith.constant 0.000000e+00 : f32
      %broadcast_in_dim3A_579 = vector.broadcast %jit3A_578 : f32 to vector<16xf32>
      %select_n3A_580 = arith.select %eq3A_572, %exp3A_577, %broadcast_in_dim3A_579 : vector<16xi1>, vector<16xf32>
      %add3A_581 = arith.addf %add3A_568, %select_n3A_580 : vector<16xf32>
      %get3A_582 = arith.constant 288 : index
      %get3A_583 = tpu.vector_load %arg9[%get3A_582] {strides = array<i32>} : memref<320xi32, #tpu.memory_space<vmem>>, vector<16xi32>,
      %eq3A_584 = vector.broadcast %while3A_145 : i32 to vector<16xi32>
      %eq3A_585 = arith.cmpi eq, %get3A_583, %eq3A_584 : vector<16xi32>
      %get3A_586 = arith.constant 288 : index
      %get3A_587 = tpu.vector_load %arg11[%get3A_586] {strides = array<i32>} : memref<320xf32, #tpu.memory_space<vmem>>, vector<16xf32>,
      %sub3A_588 = vector.broadcast %reduce_max3A_348 : f32 to vector<16xf32>
      %sub3A_589 = arith.subf %get3A_587, %sub3A_588 : vector<16xf32>
      %exp3A_590 = math.exp %sub3A_589 : vector<16xf32>
      %jit3A_591 = arith.constant 0.000000e+00 : f32
      %broadcast_in_dim3A_592 = vector.broadcast %jit3A_591 : f32 to vector<16xf32>
      %select_n3A_593 = arith.select %eq3A_585, %exp3A_590, %broadcast_in_dim3A_592 : vector<16xi1>, vector<16xf32>
      %add3A_594 = arith.addf %add3A_581, %select_n3A_593 : vector<16xf32>
      %get3A_595 = arith.constant 304 : index
      %get3A_596 = tpu.vector_load %arg9[%get3A_595] {strides = array<i32>} : memref<320xi32, #tpu.memory_space<vmem>>, vector<16xi32>,
      %eq3A_597 = vector.broadcast %while3A_145 : i32 to vector<16xi32>
      %eq3A_598 = arith.cmpi eq, %get3A_596, %eq3A_597 : vector<16xi32>
      %get3A_599 = arith.constant 304 : index
      %get3A_600 = tpu.vector_load %arg11[%get3A_599] {strides = array<i32>} : memref<320xf32, #tpu.memory_space<vmem>>, vector<16xf32>,
      %sub3A_601 = vector.broadcast %reduce_max3A_348 : f32 to vector<16xf32>
      %sub3A_602 = arith.subf %get3A_600, %sub3A_601 : vector<16xf32>
      %exp3A_603 = math.exp %sub3A_602 : vector<16xf32>
      %jit3A_604 = arith.constant 0.000000e+00 : f32
      %broadcast_in_dim3A_605 = vector.broadcast %jit3A_604 : f32 to vector<16xf32>
      %select_n3A_606 = arith.select %eq3A_598, %exp3A_603, %broadcast_in_dim3A_605 : vector<16xi1>, vector<16xf32>
      %add3A_607 = arith.addf %add3A_594, %select_n3A_606 : vector<16xf32>
      %reduce_sum3A = arith.constant true
      %reduce_sum3A_608 = vector.broadcast %reduce_sum3A : i1 to vector<16xi1>
      %reduce_sum3A_609 = tpu.scan <sum>, %add3A_607 masked %reduce_sum3A_608 : vector<16xf32>, vector<16xi1> -> vector<16xf32>
      %reduce_sum3A_610 = vector.extract %reduce_sum3A_609[15] : f32 from vector<16xf32>
      %jit3A_611 = arith.constant 16 : i32
      %div3A_612 = arith.divsi %while3A_145, %jit3A_611 : i32
      %sign3A_613 = arith.constant 0 : i32
      %sign3A_614 = arith.cmpi sgt, %while3A_145, %sign3A_613 : i32
      %sign3A_615 = arith.extui %sign3A_614 : i1 to i32
      %sign3A_616 = arith.constant 0 : i32
      %sign3A_617 = arith.cmpi slt, %while3A_145, %sign3A_616 : i32
      %sign3A_618 = arith.extui %sign3A_617 : i1 to i32
      %sign3A_619 = arith.subi %sign3A_615, %sign3A_618 : i32
      %sign3A_620 = arith.constant 0 : i32
      %sign3A_621 = arith.cmpi sgt, %jit3A_611, %sign3A_620 : i32
      %sign3A_622 = arith.extui %sign3A_621 : i1 to i32
      %sign3A_623 = arith.constant 0 : i32
      %sign3A_624 = arith.cmpi slt, %jit3A_611, %sign3A_623 : i32
      %sign3A_625 = arith.extui %sign3A_624 : i1 to i32
      %sign3A_626 = arith.subi %sign3A_622, %sign3A_625 : i32
      %ne3A_627 = arith.cmpi ne, %sign3A_619, %sign3A_626 : i32
      %rem3A_628 = arith.remsi %while3A_145, %jit3A_611 : i32
      %ne3A_629 = arith.constant 0 : i32
      %ne3A_630 = arith.cmpi ne, %rem3A_628, %ne3A_629 : i32
      %and3A_631 = arith.andi %ne3A_627, %ne3A_630 : i1
      %sub3A_632 = arith.constant 1 : i32
      %sub3A_633 = arith.subi %div3A_612, %sub3A_632 : i32
      %select_n3A_634 = arith.select %and3A_631, %sub3A_633, %div3A_612 : i32
      %jit3A_635 = arith.constant 16 : i32
      %eq3A_636 = arith.constant 0 : i32
      %eq3A_637 = arith.cmpi eq, %jit3A_635, %eq3A_636 : i32
      %jit3A_638 = arith.constant 1 : i32
      %select_n3A_639 = arith.select %eq3A_637, %jit3A_638, %jit3A_635 : i32
      %rem3A_640 = arith.remsi %while3A_145, %select_n3A_639 : i32
      %ne3A_641 = arith.constant 0 : i32
      %ne3A_642 = arith.cmpi ne, %rem3A_640, %ne3A_641 : i32
      %lt3A = arith.constant 0 : i32
      %lt3A_643 = arith.cmpi slt, %rem3A_640, %lt3A : i32
      %lt3A_644 = arith.constant 0 : i32
      %lt3A_645 = arith.cmpi slt, %select_n3A_639, %lt3A_644 : i32
      %ne3A_646 = arith.xori %lt3A_643, %lt3A_645 : i1
      %and3A_647 = arith.andi %ne3A_646, %ne3A_642 : i1
      %add3A_648 = arith.addi %rem3A_640, %select_n3A_639 : i32
      %select_n3A_649 = arith.select %and3A_647, %add3A_648, %rem3A_640 : i32
      %eq3A_650 = vector.broadcast %select_n3A_649 : i32 to vector<16xi32>
      %eq3A_651 = arith.cmpi eq, %iota3A, %eq3A_650 : vector<16xi32>
      %mul3A_652 = arith.constant 16 : i32
      %mul3A_653 = arith.muli %select_n3A_634, %mul3A_652 : i32
      %get3A_654 = arith.index_cast %mul3A_653 : i32 to index
      %get3A_655 = tpu.vector_load %arg12[%get3A_654] {strides = array<i32>} : memref<64xf32, #tpu.memory_space<vmem>>, vector<16xf32>,
      %broadcast_in_dim3A_656 = vector.broadcast %reduce_max3A_348 : f32 to vector<16xf32>
      %select_n3A_657 = arith.select %eq3A_651, %broadcast_in_dim3A_656, %get3A_655 : vector<16xi1>, vector<16xf32>
      %mul3A_658 = arith.constant 16 : i32
      %mul3A_659 = arith.muli %select_n3A_634, %mul3A_658 : i32
      %swap3A_660 = arith.index_cast %mul3A_659 : i32 to index
      %swap3A_661 = tpu.vector_load %arg12[%swap3A_660] {strides = array<i32>} : memref<64xf32, #tpu.memory_space<vmem>>, vector<16xf32>,
      tpu.vector_store %arg12[%swap3A_660], %select_n3A_657 {strides = array<i32>} : memref<64xf32, #tpu.memory_space<vmem>>, vector<16xf32>,
      %mul3A_662 = arith.constant 16 : i32
      %mul3A_663 = arith.muli %select_n3A_634, %mul3A_662 : i32
      %get3A_664 = arith.index_cast %mul3A_663 : i32 to index
      %get3A_665 = tpu.vector_load %arg13[%get3A_664] {strides = array<i32>} : memref<64xf32, #tpu.memory_space<vmem>>, vector<16xf32>,
      %broadcast_in_dim3A_666 = vector.broadcast %reduce_sum3A_610 : f32 to vector<16xf32>
      %select_n3A_667 = arith.select %eq3A_651, %broadcast_in_dim3A_666, %get3A_665 : vector<16xi1>, vector<16xf32>
      %mul3A_668 = arith.constant 16 : i32
      %mul3A_669 = arith.muli %select_n3A_634, %mul3A_668 : i32
      %swap3A_670 = arith.index_cast %mul3A_669 : i32 to index
      %swap3A_671 = tpu.vector_load %arg13[%swap3A_670] {strides = array<i32>} : memref<64xf32, #tpu.memory_space<vmem>>, vector<16xf32>,
      tpu.vector_store %arg13[%swap3A_670], %select_n3A_667 {strides = array<i32>} : memref<64xf32, #tpu.memory_space<vmem>>, vector<16xf32>,
      %while3A_672 = arith.constant 0 : i32
      scf.yield %while3A_672 : i32
    }
    "tpu.region"() ({
      %run_scoped3A = tpu.sem_alloc : memref<!tpu.dma_semaphore, #tpu.memory_space<semaphore_mem>>
      %dma_start3A = tpu.memref_slice %arg5[%mul3A_2] : memref<10240xf32, #tpu.memory_space<hbm>> -> memref<320xf32, #tpu.memory_space<hbm>>
      %dma_start3A_145 = tpu.memref_slice %arg5[%mul3A_2] : memref<10240xf32, #tpu.memory_space<hbm>> -> memref<320xf32, #tpu.memory_space<hbm>>
      tpu.enqueue_dma source(%arg11 : memref<320xf32, #tpu.memory_space<vmem>>) target(%dma_start3A_145 : memref<320xf32, #tpu.memory_space<hbm>>) target_semaphore(%run_scoped3A : memref<!tpu.dma_semaphore, #tpu.memory_space<semaphore_mem>>)
      %dma_wait3A = tpu.memref_slice %arg5[%mul3A_2] : memref<10240xf32, #tpu.memory_space<hbm>> -> memref<320xf32, #tpu.memory_space<hbm>>
      %dma_wait3A_146 = tpu.memref_slice %arg5[%mul3A_2] : memref<10240xf32, #tpu.memory_space<hbm>> -> memref<320xf32, #tpu.memory_space<hbm>>
      tpu.wait_dma2 semaphore(%run_scoped3A : memref<!tpu.dma_semaphore, #tpu.memory_space<semaphore_mem>>) src(%arg11 : memref<320xf32, #tpu.memory_space<vmem>>) dst(%dma_wait3A_146 : memref<320xf32, #tpu.memory_space<hbm>>)
      tpu.yield
    }) : () -> ()
    "tpu.region"() ({
      %run_scoped3A = tpu.sem_alloc : memref<!tpu.dma_semaphore, #tpu.memory_space<semaphore_mem>>
      %dma_start3A = arith.constant 0 : i32
      %dma_start3A_145 = tpu.memref_slice %arg6[%add3A, %dma_start3A] : memref<32x64xf32, #tpu.memory_space<hbm>> -> memref<1x64xf32, #tpu.memory_space<hbm>>
      %dma_start3A_146 = tpu.memref_squeeze %dma_start3A_145 : memref<1x64xf32, #tpu.memory_space<hbm>> -> memref<64xf32, #tpu.memory_space<hbm>>
      %dma_start3A_147 = arith.constant 0 : i32
      %dma_start3A_148 = tpu.memref_slice %arg6[%add3A, %dma_start3A_147] : memref<32x64xf32, #tpu.memory_space<hbm>> -> memref<1x64xf32, #tpu.memory_space<hbm>>
      %dma_start3A_149 = tpu.memref_squeeze %dma_start3A_148 : memref<1x64xf32, #tpu.memory_space<hbm>> -> memref<64xf32, #tpu.memory_space<hbm>>
      tpu.enqueue_dma source(%arg12 : memref<64xf32, #tpu.memory_space<vmem>>) target(%dma_start3A_149 : memref<64xf32, #tpu.memory_space<hbm>>) target_semaphore(%run_scoped3A : memref<!tpu.dma_semaphore, #tpu.memory_space<semaphore_mem>>)
      %dma_wait3A = arith.constant 0 : i32
      %dma_wait3A_150 = tpu.memref_slice %arg6[%add3A, %dma_wait3A] : memref<32x64xf32, #tpu.memory_space<hbm>> -> memref<1x64xf32, #tpu.memory_space<hbm>>
      %dma_wait3A_151 = tpu.memref_squeeze %dma_wait3A_150 : memref<1x64xf32, #tpu.memory_space<hbm>> -> memref<64xf32, #tpu.memory_space<hbm>>
      %dma_wait3A_152 = arith.constant 0 : i32
      %dma_wait3A_153 = tpu.memref_slice %arg6[%add3A, %dma_wait3A_152] : memref<32x64xf32, #tpu.memory_space<hbm>> -> memref<1x64xf32, #tpu.memory_space<hbm>>
      %dma_wait3A_154 = tpu.memref_squeeze %dma_wait3A_153 : memref<1x64xf32, #tpu.memory_space<hbm>> -> memref<64xf32, #tpu.memory_space<hbm>>
      tpu.wait_dma2 semaphore(%run_scoped3A : memref<!tpu.dma_semaphore, #tpu.memory_space<semaphore_mem>>) src(%arg12 : memref<64xf32, #tpu.memory_space<vmem>>) dst(%dma_wait3A_154 : memref<64xf32, #tpu.memory_space<hbm>>)
      tpu.yield
    }) : () -> ()
    "tpu.region"() ({
      %run_scoped3A = tpu.sem_alloc : memref<!tpu.dma_semaphore, #tpu.memory_space<semaphore_mem>>
      %dma_start3A = arith.constant 0 : i32
      %dma_start3A_145 = tpu.memref_slice %arg7[%add3A, %dma_start3A] : memref<32x64xf32, #tpu.memory_space<hbm>> -> memref<1x64xf32, #tpu.memory_space<hbm>>
      %dma_start3A_146 = tpu.memref_squeeze %dma_start3A_145 : memref<1x64xf32, #tpu.memory_space<hbm>> -> memref<64xf32, #tpu.memory_space<hbm>>
      %dma_start3A_147 = arith.constant 0 : i32
      %dma_start3A_148 = tpu.memref_slice %arg7[%add3A, %dma_start3A_147] : memref<32x64xf32, #tpu.memory_space<hbm>> -> memref<1x64xf32, #tpu.memory_space<hbm>>
      %dma_start3A_149 = tpu.memref_squeeze %dma_start3A_148 : memref<1x64xf32, #tpu.memory_space<hbm>> -> memref<64xf32, #tpu.memory_space<hbm>>
      tpu.enqueue_dma source(%arg13 : memref<64xf32, #tpu.memory_space<vmem>>) target(%dma_start3A_149 : memref<64xf32, #tpu.memory_space<hbm>>) target_semaphore(%run_scoped3A : memref<!tpu.dma_semaphore, #tpu.memory_space<semaphore_mem>>)
      %dma_wait3A = arith.constant 0 : i32
      %dma_wait3A_150 = tpu.memref_slice %arg7[%add3A, %dma_wait3A] : memref<32x64xf32, #tpu.memory_space<hbm>> -> memref<1x64xf32, #tpu.memory_space<hbm>>
      %dma_wait3A_151 = tpu.memref_squeeze %dma_wait3A_150 : memref<1x64xf32, #tpu.memory_space<hbm>> -> memref<64xf32, #tpu.memory_space<hbm>>
      %dma_wait3A_152 = arith.constant 0 : i32
      %dma_wait3A_153 = tpu.memref_slice %arg7[%add3A, %dma_wait3A_152] : memref<32x64xf32, #tpu.memory_space<hbm>> -> memref<1x64xf32, #tpu.memory_space<hbm>>
      %dma_wait3A_154 = tpu.memref_squeeze %dma_wait3A_153 : memref<1x64xf32, #tpu.memory_space<hbm>> -> memref<64xf32, #tpu.memory_space<hbm>>
      tpu.wait_dma2 semaphore(%run_scoped3A : memref<!tpu.dma_semaphore, #tpu.memory_space<semaphore_mem>>) src(%arg13 : memref<64xf32, #tpu.memory_space<vmem>>) dst(%dma_wait3A_154 : memref<64xf32, #tpu.memory_space<hbm>>)
      tpu.yield
    }) : () -> ()
    return
  }
}

#map = affine_map<(d0, d1) -> (0, 0)>
#map1 = affine_map<(d0, d1) -> (0)>
module attributes {stable_mosaic.version = 14 : i64} {
  func.func @_k2_body(%arg0: i32, %arg1: i32, %arg2: memref<10000x128xf32, #tpu.memory_space<hbm>>, %arg3: memref<10240xi32, #tpu.memory_space<hbm>>, %arg4: memref<10240xf32, #tpu.memory_space<hbm>>, %arg5: memref<32x64xf32, #tpu.memory_space<hbm>>, %arg6: memref<32x64xf32, #tpu.memory_space<hbm>>, %arg7: memref<10000x128xf32, #tpu.memory_space<hbm>>, %arg8: memref<16x128xf32, #tpu.memory_space<vmem>>, %arg9: memref<320xi32, #tpu.memory_space<vmem>>, %arg10: memref<320xf32, #tpu.memory_space<vmem>>, %arg11: memref<320xf32, #tpu.memory_space<vmem>>, %arg12: memref<32x64xf32, #tpu.memory_space<vmem>>, %arg13: memref<32x64xf32, #tpu.memory_space<vmem>>, %arg14: memref<64xf32, #tpu.memory_space<vmem>>, %arg15: memref<64xf32, #tpu.memory_space<vmem>>) attributes {dimension_semantics = [#tpu.dimension_semantics<core_parallel>, #tpu.dimension_semantics<subcore_parallel>], iteration_bounds = array<i64: 2, 16>, scalar_prefetch = 0 : i64, scratch_operands = 8 : i64, tpu.core_type = #tpu.core_type<sc_vector_subcore>, window_params = [{transform_indices = #map}, {transform_indices = #map1}, {transform_indices = #map1}, {transform_indices = #map}, {transform_indices = #map}, {transform_indices = #map}]} {
    %mul3A = arith.constant 16 : i32
    %mul3A_0 = arith.muli %arg0, %mul3A : i32
    %add3A = arith.addi %mul3A_0, %arg1 : i32
    %mul3A_1 = arith.constant 320 : i32
    %mul3A_2 = arith.muli %add3A, %mul3A_1 : i32
    %sub3A = arith.constant 10000 : i32
    %sub3A_3 = arith.subi %sub3A, %mul3A_2 : i32
    %min3A = arith.constant 320 : i32
    %min3A_4 = arith.minsi %min3A, %sub3A_3 : i32
    %add3A_5 = arith.constant 16 : i32
    %add3A_6 = arith.addi %min3A_4, %add3A_5 : i32
    %sub3A_7 = arith.constant 1 : i32
    %sub3A_8 = arith.subi %add3A_6, %sub3A_7 : i32
    %jit3A = arith.constant 16 : i32
    %div3A = arith.divsi %sub3A_8, %jit3A : i32
    %sign3A = arith.constant 0 : i32
    %sign3A_9 = arith.cmpi sgt, %sub3A_8, %sign3A : i32
    %sign3A_10 = arith.extui %sign3A_9 : i1 to i32
    %sign3A_11 = arith.constant 0 : i32
    %sign3A_12 = arith.cmpi slt, %sub3A_8, %sign3A_11 : i32
    %sign3A_13 = arith.extui %sign3A_12 : i1 to i32
    %sign3A_14 = arith.subi %sign3A_10, %sign3A_13 : i32
    %sign3A_15 = arith.constant 0 : i32
    %sign3A_16 = arith.cmpi sgt, %jit3A, %sign3A_15 : i32
    %sign3A_17 = arith.extui %sign3A_16 : i1 to i32
    %sign3A_18 = arith.constant 0 : i32
    %sign3A_19 = arith.cmpi slt, %jit3A, %sign3A_18 : i32
    %sign3A_20 = arith.extui %sign3A_19 : i1 to i32
    %sign3A_21 = arith.subi %sign3A_17, %sign3A_20 : i32
    %ne3A = arith.cmpi ne, %sign3A_14, %sign3A_21 : i32
    %rem3A = arith.remsi %sub3A_8, %jit3A : i32
    %ne3A_22 = arith.constant 0 : i32
    %ne3A_23 = arith.cmpi ne, %rem3A, %ne3A_22 : i32
    %and3A = arith.andi %ne3A, %ne3A_23 : i1
    %sub3A_24 = arith.constant 1 : i32
    %sub3A_25 = arith.subi %div3A, %sub3A_24 : i32
    %select_n3A = arith.select %and3A, %sub3A_25, %div3A : i32
    "tpu.region"() ({
      %run_scoped3A = tpu.sem_alloc : memref<!tpu.dma_semaphore, #tpu.memory_space<semaphore_mem>>
      tpu.enqueue_dma source(%arg5 : memref<32x64xf32, #tpu.memory_space<hbm>>) target(%arg12 : memref<32x64xf32, #tpu.memory_space<vmem>>) target_semaphore(%run_scoped3A : memref<!tpu.dma_semaphore, #tpu.memory_space<semaphore_mem>>)
      tpu.wait_dma2 semaphore(%run_scoped3A : memref<!tpu.dma_semaphore, #tpu.memory_space<semaphore_mem>>) src(%arg5 : memref<32x64xf32, #tpu.memory_space<hbm>>) dst(%arg12 : memref<32x64xf32, #tpu.memory_space<vmem>>)
      tpu.yield
    }) : () -> ()
    "tpu.region"() ({
      %run_scoped3A = tpu.sem_alloc : memref<!tpu.dma_semaphore, #tpu.memory_space<semaphore_mem>>
      tpu.enqueue_dma source(%arg6 : memref<32x64xf32, #tpu.memory_space<hbm>>) target(%arg13 : memref<32x64xf32, #tpu.memory_space<vmem>>) target_semaphore(%run_scoped3A : memref<!tpu.dma_semaphore, #tpu.memory_space<semaphore_mem>>)
      tpu.wait_dma2 semaphore(%run_scoped3A : memref<!tpu.dma_semaphore, #tpu.memory_space<semaphore_mem>>) src(%arg6 : memref<32x64xf32, #tpu.memory_space<hbm>>) dst(%arg13 : memref<32x64xf32, #tpu.memory_space<vmem>>)
      tpu.yield
    }) : () -> ()
    "tpu.region"() ({
      %run_scoped3A = tpu.sem_alloc : memref<!tpu.dma_semaphore, #tpu.memory_space<semaphore_mem>>
      %dma_start3A = tpu.memref_slice %arg3[%mul3A_2] : memref<10240xi32, #tpu.memory_space<hbm>> -> memref<320xi32, #tpu.memory_space<hbm>>
      %dma_start3A_295 = tpu.memref_slice %arg3[%mul3A_2] : memref<10240xi32, #tpu.memory_space<hbm>> -> memref<320xi32, #tpu.memory_space<hbm>>
      tpu.enqueue_dma source(%dma_start3A_295 : memref<320xi32, #tpu.memory_space<hbm>>) target(%arg9 : memref<320xi32, #tpu.memory_space<vmem>>) target_semaphore(%run_scoped3A : memref<!tpu.dma_semaphore, #tpu.memory_space<semaphore_mem>>)
      %dma_wait3A = tpu.memref_slice %arg3[%mul3A_2] : memref<10240xi32, #tpu.memory_space<hbm>> -> memref<320xi32, #tpu.memory_space<hbm>>
      %dma_wait3A_296 = tpu.memref_slice %arg3[%mul3A_2] : memref<10240xi32, #tpu.memory_space<hbm>> -> memref<320xi32, #tpu.memory_space<hbm>>
      tpu.wait_dma2 semaphore(%run_scoped3A : memref<!tpu.dma_semaphore, #tpu.memory_space<semaphore_mem>>) src(%dma_wait3A_296 : memref<320xi32, #tpu.memory_space<hbm>>) dst(%arg9 : memref<320xi32, #tpu.memory_space<vmem>>)
      tpu.yield
    }) : () -> ()
    "tpu.region"() ({
      %run_scoped3A = tpu.sem_alloc : memref<!tpu.dma_semaphore, #tpu.memory_space<semaphore_mem>>
      %dma_start3A = tpu.memref_slice %arg4[%mul3A_2] : memref<10240xf32, #tpu.memory_space<hbm>> -> memref<320xf32, #tpu.memory_space<hbm>>
      %dma_start3A_295 = tpu.memref_slice %arg4[%mul3A_2] : memref<10240xf32, #tpu.memory_space<hbm>> -> memref<320xf32, #tpu.memory_space<hbm>>
      tpu.enqueue_dma source(%dma_start3A_295 : memref<320xf32, #tpu.memory_space<hbm>>) target(%arg10 : memref<320xf32, #tpu.memory_space<vmem>>) target_semaphore(%run_scoped3A : memref<!tpu.dma_semaphore, #tpu.memory_space<semaphore_mem>>)
      %dma_wait3A = tpu.memref_slice %arg4[%mul3A_2] : memref<10240xf32, #tpu.memory_space<hbm>> -> memref<320xf32, #tpu.memory_space<hbm>>
      %dma_wait3A_296 = tpu.memref_slice %arg4[%mul3A_2] : memref<10240xf32, #tpu.memory_space<hbm>> -> memref<320xf32, #tpu.memory_space<hbm>>
      tpu.wait_dma2 semaphore(%run_scoped3A : memref<!tpu.dma_semaphore, #tpu.memory_space<semaphore_mem>>) src(%dma_wait3A_296 : memref<320xf32, #tpu.memory_space<hbm>>) dst(%arg10 : memref<320xf32, #tpu.memory_space<vmem>>)
      tpu.yield
    }) : () -> ()
    %broadcast_in_dim3A = arith.constant -1.000000e+30 : f32
    %broadcast_in_dim3A_26 = vector.broadcast %broadcast_in_dim3A : f32 to vector<16xf32>
    %broadcast_in_dim3A_27 = arith.constant -1.000000e+30 : f32
    %broadcast_in_dim3A_28 = vector.broadcast %broadcast_in_dim3A_27 : f32 to vector<16xf32>
    %broadcast_in_dim3A_29 = arith.constant -1.000000e+30 : f32
    %broadcast_in_dim3A_30 = vector.broadcast %broadcast_in_dim3A_29 : f32 to vector<16xf32>
    %broadcast_in_dim3A_31 = arith.constant -1.000000e+30 : f32
    %broadcast_in_dim3A_32 = vector.broadcast %broadcast_in_dim3A_31 : f32 to vector<16xf32>
    %scan3A = arith.constant 0 : i32
    %scan3A_33 = arith.constant 32 : i32
    %scan3A_34 = arith.addi %scan3A, %scan3A_33 : i32
    %scan3A_35 = arith.constant 1 : i32
    %scan3A_36:4 = scf.for %scan3A_295 = %scan3A to %scan3A_34 step %scan3A_35 iter_args(%scan3A_296 = %broadcast_in_dim3A_26, %scan3A_297 = %broadcast_in_dim3A_28, %scan3A_298 = %broadcast_in_dim3A_30, %scan3A_299 = %broadcast_in_dim3A_32) -> (vector<16xf32>, vector<16xf32>, vector<16xf32>, vector<16xf32>)  : i32 {
      %get3A_300 = arith.index_cast %scan3A_295 : i32 to index
      %get3A_301 = arith.constant 0 : index
      %get3A_302 = tpu.vector_load %arg12[%get3A_300, %get3A_301] {strides = array<i32>} : memref<32x64xf32, #tpu.memory_space<vmem>>, vector<16xf32>,
      %max3A = arith.maximumf %scan3A_296, %get3A_302 : vector<16xf32>
      %get3A_303 = arith.index_cast %scan3A_295 : i32 to index
      %get3A_304 = arith.constant 16 : index
      %get3A_305 = tpu.vector_load %arg12[%get3A_303, %get3A_304] {strides = array<i32>} : memref<32x64xf32, #tpu.memory_space<vmem>>, vector<16xf32>,
      %max3A_306 = arith.maximumf %scan3A_297, %get3A_305 : vector<16xf32>
      %get3A_307 = arith.index_cast %scan3A_295 : i32 to index
      %get3A_308 = arith.constant 32 : index
      %get3A_309 = tpu.vector_load %arg12[%get3A_307, %get3A_308] {strides = array<i32>} : memref<32x64xf32, #tpu.memory_space<vmem>>, vector<16xf32>,
      %max3A_310 = arith.maximumf %scan3A_298, %get3A_309 : vector<16xf32>
      %get3A_311 = arith.index_cast %scan3A_295 : i32 to index
      %get3A_312 = arith.constant 48 : index
      %get3A_313 = tpu.vector_load %arg12[%get3A_311, %get3A_312] {strides = array<i32>} : memref<32x64xf32, #tpu.memory_space<vmem>>, vector<16xf32>,
      %max3A_314 = arith.maximumf %scan3A_299, %get3A_313 : vector<16xf32>
      scf.yield %max3A, %max3A_306, %max3A_310, %max3A_314 : vector<16xf32>, vector<16xf32>, vector<16xf32>, vector<16xf32>
    }
    %scan3A_37 = arith.constant 32 : i32
    %broadcast_in_dim3A_38 = arith.constant 0.000000e+00 : f32
    %broadcast_in_dim3A_39 = vector.broadcast %broadcast_in_dim3A_38 : f32 to vector<16xf32>
    %broadcast_in_dim3A_40 = arith.constant 0.000000e+00 : f32
    %broadcast_in_dim3A_41 = vector.broadcast %broadcast_in_dim3A_40 : f32 to vector<16xf32>
    %broadcast_in_dim3A_42 = arith.constant 0.000000e+00 : f32
    %broadcast_in_dim3A_43 = vector.broadcast %broadcast_in_dim3A_42 : f32 to vector<16xf32>
    %broadcast_in_dim3A_44 = arith.constant 0.000000e+00 : f32
    %broadcast_in_dim3A_45 = vector.broadcast %broadcast_in_dim3A_44 : f32 to vector<16xf32>
    %scan3A_46 = arith.constant 0 : i32
    %scan3A_47 = arith.constant 32 : i32
    %scan3A_48 = arith.addi %scan3A_46, %scan3A_47 : i32
    %scan3A_49 = arith.constant 1 : i32
    %scan3A_50:4 = scf.for %scan3A_295 = %scan3A_46 to %scan3A_48 step %scan3A_49 iter_args(%scan3A_296 = %broadcast_in_dim3A_39, %scan3A_297 = %broadcast_in_dim3A_41, %scan3A_298 = %broadcast_in_dim3A_43, %scan3A_299 = %broadcast_in_dim3A_45) -> (vector<16xf32>, vector<16xf32>, vector<16xf32>, vector<16xf32>)  : i32 {
      %get3A_300 = arith.index_cast %scan3A_295 : i32 to index
      %get3A_301 = arith.constant 0 : index
      %get3A_302 = tpu.vector_load %arg13[%get3A_300, %get3A_301] {strides = array<i32>} : memref<32x64xf32, #tpu.memory_space<vmem>>, vector<16xf32>,
      %get3A_303 = arith.index_cast %scan3A_295 : i32 to index
      %get3A_304 = arith.constant 0 : index
      %get3A_305 = tpu.vector_load %arg12[%get3A_303, %get3A_304] {strides = array<i32>} : memref<32x64xf32, #tpu.memory_space<vmem>>, vector<16xf32>,
      %sub3A_306 = arith.subf %get3A_305, %scan3A_36#0 : vector<16xf32>
      %exp3A_307 = math.exp %sub3A_306 : vector<16xf32>
      %mul3A_308 = arith.mulf %get3A_302, %exp3A_307 : vector<16xf32>
      %add3A_309 = arith.addf %scan3A_296, %mul3A_308 : vector<16xf32>
      %get3A_310 = arith.index_cast %scan3A_295 : i32 to index
      %get3A_311 = arith.constant 16 : index
      %get3A_312 = tpu.vector_load %arg13[%get3A_310, %get3A_311] {strides = array<i32>} : memref<32x64xf32, #tpu.memory_space<vmem>>, vector<16xf32>,
      %get3A_313 = arith.index_cast %scan3A_295 : i32 to index
      %get3A_314 = arith.constant 16 : index
      %get3A_315 = tpu.vector_load %arg12[%get3A_313, %get3A_314] {strides = array<i32>} : memref<32x64xf32, #tpu.memory_space<vmem>>, vector<16xf32>,
      %sub3A_316 = arith.subf %get3A_315, %scan3A_36#1 : vector<16xf32>
      %exp3A_317 = math.exp %sub3A_316 : vector<16xf32>
      %mul3A_318 = arith.mulf %get3A_312, %exp3A_317 : vector<16xf32>
      %add3A_319 = arith.addf %scan3A_297, %mul3A_318 : vector<16xf32>
      %get3A_320 = arith.index_cast %scan3A_295 : i32 to index
      %get3A_321 = arith.constant 32 : index
      %get3A_322 = tpu.vector_load %arg13[%get3A_320, %get3A_321] {strides = array<i32>} : memref<32x64xf32, #tpu.memory_space<vmem>>, vector<16xf32>,
      %get3A_323 = arith.index_cast %scan3A_295 : i32 to index
      %get3A_324 = arith.constant 32 : index
      %get3A_325 = tpu.vector_load %arg12[%get3A_323, %get3A_324] {strides = array<i32>} : memref<32x64xf32, #tpu.memory_space<vmem>>, vector<16xf32>,
      %sub3A_326 = arith.subf %get3A_325, %scan3A_36#2 : vector<16xf32>
      %exp3A_327 = math.exp %sub3A_326 : vector<16xf32>
      %mul3A_328 = arith.mulf %get3A_322, %exp3A_327 : vector<16xf32>
      %add3A_329 = arith.addf %scan3A_298, %mul3A_328 : vector<16xf32>
      %get3A_330 = arith.index_cast %scan3A_295 : i32 to index
      %get3A_331 = arith.constant 48 : index
      %get3A_332 = tpu.vector_load %arg13[%get3A_330, %get3A_331] {strides = array<i32>} : memref<32x64xf32, #tpu.memory_space<vmem>>, vector<16xf32>,
      %get3A_333 = arith.index_cast %scan3A_295 : i32 to index
      %get3A_334 = arith.constant 48 : index
      %get3A_335 = tpu.vector_load %arg12[%get3A_333, %get3A_334] {strides = array<i32>} : memref<32x64xf32, #tpu.memory_space<vmem>>, vector<16xf32>,
      %sub3A_336 = arith.subf %get3A_335, %scan3A_36#3 : vector<16xf32>
      %exp3A_337 = math.exp %sub3A_336 : vector<16xf32>
      %mul3A_338 = arith.mulf %get3A_332, %exp3A_337 : vector<16xf32>
      %add3A_339 = arith.addf %scan3A_299, %mul3A_338 : vector<16xf32>
      scf.yield %add3A_309, %add3A_319, %add3A_329, %add3A_339 : vector<16xf32>, vector<16xf32>, vector<16xf32>, vector<16xf32>
    }
    %scan3A_51 = arith.constant 32 : i32
    %swap3A = arith.constant 0 : index
    %swap3A_52 = tpu.vector_load %arg14[%swap3A] {strides = array<i32>} : memref<64xf32, #tpu.memory_space<vmem>>, vector<16xf32>,
    tpu.vector_store %arg14[%swap3A], %scan3A_36#0 {strides = array<i32>} : memref<64xf32, #tpu.memory_space<vmem>>, vector<16xf32>,
    %swap3A_53 = arith.constant 0 : index
    %swap3A_54 = tpu.vector_load %arg15[%swap3A_53] {strides = array<i32>} : memref<64xf32, #tpu.memory_space<vmem>>, vector<16xf32>,
    tpu.vector_store %arg15[%swap3A_53], %scan3A_50#0 {strides = array<i32>} : memref<64xf32, #tpu.memory_space<vmem>>, vector<16xf32>,
    %swap3A_55 = arith.constant 16 : index
    %swap3A_56 = tpu.vector_load %arg14[%swap3A_55] {strides = array<i32>} : memref<64xf32, #tpu.memory_space<vmem>>, vector<16xf32>,
    tpu.vector_store %arg14[%swap3A_55], %scan3A_36#1 {strides = array<i32>} : memref<64xf32, #tpu.memory_space<vmem>>, vector<16xf32>,
    %swap3A_57 = arith.constant 16 : index
    %swap3A_58 = tpu.vector_load %arg15[%swap3A_57] {strides = array<i32>} : memref<64xf32, #tpu.memory_space<vmem>>, vector<16xf32>,
    tpu.vector_store %arg15[%swap3A_57], %scan3A_50#1 {strides = array<i32>} : memref<64xf32, #tpu.memory_space<vmem>>, vector<16xf32>,
    %swap3A_59 = arith.constant 32 : index
    %swap3A_60 = tpu.vector_load %arg14[%swap3A_59] {strides = array<i32>} : memref<64xf32, #tpu.memory_space<vmem>>, vector<16xf32>,
    tpu.vector_store %arg14[%swap3A_59], %scan3A_36#2 {strides = array<i32>} : memref<64xf32, #tpu.memory_space<vmem>>, vector<16xf32>,
    %swap3A_61 = arith.constant 32 : index
    %swap3A_62 = tpu.vector_load %arg15[%swap3A_61] {strides = array<i32>} : memref<64xf32, #tpu.memory_space<vmem>>, vector<16xf32>,
    tpu.vector_store %arg15[%swap3A_61], %scan3A_50#2 {strides = array<i32>} : memref<64xf32, #tpu.memory_space<vmem>>, vector<16xf32>,
    %swap3A_63 = arith.constant 48 : index
    %swap3A_64 = tpu.vector_load %arg14[%swap3A_63] {strides = array<i32>} : memref<64xf32, #tpu.memory_space<vmem>>, vector<16xf32>,
    tpu.vector_store %arg14[%swap3A_63], %scan3A_36#3 {strides = array<i32>} : memref<64xf32, #tpu.memory_space<vmem>>, vector<16xf32>,
    %swap3A_65 = arith.constant 48 : index
    %swap3A_66 = tpu.vector_load %arg15[%swap3A_65] {strides = array<i32>} : memref<64xf32, #tpu.memory_space<vmem>>, vector<16xf32>,
    tpu.vector_store %arg15[%swap3A_65], %scan3A_50#3 {strides = array<i32>} : memref<64xf32, #tpu.memory_space<vmem>>, vector<16xf32>,
    %get3A = arith.constant 0 : index
    %get3A_67 = tpu.vector_load %arg9[%get3A] {strides = array<i32>} : memref<320xi32, #tpu.memory_space<vmem>>, vector<16xi32>,
    %gather3A = tpu.vector_load_idx %arg14[%get3A_67] : memref<64xf32, #tpu.memory_space<vmem>>[vector<16xi32>], vector<16xf32>,
    %gather3A_68 = tpu.vector_load_idx %arg15[%get3A_67] : memref<64xf32, #tpu.memory_space<vmem>>[vector<16xi32>], vector<16xf32>,
    %get3A_69 = arith.constant 0 : index
    %get3A_70 = tpu.vector_load %arg10[%get3A_69] {strides = array<i32>} : memref<320xf32, #tpu.memory_space<vmem>>, vector<16xf32>,
    %sub3A_71 = arith.subf %get3A_70, %gather3A : vector<16xf32>
    %exp3A = math.exp %sub3A_71 : vector<16xf32>
    %div3A_72 = arith.divf %exp3A, %gather3A_68 : vector<16xf32>
    %swap3A_73 = arith.constant 0 : index
    %swap3A_74 = tpu.vector_load %arg11[%swap3A_73] {strides = array<i32>} : memref<320xf32, #tpu.memory_space<vmem>>, vector<16xf32>,
    tpu.vector_store %arg11[%swap3A_73], %div3A_72 {strides = array<i32>} : memref<320xf32, #tpu.memory_space<vmem>>, vector<16xf32>,
    %get3A_75 = arith.constant 16 : index
    %get3A_76 = tpu.vector_load %arg9[%get3A_75] {strides = array<i32>} : memref<320xi32, #tpu.memory_space<vmem>>, vector<16xi32>,
    %gather3A_77 = tpu.vector_load_idx %arg14[%get3A_76] : memref<64xf32, #tpu.memory_space<vmem>>[vector<16xi32>], vector<16xf32>,
    %gather3A_78 = tpu.vector_load_idx %arg15[%get3A_76] : memref<64xf32, #tpu.memory_space<vmem>>[vector<16xi32>], vector<16xf32>,
    %get3A_79 = arith.constant 16 : index
    %get3A_80 = tpu.vector_load %arg10[%get3A_79] {strides = array<i32>} : memref<320xf32, #tpu.memory_space<vmem>>, vector<16xf32>,
    %sub3A_81 = arith.subf %get3A_80, %gather3A_77 : vector<16xf32>
    %exp3A_82 = math.exp %sub3A_81 : vector<16xf32>
    %div3A_83 = arith.divf %exp3A_82, %gather3A_78 : vector<16xf32>
    %swap3A_84 = arith.constant 16 : index
    %swap3A_85 = tpu.vector_load %arg11[%swap3A_84] {strides = array<i32>} : memref<320xf32, #tpu.memory_space<vmem>>, vector<16xf32>,
    tpu.vector_store %arg11[%swap3A_84], %div3A_83 {strides = array<i32>} : memref<320xf32, #tpu.memory_space<vmem>>, vector<16xf32>,
    %get3A_86 = arith.constant 32 : index
    %get3A_87 = tpu.vector_load %arg9[%get3A_86] {strides = array<i32>} : memref<320xi32, #tpu.memory_space<vmem>>, vector<16xi32>,
    %gather3A_88 = tpu.vector_load_idx %arg14[%get3A_87] : memref<64xf32, #tpu.memory_space<vmem>>[vector<16xi32>], vector<16xf32>,
    %gather3A_89 = tpu.vector_load_idx %arg15[%get3A_87] : memref<64xf32, #tpu.memory_space<vmem>>[vector<16xi32>], vector<16xf32>,
    %get3A_90 = arith.constant 32 : index
    %get3A_91 = tpu.vector_load %arg10[%get3A_90] {strides = array<i32>} : memref<320xf32, #tpu.memory_space<vmem>>, vector<16xf32>,
    %sub3A_92 = arith.subf %get3A_91, %gather3A_88 : vector<16xf32>
    %exp3A_93 = math.exp %sub3A_92 : vector<16xf32>
    %div3A_94 = arith.divf %exp3A_93, %gather3A_89 : vector<16xf32>
    %swap3A_95 = arith.constant 32 : index
    %swap3A_96 = tpu.vector_load %arg11[%swap3A_95] {strides = array<i32>} : memref<320xf32, #tpu.memory_space<vmem>>, vector<16xf32>,
    tpu.vector_store %arg11[%swap3A_95], %div3A_94 {strides = array<i32>} : memref<320xf32, #tpu.memory_space<vmem>>, vector<16xf32>,
    %get3A_97 = arith.constant 48 : index
    %get3A_98 = tpu.vector_load %arg9[%get3A_97] {strides = array<i32>} : memref<320xi32, #tpu.memory_space<vmem>>, vector<16xi32>,
    %gather3A_99 = tpu.vector_load_idx %arg14[%get3A_98] : memref<64xf32, #tpu.memory_space<vmem>>[vector<16xi32>], vector<16xf32>,
    %gather3A_100 = tpu.vector_load_idx %arg15[%get3A_98] : memref<64xf32, #tpu.memory_space<vmem>>[vector<16xi32>], vector<16xf32>,
    %get3A_101 = arith.constant 48 : index
    %get3A_102 = tpu.vector_load %arg10[%get3A_101] {strides = array<i32>} : memref<320xf32, #tpu.memory_space<vmem>>, vector<16xf32>,
    %sub3A_103 = arith.subf %get3A_102, %gather3A_99 : vector<16xf32>
    %exp3A_104 = math.exp %sub3A_103 : vector<16xf32>
    %div3A_105 = arith.divf %exp3A_104, %gather3A_100 : vector<16xf32>
    %swap3A_106 = arith.constant 48 : index
    %swap3A_107 = tpu.vector_load %arg11[%swap3A_106] {strides = array<i32>} : memref<320xf32, #tpu.memory_space<vmem>>, vector<16xf32>,
    tpu.vector_store %arg11[%swap3A_106], %div3A_105 {strides = array<i32>} : memref<320xf32, #tpu.memory_space<vmem>>, vector<16xf32>,
    %get3A_108 = arith.constant 64 : index
    %get3A_109 = tpu.vector_load %arg9[%get3A_108] {strides = array<i32>} : memref<320xi32, #tpu.memory_space<vmem>>, vector<16xi32>,
    %gather3A_110 = tpu.vector_load_idx %arg14[%get3A_109] : memref<64xf32, #tpu.memory_space<vmem>>[vector<16xi32>], vector<16xf32>,
    %gather3A_111 = tpu.vector_load_idx %arg15[%get3A_109] : memref<64xf32, #tpu.memory_space<vmem>>[vector<16xi32>], vector<16xf32>,
    %get3A_112 = arith.constant 64 : index
    %get3A_113 = tpu.vector_load %arg10[%get3A_112] {strides = array<i32>} : memref<320xf32, #tpu.memory_space<vmem>>, vector<16xf32>,
    %sub3A_114 = arith.subf %get3A_113, %gather3A_110 : vector<16xf32>
    %exp3A_115 = math.exp %sub3A_114 : vector<16xf32>
    %div3A_116 = arith.divf %exp3A_115, %gather3A_111 : vector<16xf32>
    %swap3A_117 = arith.constant 64 : index
    %swap3A_118 = tpu.vector_load %arg11[%swap3A_117] {strides = array<i32>} : memref<320xf32, #tpu.memory_space<vmem>>, vector<16xf32>,
    tpu.vector_store %arg11[%swap3A_117], %div3A_116 {strides = array<i32>} : memref<320xf32, #tpu.memory_space<vmem>>, vector<16xf32>,
    %get3A_119 = arith.constant 80 : index
    %get3A_120 = tpu.vector_load %arg9[%get3A_119] {strides = array<i32>} : memref<320xi32, #tpu.memory_space<vmem>>, vector<16xi32>,
    %gather3A_121 = tpu.vector_load_idx %arg14[%get3A_120] : memref<64xf32, #tpu.memory_space<vmem>>[vector<16xi32>], vector<16xf32>,
    %gather3A_122 = tpu.vector_load_idx %arg15[%get3A_120] : memref<64xf32, #tpu.memory_space<vmem>>[vector<16xi32>], vector<16xf32>,
    %get3A_123 = arith.constant 80 : index
    %get3A_124 = tpu.vector_load %arg10[%get3A_123] {strides = array<i32>} : memref<320xf32, #tpu.memory_space<vmem>>, vector<16xf32>,
    %sub3A_125 = arith.subf %get3A_124, %gather3A_121 : vector<16xf32>
    %exp3A_126 = math.exp %sub3A_125 : vector<16xf32>
    %div3A_127 = arith.divf %exp3A_126, %gather3A_122 : vector<16xf32>
    %swap3A_128 = arith.constant 80 : index
    %swap3A_129 = tpu.vector_load %arg11[%swap3A_128] {strides = array<i32>} : memref<320xf32, #tpu.memory_space<vmem>>, vector<16xf32>,
    tpu.vector_store %arg11[%swap3A_128], %div3A_127 {strides = array<i32>} : memref<320xf32, #tpu.memory_space<vmem>>, vector<16xf32>,
    %get3A_130 = arith.constant 96 : index
    %get3A_131 = tpu.vector_load %arg9[%get3A_130] {strides = array<i32>} : memref<320xi32, #tpu.memory_space<vmem>>, vector<16xi32>,
    %gather3A_132 = tpu.vector_load_idx %arg14[%get3A_131] : memref<64xf32, #tpu.memory_space<vmem>>[vector<16xi32>], vector<16xf32>,
    %gather3A_133 = tpu.vector_load_idx %arg15[%get3A_131] : memref<64xf32, #tpu.memory_space<vmem>>[vector<16xi32>], vector<16xf32>,
    %get3A_134 = arith.constant 96 : index
    %get3A_135 = tpu.vector_load %arg10[%get3A_134] {strides = array<i32>} : memref<320xf32, #tpu.memory_space<vmem>>, vector<16xf32>,
    %sub3A_136 = arith.subf %get3A_135, %gather3A_132 : vector<16xf32>
    %exp3A_137 = math.exp %sub3A_136 : vector<16xf32>
    %div3A_138 = arith.divf %exp3A_137, %gather3A_133 : vector<16xf32>
    %swap3A_139 = arith.constant 96 : index
    %swap3A_140 = tpu.vector_load %arg11[%swap3A_139] {strides = array<i32>} : memref<320xf32, #tpu.memory_space<vmem>>, vector<16xf32>,
    tpu.vector_store %arg11[%swap3A_139], %div3A_138 {strides = array<i32>} : memref<320xf32, #tpu.memory_space<vmem>>, vector<16xf32>,
    %get3A_141 = arith.constant 112 : index
    %get3A_142 = tpu.vector_load %arg9[%get3A_141] {strides = array<i32>} : memref<320xi32, #tpu.memory_space<vmem>>, vector<16xi32>,
    %gather3A_143 = tpu.vector_load_idx %arg14[%get3A_142] : memref<64xf32, #tpu.memory_space<vmem>>[vector<16xi32>], vector<16xf32>,
    %gather3A_144 = tpu.vector_load_idx %arg15[%get3A_142] : memref<64xf32, #tpu.memory_space<vmem>>[vector<16xi32>], vector<16xf32>,
    %get3A_145 = arith.constant 112 : index
    %get3A_146 = tpu.vector_load %arg10[%get3A_145] {strides = array<i32>} : memref<320xf32, #tpu.memory_space<vmem>>, vector<16xf32>,
    %sub3A_147 = arith.subf %get3A_146, %gather3A_143 : vector<16xf32>
    %exp3A_148 = math.exp %sub3A_147 : vector<16xf32>
    %div3A_149 = arith.divf %exp3A_148, %gather3A_144 : vector<16xf32>
    %swap3A_150 = arith.constant 112 : index
    %swap3A_151 = tpu.vector_load %arg11[%swap3A_150] {strides = array<i32>} : memref<320xf32, #tpu.memory_space<vmem>>, vector<16xf32>,
    tpu.vector_store %arg11[%swap3A_150], %div3A_149 {strides = array<i32>} : memref<320xf32, #tpu.memory_space<vmem>>, vector<16xf32>,
    %get3A_152 = arith.constant 128 : index
    %get3A_153 = tpu.vector_load %arg9[%get3A_152] {strides = array<i32>} : memref<320xi32, #tpu.memory_space<vmem>>, vector<16xi32>,
    %gather3A_154 = tpu.vector_load_idx %arg14[%get3A_153] : memref<64xf32, #tpu.memory_space<vmem>>[vector<16xi32>], vector<16xf32>,
    %gather3A_155 = tpu.vector_load_idx %arg15[%get3A_153] : memref<64xf32, #tpu.memory_space<vmem>>[vector<16xi32>], vector<16xf32>,
    %get3A_156 = arith.constant 128 : index
    %get3A_157 = tpu.vector_load %arg10[%get3A_156] {strides = array<i32>} : memref<320xf32, #tpu.memory_space<vmem>>, vector<16xf32>,
    %sub3A_158 = arith.subf %get3A_157, %gather3A_154 : vector<16xf32>
    %exp3A_159 = math.exp %sub3A_158 : vector<16xf32>
    %div3A_160 = arith.divf %exp3A_159, %gather3A_155 : vector<16xf32>
    %swap3A_161 = arith.constant 128 : index
    %swap3A_162 = tpu.vector_load %arg11[%swap3A_161] {strides = array<i32>} : memref<320xf32, #tpu.memory_space<vmem>>, vector<16xf32>,
    tpu.vector_store %arg11[%swap3A_161], %div3A_160 {strides = array<i32>} : memref<320xf32, #tpu.memory_space<vmem>>, vector<16xf32>,
    %get3A_163 = arith.constant 144 : index
    %get3A_164 = tpu.vector_load %arg9[%get3A_163] {strides = array<i32>} : memref<320xi32, #tpu.memory_space<vmem>>, vector<16xi32>,
    %gather3A_165 = tpu.vector_load_idx %arg14[%get3A_164] : memref<64xf32, #tpu.memory_space<vmem>>[vector<16xi32>], vector<16xf32>,
    %gather3A_166 = tpu.vector_load_idx %arg15[%get3A_164] : memref<64xf32, #tpu.memory_space<vmem>>[vector<16xi32>], vector<16xf32>,
    %get3A_167 = arith.constant 144 : index
    %get3A_168 = tpu.vector_load %arg10[%get3A_167] {strides = array<i32>} : memref<320xf32, #tpu.memory_space<vmem>>, vector<16xf32>,
    %sub3A_169 = arith.subf %get3A_168, %gather3A_165 : vector<16xf32>
    %exp3A_170 = math.exp %sub3A_169 : vector<16xf32>
    %div3A_171 = arith.divf %exp3A_170, %gather3A_166 : vector<16xf32>
    %swap3A_172 = arith.constant 144 : index
    %swap3A_173 = tpu.vector_load %arg11[%swap3A_172] {strides = array<i32>} : memref<320xf32, #tpu.memory_space<vmem>>, vector<16xf32>,
    tpu.vector_store %arg11[%swap3A_172], %div3A_171 {strides = array<i32>} : memref<320xf32, #tpu.memory_space<vmem>>, vector<16xf32>,
    %get3A_174 = arith.constant 160 : index
    %get3A_175 = tpu.vector_load %arg9[%get3A_174] {strides = array<i32>} : memref<320xi32, #tpu.memory_space<vmem>>, vector<16xi32>,
    %gather3A_176 = tpu.vector_load_idx %arg14[%get3A_175] : memref<64xf32, #tpu.memory_space<vmem>>[vector<16xi32>], vector<16xf32>,
    %gather3A_177 = tpu.vector_load_idx %arg15[%get3A_175] : memref<64xf32, #tpu.memory_space<vmem>>[vector<16xi32>], vector<16xf32>,
    %get3A_178 = arith.constant 160 : index
    %get3A_179 = tpu.vector_load %arg10[%get3A_178] {strides = array<i32>} : memref<320xf32, #tpu.memory_space<vmem>>, vector<16xf32>,
    %sub3A_180 = arith.subf %get3A_179, %gather3A_176 : vector<16xf32>
    %exp3A_181 = math.exp %sub3A_180 : vector<16xf32>
    %div3A_182 = arith.divf %exp3A_181, %gather3A_177 : vector<16xf32>
    %swap3A_183 = arith.constant 160 : index
    %swap3A_184 = tpu.vector_load %arg11[%swap3A_183] {strides = array<i32>} : memref<320xf32, #tpu.memory_space<vmem>>, vector<16xf32>,
    tpu.vector_store %arg11[%swap3A_183], %div3A_182 {strides = array<i32>} : memref<320xf32, #tpu.memory_space<vmem>>, vector<16xf32>,
    %get3A_185 = arith.constant 176 : index
    %get3A_186 = tpu.vector_load %arg9[%get3A_185] {strides = array<i32>} : memref<320xi32, #tpu.memory_space<vmem>>, vector<16xi32>,
    %gather3A_187 = tpu.vector_load_idx %arg14[%get3A_186] : memref<64xf32, #tpu.memory_space<vmem>>[vector<16xi32>], vector<16xf32>,
    %gather3A_188 = tpu.vector_load_idx %arg15[%get3A_186] : memref<64xf32, #tpu.memory_space<vmem>>[vector<16xi32>], vector<16xf32>,
    %get3A_189 = arith.constant 176 : index
    %get3A_190 = tpu.vector_load %arg10[%get3A_189] {strides = array<i32>} : memref<320xf32, #tpu.memory_space<vmem>>, vector<16xf32>,
    %sub3A_191 = arith.subf %get3A_190, %gather3A_187 : vector<16xf32>
    %exp3A_192 = math.exp %sub3A_191 : vector<16xf32>
    %div3A_193 = arith.divf %exp3A_192, %gather3A_188 : vector<16xf32>
    %swap3A_194 = arith.constant 176 : index
    %swap3A_195 = tpu.vector_load %arg11[%swap3A_194] {strides = array<i32>} : memref<320xf32, #tpu.memory_space<vmem>>, vector<16xf32>,
    tpu.vector_store %arg11[%swap3A_194], %div3A_193 {strides = array<i32>} : memref<320xf32, #tpu.memory_space<vmem>>, vector<16xf32>,
    %get3A_196 = arith.constant 192 : index
    %get3A_197 = tpu.vector_load %arg9[%get3A_196] {strides = array<i32>} : memref<320xi32, #tpu.memory_space<vmem>>, vector<16xi32>,
    %gather3A_198 = tpu.vector_load_idx %arg14[%get3A_197] : memref<64xf32, #tpu.memory_space<vmem>>[vector<16xi32>], vector<16xf32>,
    %gather3A_199 = tpu.vector_load_idx %arg15[%get3A_197] : memref<64xf32, #tpu.memory_space<vmem>>[vector<16xi32>], vector<16xf32>,
    %get3A_200 = arith.constant 192 : index
    %get3A_201 = tpu.vector_load %arg10[%get3A_200] {strides = array<i32>} : memref<320xf32, #tpu.memory_space<vmem>>, vector<16xf32>,
    %sub3A_202 = arith.subf %get3A_201, %gather3A_198 : vector<16xf32>
    %exp3A_203 = math.exp %sub3A_202 : vector<16xf32>
    %div3A_204 = arith.divf %exp3A_203, %gather3A_199 : vector<16xf32>
    %swap3A_205 = arith.constant 192 : index
    %swap3A_206 = tpu.vector_load %arg11[%swap3A_205] {strides = array<i32>} : memref<320xf32, #tpu.memory_space<vmem>>, vector<16xf32>,
    tpu.vector_store %arg11[%swap3A_205], %div3A_204 {strides = array<i32>} : memref<320xf32, #tpu.memory_space<vmem>>, vector<16xf32>,
    %get3A_207 = arith.constant 208 : index
    %get3A_208 = tpu.vector_load %arg9[%get3A_207] {strides = array<i32>} : memref<320xi32, #tpu.memory_space<vmem>>, vector<16xi32>,
    %gather3A_209 = tpu.vector_load_idx %arg14[%get3A_208] : memref<64xf32, #tpu.memory_space<vmem>>[vector<16xi32>], vector<16xf32>,
    %gather3A_210 = tpu.vector_load_idx %arg15[%get3A_208] : memref<64xf32, #tpu.memory_space<vmem>>[vector<16xi32>], vector<16xf32>,
    %get3A_211 = arith.constant 208 : index
    %get3A_212 = tpu.vector_load %arg10[%get3A_211] {strides = array<i32>} : memref<320xf32, #tpu.memory_space<vmem>>, vector<16xf32>,
    %sub3A_213 = arith.subf %get3A_212, %gather3A_209 : vector<16xf32>
    %exp3A_214 = math.exp %sub3A_213 : vector<16xf32>
    %div3A_215 = arith.divf %exp3A_214, %gather3A_210 : vector<16xf32>
    %swap3A_216 = arith.constant 208 : index
    %swap3A_217 = tpu.vector_load %arg11[%swap3A_216] {strides = array<i32>} : memref<320xf32, #tpu.memory_space<vmem>>, vector<16xf32>,
    tpu.vector_store %arg11[%swap3A_216], %div3A_215 {strides = array<i32>} : memref<320xf32, #tpu.memory_space<vmem>>, vector<16xf32>,
    %get3A_218 = arith.constant 224 : index
    %get3A_219 = tpu.vector_load %arg9[%get3A_218] {strides = array<i32>} : memref<320xi32, #tpu.memory_space<vmem>>, vector<16xi32>,
    %gather3A_220 = tpu.vector_load_idx %arg14[%get3A_219] : memref<64xf32, #tpu.memory_space<vmem>>[vector<16xi32>], vector<16xf32>,
    %gather3A_221 = tpu.vector_load_idx %arg15[%get3A_219] : memref<64xf32, #tpu.memory_space<vmem>>[vector<16xi32>], vector<16xf32>,
    %get3A_222 = arith.constant 224 : index
    %get3A_223 = tpu.vector_load %arg10[%get3A_222] {strides = array<i32>} : memref<320xf32, #tpu.memory_space<vmem>>, vector<16xf32>,
    %sub3A_224 = arith.subf %get3A_223, %gather3A_220 : vector<16xf32>
    %exp3A_225 = math.exp %sub3A_224 : vector<16xf32>
    %div3A_226 = arith.divf %exp3A_225, %gather3A_221 : vector<16xf32>
    %swap3A_227 = arith.constant 224 : index
    %swap3A_228 = tpu.vector_load %arg11[%swap3A_227] {strides = array<i32>} : memref<320xf32, #tpu.memory_space<vmem>>, vector<16xf32>,
    tpu.vector_store %arg11[%swap3A_227], %div3A_226 {strides = array<i32>} : memref<320xf32, #tpu.memory_space<vmem>>, vector<16xf32>,
    %get3A_229 = arith.constant 240 : index
    %get3A_230 = tpu.vector_load %arg9[%get3A_229] {strides = array<i32>} : memref<320xi32, #tpu.memory_space<vmem>>, vector<16xi32>,
    %gather3A_231 = tpu.vector_load_idx %arg14[%get3A_230] : memref<64xf32, #tpu.memory_space<vmem>>[vector<16xi32>], vector<16xf32>,
    %gather3A_232 = tpu.vector_load_idx %arg15[%get3A_230] : memref<64xf32, #tpu.memory_space<vmem>>[vector<16xi32>], vector<16xf32>,
    %get3A_233 = arith.constant 240 : index
    %get3A_234 = tpu.vector_load %arg10[%get3A_233] {strides = array<i32>} : memref<320xf32, #tpu.memory_space<vmem>>, vector<16xf32>,
    %sub3A_235 = arith.subf %get3A_234, %gather3A_231 : vector<16xf32>
    %exp3A_236 = math.exp %sub3A_235 : vector<16xf32>
    %div3A_237 = arith.divf %exp3A_236, %gather3A_232 : vector<16xf32>
    %swap3A_238 = arith.constant 240 : index
    %swap3A_239 = tpu.vector_load %arg11[%swap3A_238] {strides = array<i32>} : memref<320xf32, #tpu.memory_space<vmem>>, vector<16xf32>,
    tpu.vector_store %arg11[%swap3A_238], %div3A_237 {strides = array<i32>} : memref<320xf32, #tpu.memory_space<vmem>>, vector<16xf32>,
    %get3A_240 = arith.constant 256 : index
    %get3A_241 = tpu.vector_load %arg9[%get3A_240] {strides = array<i32>} : memref<320xi32, #tpu.memory_space<vmem>>, vector<16xi32>,
    %gather3A_242 = tpu.vector_load_idx %arg14[%get3A_241] : memref<64xf32, #tpu.memory_space<vmem>>[vector<16xi32>], vector<16xf32>,
    %gather3A_243 = tpu.vector_load_idx %arg15[%get3A_241] : memref<64xf32, #tpu.memory_space<vmem>>[vector<16xi32>], vector<16xf32>,
    %get3A_244 = arith.constant 256 : index
    %get3A_245 = tpu.vector_load %arg10[%get3A_244] {strides = array<i32>} : memref<320xf32, #tpu.memory_space<vmem>>, vector<16xf32>,
    %sub3A_246 = arith.subf %get3A_245, %gather3A_242 : vector<16xf32>
    %exp3A_247 = math.exp %sub3A_246 : vector<16xf32>
    %div3A_248 = arith.divf %exp3A_247, %gather3A_243 : vector<16xf32>
    %swap3A_249 = arith.constant 256 : index
    %swap3A_250 = tpu.vector_load %arg11[%swap3A_249] {strides = array<i32>} : memref<320xf32, #tpu.memory_space<vmem>>, vector<16xf32>,
    tpu.vector_store %arg11[%swap3A_249], %div3A_248 {strides = array<i32>} : memref<320xf32, #tpu.memory_space<vmem>>, vector<16xf32>,
    %get3A_251 = arith.constant 272 : index
    %get3A_252 = tpu.vector_load %arg9[%get3A_251] {strides = array<i32>} : memref<320xi32, #tpu.memory_space<vmem>>, vector<16xi32>,
    %gather3A_253 = tpu.vector_load_idx %arg14[%get3A_252] : memref<64xf32, #tpu.memory_space<vmem>>[vector<16xi32>], vector<16xf32>,
    %gather3A_254 = tpu.vector_load_idx %arg15[%get3A_252] : memref<64xf32, #tpu.memory_space<vmem>>[vector<16xi32>], vector<16xf32>,
    %get3A_255 = arith.constant 272 : index
    %get3A_256 = tpu.vector_load %arg10[%get3A_255] {strides = array<i32>} : memref<320xf32, #tpu.memory_space<vmem>>, vector<16xf32>,
    %sub3A_257 = arith.subf %get3A_256, %gather3A_253 : vector<16xf32>
    %exp3A_258 = math.exp %sub3A_257 : vector<16xf32>
    %div3A_259 = arith.divf %exp3A_258, %gather3A_254 : vector<16xf32>
    %swap3A_260 = arith.constant 272 : index
    %swap3A_261 = tpu.vector_load %arg11[%swap3A_260] {strides = array<i32>} : memref<320xf32, #tpu.memory_space<vmem>>, vector<16xf32>,
    tpu.vector_store %arg11[%swap3A_260], %div3A_259 {strides = array<i32>} : memref<320xf32, #tpu.memory_space<vmem>>, vector<16xf32>,
    %get3A_262 = arith.constant 288 : index
    %get3A_263 = tpu.vector_load %arg9[%get3A_262] {strides = array<i32>} : memref<320xi32, #tpu.memory_space<vmem>>, vector<16xi32>,
    %gather3A_264 = tpu.vector_load_idx %arg14[%get3A_263] : memref<64xf32, #tpu.memory_space<vmem>>[vector<16xi32>], vector<16xf32>,
    %gather3A_265 = tpu.vector_load_idx %arg15[%get3A_263] : memref<64xf32, #tpu.memory_space<vmem>>[vector<16xi32>], vector<16xf32>,
    %get3A_266 = arith.constant 288 : index
    %get3A_267 = tpu.vector_load %arg10[%get3A_266] {strides = array<i32>} : memref<320xf32, #tpu.memory_space<vmem>>, vector<16xf32>,
    %sub3A_268 = arith.subf %get3A_267, %gather3A_264 : vector<16xf32>
    %exp3A_269 = math.exp %sub3A_268 : vector<16xf32>
    %div3A_270 = arith.divf %exp3A_269, %gather3A_265 : vector<16xf32>
    %swap3A_271 = arith.constant 288 : index
    %swap3A_272 = tpu.vector_load %arg11[%swap3A_271] {strides = array<i32>} : memref<320xf32, #tpu.memory_space<vmem>>, vector<16xf32>,
    tpu.vector_store %arg11[%swap3A_271], %div3A_270 {strides = array<i32>} : memref<320xf32, #tpu.memory_space<vmem>>, vector<16xf32>,
    %get3A_273 = arith.constant 304 : index
    %get3A_274 = tpu.vector_load %arg9[%get3A_273] {strides = array<i32>} : memref<320xi32, #tpu.memory_space<vmem>>, vector<16xi32>,
    %gather3A_275 = tpu.vector_load_idx %arg14[%get3A_274] : memref<64xf32, #tpu.memory_space<vmem>>[vector<16xi32>], vector<16xf32>,
    %gather3A_276 = tpu.vector_load_idx %arg15[%get3A_274] : memref<64xf32, #tpu.memory_space<vmem>>[vector<16xi32>], vector<16xf32>,
    %get3A_277 = arith.constant 304 : index
    %get3A_278 = tpu.vector_load %arg10[%get3A_277] {strides = array<i32>} : memref<320xf32, #tpu.memory_space<vmem>>, vector<16xf32>,
    %sub3A_279 = arith.subf %get3A_278, %gather3A_275 : vector<16xf32>
    %exp3A_280 = math.exp %sub3A_279 : vector<16xf32>
    %div3A_281 = arith.divf %exp3A_280, %gather3A_276 : vector<16xf32>
    %swap3A_282 = arith.constant 304 : index
    %swap3A_283 = tpu.vector_load %arg11[%swap3A_282] {strides = array<i32>} : memref<320xf32, #tpu.memory_space<vmem>>, vector<16xf32>,
    tpu.vector_store %arg11[%swap3A_282], %div3A_281 {strides = array<i32>} : memref<320xf32, #tpu.memory_space<vmem>>, vector<16xf32>,
    %while3A = arith.constant 0 : i32
    %while3A_284 = arith.constant 0 : i32
    %while3A_285 = arith.subi %select_n3A, %while3A : i32
    %while3A_286 = arith.addi %while3A, %while3A_285 : i32
    %while3A_287 = arith.constant 1 : i32
    %while3A_288 = arith.divsi %while3A_285, %while3A_287 : i32
    %while3A_289 = arith.muli %while3A_288, %while3A_287 : i32
    %while3A_290 = arith.addi %while3A, %while3A_289 : i32
    %while3A_291 = arith.constant 1 : i32
    %while3A_292 = scf.for %while3A_295 = %while3A to %while3A_290 step %while3A_291 iter_args(%while3A_296 = %while3A_284) -> (i32)  : i32 {
      %mul3A_297 = arith.constant 16 : i32
      %mul3A_298 = arith.muli %while3A_295, %mul3A_297 : i32
      %add3A_299 = arith.addi %mul3A_2, %mul3A_298 : i32
      "tpu.region"() ({
        %run_scoped3A = tpu.sem_alloc : memref<!tpu.dma_semaphore, #tpu.memory_space<semaphore_mem>>
        %dma_start3A = arith.constant 0 : i32
        %dma_start3A_311 = tpu.memref_slice %arg2[%add3A_299, %dma_start3A] : memref<10000x128xf32, #tpu.memory_space<hbm>> -> memref<16x128xf32, #tpu.memory_space<hbm>>
        %dma_start3A_312 = arith.constant 0 : i32
        %dma_start3A_313 = tpu.memref_slice %arg2[%add3A_299, %dma_start3A_312] : memref<10000x128xf32, #tpu.memory_space<hbm>> -> memref<16x128xf32, #tpu.memory_space<hbm>>
        tpu.enqueue_dma source(%dma_start3A_313 : memref<16x128xf32, #tpu.memory_space<hbm>>) target(%arg8 : memref<16x128xf32, #tpu.memory_space<vmem>>) target_semaphore(%run_scoped3A : memref<!tpu.dma_semaphore, #tpu.memory_space<semaphore_mem>>)
        %dma_wait3A = arith.constant 0 : i32
        %dma_wait3A_314 = tpu.memref_slice %arg2[%add3A_299, %dma_wait3A] : memref<10000x128xf32, #tpu.memory_space<hbm>> -> memref<16x128xf32, #tpu.memory_space<hbm>>
        %dma_wait3A_315 = arith.constant 0 : i32
        %dma_wait3A_316 = tpu.memref_slice %arg2[%add3A_299, %dma_wait3A_315] : memref<10000x128xf32, #tpu.memory_space<hbm>> -> memref<16x128xf32, #tpu.memory_space<hbm>>
        tpu.wait_dma2 semaphore(%run_scoped3A : memref<!tpu.dma_semaphore, #tpu.memory_space<semaphore_mem>>) src(%dma_wait3A_316 : memref<16x128xf32, #tpu.memory_space<hbm>>) dst(%arg8 : memref<16x128xf32, #tpu.memory_space<vmem>>)
        tpu.yield
      }) : () -> ()
      %scan3A_300 = arith.constant 0 : i32
      %scan3A_301 = arith.constant 0 : i32
      %scan3A_302 = arith.constant 16 : i32
      %scan3A_303 = arith.addi %scan3A_301, %scan3A_302 : i32
      %scan3A_304 = arith.constant 1 : i32
      %scan3A_305 = scf.for %scan3A_311 = %scan3A_301 to %scan3A_303 step %scan3A_304 iter_args(%scan3A_312 = %scan3A_300) -> (i32)  : i32 {
        %mul3A_313 = arith.constant 16 : i32
        %mul3A_314 = arith.muli %while3A_295, %mul3A_313 : i32
        %broadcast_in_dim3A_315 = vector.broadcast %mul3A_314 : i32 to vector<16xi32>
        %add3A_316 = vector.broadcast %scan3A_311 : i32 to vector<16xi32>
        %add3A_317 = arith.addi %broadcast_in_dim3A_315, %add3A_316 : vector<16xi32>
        %gather3A_318 = tpu.vector_load_idx %arg11[%add3A_317] : memref<320xf32, #tpu.memory_space<vmem>>[vector<16xi32>], vector<16xf32>,
        %get3A_319 = arith.index_cast %scan3A_311 : i32 to index
        %get3A_320 = arith.constant 0 : index
        %get3A_321 = tpu.vector_load %arg8[%get3A_319, %get3A_320] {strides = array<i32>} : memref<16x128xf32, #tpu.memory_space<vmem>>, vector<16xf32>,
        %mul3A_322 = arith.mulf %get3A_321, %gather3A_318 : vector<16xf32>
        %swap3A_323 = arith.index_cast %scan3A_311 : i32 to index
        %swap3A_324 = arith.constant 0 : index
        %swap3A_325 = tpu.vector_load %arg8[%swap3A_323, %swap3A_324] {strides = array<i32>} : memref<16x128xf32, #tpu.memory_space<vmem>>, vector<16xf32>,
        tpu.vector_store %arg8[%swap3A_323, %swap3A_324], %mul3A_322 {strides = array<i32>} : memref<16x128xf32, #tpu.memory_space<vmem>>, vector<16xf32>,
        %get3A_326 = arith.index_cast %scan3A_311 : i32 to index
        %get3A_327 = arith.constant 16 : index
        %get3A_328 = tpu.vector_load %arg8[%get3A_326, %get3A_327] {strides = array<i32>} : memref<16x128xf32, #tpu.memory_space<vmem>>, vector<16xf32>,
        %mul3A_329 = arith.mulf %get3A_328, %gather3A_318 : vector<16xf32>
        %swap3A_330 = arith.index_cast %scan3A_311 : i32 to index
        %swap3A_331 = arith.constant 16 : index
        %swap3A_332 = tpu.vector_load %arg8[%swap3A_330, %swap3A_331] {strides = array<i32>} : memref<16x128xf32, #tpu.memory_space<vmem>>, vector<16xf32>,
        tpu.vector_store %arg8[%swap3A_330, %swap3A_331], %mul3A_329 {strides = array<i32>} : memref<16x128xf32, #tpu.memory_space<vmem>>, vector<16xf32>,
        %get3A_333 = arith.index_cast %scan3A_311 : i32 to index
        %get3A_334 = arith.constant 32 : index
        %get3A_335 = tpu.vector_load %arg8[%get3A_333, %get3A_334] {strides = array<i32>} : memref<16x128xf32, #tpu.memory_space<vmem>>, vector<16xf32>,
        %mul3A_336 = arith.mulf %get3A_335, %gather3A_318 : vector<16xf32>
        %swap3A_337 = arith.index_cast %scan3A_311 : i32 to index
        %swap3A_338 = arith.constant 32 : index
        %swap3A_339 = tpu.vector_load %arg8[%swap3A_337, %swap3A_338] {strides = array<i32>} : memref<16x128xf32, #tpu.memory_space<vmem>>, vector<16xf32>,
        tpu.vector_store %arg8[%swap3A_337, %swap3A_338], %mul3A_336 {strides = array<i32>} : memref<16x128xf32, #tpu.memory_space<vmem>>, vector<16xf32>,
        %get3A_340 = arith.index_cast %scan3A_311 : i32 to index
        %get3A_341 = arith.constant 48 : index
        %get3A_342 = tpu.vector_load %arg8[%get3A_340, %get3A_341] {strides = array<i32>} : memref<16x128xf32, #tpu.memory_space<vmem>>, vector<16xf32>,
        %mul3A_343 = arith.mulf %get3A_342, %gather3A_318 : vector<16xf32>
        %swap3A_344 = arith.index_cast %scan3A_311 : i32 to index
        %swap3A_345 = arith.constant 48 : index
        %swap3A_346 = tpu.vector_load %arg8[%swap3A_344, %swap3A_345] {strides = array<i32>} : memref<16x128xf32, #tpu.memory_space<vmem>>, vector<16xf32>,
        tpu.vector_store %arg8[%swap3A_344, %swap3A_345], %mul3A_343 {strides = array<i32>} : memref<16x128xf32, #tpu.memory_space<vmem>>, vector<16xf32>,
        %get3A_347 = arith.index_cast %scan3A_311 : i32 to index
        %get3A_348 = arith.constant 64 : index
        %get3A_349 = tpu.vector_load %arg8[%get3A_347, %get3A_348] {strides = array<i32>} : memref<16x128xf32, #tpu.memory_space<vmem>>, vector<16xf32>,
        %mul3A_350 = arith.mulf %get3A_349, %gather3A_318 : vector<16xf32>
        %swap3A_351 = arith.index_cast %scan3A_311 : i32 to index
        %swap3A_352 = arith.constant 64 : index
        %swap3A_353 = tpu.vector_load %arg8[%swap3A_351, %swap3A_352] {strides = array<i32>} : memref<16x128xf32, #tpu.memory_space<vmem>>, vector<16xf32>,
        tpu.vector_store %arg8[%swap3A_351, %swap3A_352], %mul3A_350 {strides = array<i32>} : memref<16x128xf32, #tpu.memory_space<vmem>>, vector<16xf32>,
        %get3A_354 = arith.index_cast %scan3A_311 : i32 to index
        %get3A_355 = arith.constant 80 : index
        %get3A_356 = tpu.vector_load %arg8[%get3A_354, %get3A_355] {strides = array<i32>} : memref<16x128xf32, #tpu.memory_space<vmem>>, vector<16xf32>,
        %mul3A_357 = arith.mulf %get3A_356, %gather3A_318 : vector<16xf32>
        %swap3A_358 = arith.index_cast %scan3A_311 : i32 to index
        %swap3A_359 = arith.constant 80 : index
        %swap3A_360 = tpu.vector_load %arg8[%swap3A_358, %swap3A_359] {strides = array<i32>} : memref<16x128xf32, #tpu.memory_space<vmem>>, vector<16xf32>,
        tpu.vector_store %arg8[%swap3A_358, %swap3A_359], %mul3A_357 {strides = array<i32>} : memref<16x128xf32, #tpu.memory_space<vmem>>, vector<16xf32>,
        %get3A_361 = arith.index_cast %scan3A_311 : i32 to index
        %get3A_362 = arith.constant 96 : index
        %get3A_363 = tpu.vector_load %arg8[%get3A_361, %get3A_362] {strides = array<i32>} : memref<16x128xf32, #tpu.memory_space<vmem>>, vector<16xf32>,
        %mul3A_364 = arith.mulf %get3A_363, %gather3A_318 : vector<16xf32>
        %swap3A_365 = arith.index_cast %scan3A_311 : i32 to index
        %swap3A_366 = arith.constant 96 : index
        %swap3A_367 = tpu.vector_load %arg8[%swap3A_365, %swap3A_366] {strides = array<i32>} : memref<16x128xf32, #tpu.memory_space<vmem>>, vector<16xf32>,
        tpu.vector_store %arg8[%swap3A_365, %swap3A_366], %mul3A_364 {strides = array<i32>} : memref<16x128xf32, #tpu.memory_space<vmem>>, vector<16xf32>,
        %get3A_368 = arith.index_cast %scan3A_311 : i32 to index
        %get3A_369 = arith.constant 112 : index
        %get3A_370 = tpu.vector_load %arg8[%get3A_368, %get3A_369] {strides = array<i32>} : memref<16x128xf32, #tpu.memory_space<vmem>>, vector<16xf32>,
        %mul3A_371 = arith.mulf %get3A_370, %gather3A_318 : vector<16xf32>
        %swap3A_372 = arith.index_cast %scan3A_311 : i32 to index
        %swap3A_373 = arith.constant 112 : index
        %swap3A_374 = tpu.vector_load %arg8[%swap3A_372, %swap3A_373] {strides = array<i32>} : memref<16x128xf32, #tpu.memory_space<vmem>>, vector<16xf32>,
        tpu.vector_store %arg8[%swap3A_372, %swap3A_373], %mul3A_371 {strides = array<i32>} : memref<16x128xf32, #tpu.memory_space<vmem>>, vector<16xf32>,
        %scan3A_375 = arith.constant 0 : i32
        scf.yield %scan3A_375 : i32
      }
      %scan3A_306 = arith.constant 16 : i32
      %mul3A_307 = arith.constant 16 : i32
      %mul3A_308 = arith.muli %while3A_295, %mul3A_307 : i32
      %add3A_309 = arith.addi %mul3A_2, %mul3A_308 : i32
      "tpu.region"() ({
        %run_scoped3A = tpu.sem_alloc : memref<!tpu.dma_semaphore, #tpu.memory_space<semaphore_mem>>
        %dma_start3A = arith.constant 0 : i32
        %dma_start3A_311 = tpu.memref_slice %arg7[%add3A_309, %dma_start3A] : memref<10000x128xf32, #tpu.memory_space<hbm>> -> memref<16x128xf32, #tpu.memory_space<hbm>>
        %dma_start3A_312 = arith.constant 0 : i32
        %dma_start3A_313 = tpu.memref_slice %arg7[%add3A_309, %dma_start3A_312] : memref<10000x128xf32, #tpu.memory_space<hbm>> -> memref<16x128xf32, #tpu.memory_space<hbm>>
        tpu.enqueue_dma source(%arg8 : memref<16x128xf32, #tpu.memory_space<vmem>>) target(%dma_start3A_313 : memref<16x128xf32, #tpu.memory_space<hbm>>) target_semaphore(%run_scoped3A : memref<!tpu.dma_semaphore, #tpu.memory_space<semaphore_mem>>)
        %dma_wait3A = arith.constant 0 : i32
        %dma_wait3A_314 = tpu.memref_slice %arg7[%add3A_309, %dma_wait3A] : memref<10000x128xf32, #tpu.memory_space<hbm>> -> memref<16x128xf32, #tpu.memory_space<hbm>>
        %dma_wait3A_315 = arith.constant 0 : i32
        %dma_wait3A_316 = tpu.memref_slice %arg7[%add3A_309, %dma_wait3A_315] : memref<10000x128xf32, #tpu.memory_space<hbm>> -> memref<16x128xf32, #tpu.memory_space<hbm>>
        tpu.wait_dma2 semaphore(%run_scoped3A : memref<!tpu.dma_semaphore, #tpu.memory_space<semaphore_mem>>) src(%arg8 : memref<16x128xf32, #tpu.memory_space<vmem>>) dst(%dma_wait3A_316 : memref<16x128xf32, #tpu.memory_space<hbm>>)
        tpu.yield
      }) : () -> ()
      %while3A_310 = arith.constant 0 : i32
      scf.yield %while3A_310 : i32
    }
    %while3A_293 = arith.constant 1 : i32
    %while3A_294 = scf.for %while3A_295 = %while3A_290 to %while3A_286 step %while3A_293 iter_args(%while3A_296 = %while3A_292) -> (i32)  : i32 {
      %mul3A_297 = arith.constant 16 : i32
      %mul3A_298 = arith.muli %while3A_295, %mul3A_297 : i32
      %add3A_299 = arith.addi %mul3A_2, %mul3A_298 : i32
      "tpu.region"() ({
        %run_scoped3A = tpu.sem_alloc : memref<!tpu.dma_semaphore, #tpu.memory_space<semaphore_mem>>
        %dma_start3A = arith.constant 0 : i32
        %dma_start3A_311 = tpu.memref_slice %arg2[%add3A_299, %dma_start3A] : memref<10000x128xf32, #tpu.memory_space<hbm>> -> memref<16x128xf32, #tpu.memory_space<hbm>>
        %dma_start3A_312 = arith.constant 0 : i32
        %dma_start3A_313 = tpu.memref_slice %arg2[%add3A_299, %dma_start3A_312] : memref<10000x128xf32, #tpu.memory_space<hbm>> -> memref<16x128xf32, #tpu.memory_space<hbm>>
        tpu.enqueue_dma source(%dma_start3A_313 : memref<16x128xf32, #tpu.memory_space<hbm>>) target(%arg8 : memref<16x128xf32, #tpu.memory_space<vmem>>) target_semaphore(%run_scoped3A : memref<!tpu.dma_semaphore, #tpu.memory_space<semaphore_mem>>)
        %dma_wait3A = arith.constant 0 : i32
        %dma_wait3A_314 = tpu.memref_slice %arg2[%add3A_299, %dma_wait3A] : memref<10000x128xf32, #tpu.memory_space<hbm>> -> memref<16x128xf32, #tpu.memory_space<hbm>>
        %dma_wait3A_315 = arith.constant 0 : i32
        %dma_wait3A_316 = tpu.memref_slice %arg2[%add3A_299, %dma_wait3A_315] : memref<10000x128xf32, #tpu.memory_space<hbm>> -> memref<16x128xf32, #tpu.memory_space<hbm>>
        tpu.wait_dma2 semaphore(%run_scoped3A : memref<!tpu.dma_semaphore, #tpu.memory_space<semaphore_mem>>) src(%dma_wait3A_316 : memref<16x128xf32, #tpu.memory_space<hbm>>) dst(%arg8 : memref<16x128xf32, #tpu.memory_space<vmem>>)
        tpu.yield
      }) : () -> ()
      %scan3A_300 = arith.constant 0 : i32
      %scan3A_301 = arith.constant 0 : i32
      %scan3A_302 = arith.constant 16 : i32
      %scan3A_303 = arith.addi %scan3A_301, %scan3A_302 : i32
      %scan3A_304 = arith.constant 1 : i32
      %scan3A_305 = scf.for %scan3A_311 = %scan3A_301 to %scan3A_303 step %scan3A_304 iter_args(%scan3A_312 = %scan3A_300) -> (i32)  : i32 {
        %mul3A_313 = arith.constant 16 : i32
        %mul3A_314 = arith.muli %while3A_295, %mul3A_313 : i32
        %broadcast_in_dim3A_315 = vector.broadcast %mul3A_314 : i32 to vector<16xi32>
        %add3A_316 = vector.broadcast %scan3A_311 : i32 to vector<16xi32>
        %add3A_317 = arith.addi %broadcast_in_dim3A_315, %add3A_316 : vector<16xi32>
        %gather3A_318 = tpu.vector_load_idx %arg11[%add3A_317] : memref<320xf32, #tpu.memory_space<vmem>>[vector<16xi32>], vector<16xf32>,
        %get3A_319 = arith.index_cast %scan3A_311 : i32 to index
        %get3A_320 = arith.constant 0 : index
        %get3A_321 = tpu.vector_load %arg8[%get3A_319, %get3A_320] {strides = array<i32>} : memref<16x128xf32, #tpu.memory_space<vmem>>, vector<16xf32>,
        %mul3A_322 = arith.mulf %get3A_321, %gather3A_318 : vector<16xf32>
        %swap3A_323 = arith.index_cast %scan3A_311 : i32 to index
        %swap3A_324 = arith.constant 0 : index
        %swap3A_325 = tpu.vector_load %arg8[%swap3A_323, %swap3A_324] {strides = array<i32>} : memref<16x128xf32, #tpu.memory_space<vmem>>, vector<16xf32>,
        tpu.vector_store %arg8[%swap3A_323, %swap3A_324], %mul3A_322 {strides = array<i32>} : memref<16x128xf32, #tpu.memory_space<vmem>>, vector<16xf32>,
        %get3A_326 = arith.index_cast %scan3A_311 : i32 to index
        %get3A_327 = arith.constant 16 : index
        %get3A_328 = tpu.vector_load %arg8[%get3A_326, %get3A_327] {strides = array<i32>} : memref<16x128xf32, #tpu.memory_space<vmem>>, vector<16xf32>,
        %mul3A_329 = arith.mulf %get3A_328, %gather3A_318 : vector<16xf32>
        %swap3A_330 = arith.index_cast %scan3A_311 : i32 to index
        %swap3A_331 = arith.constant 16 : index
        %swap3A_332 = tpu.vector_load %arg8[%swap3A_330, %swap3A_331] {strides = array<i32>} : memref<16x128xf32, #tpu.memory_space<vmem>>, vector<16xf32>,
        tpu.vector_store %arg8[%swap3A_330, %swap3A_331], %mul3A_329 {strides = array<i32>} : memref<16x128xf32, #tpu.memory_space<vmem>>, vector<16xf32>,
        %get3A_333 = arith.index_cast %scan3A_311 : i32 to index
        %get3A_334 = arith.constant 32 : index
        %get3A_335 = tpu.vector_load %arg8[%get3A_333, %get3A_334] {strides = array<i32>} : memref<16x128xf32, #tpu.memory_space<vmem>>, vector<16xf32>,
        %mul3A_336 = arith.mulf %get3A_335, %gather3A_318 : vector<16xf32>
        %swap3A_337 = arith.index_cast %scan3A_311 : i32 to index
        %swap3A_338 = arith.constant 32 : index
        %swap3A_339 = tpu.vector_load %arg8[%swap3A_337, %swap3A_338] {strides = array<i32>} : memref<16x128xf32, #tpu.memory_space<vmem>>, vector<16xf32>,
        tpu.vector_store %arg8[%swap3A_337, %swap3A_338], %mul3A_336 {strides = array<i32>} : memref<16x128xf32, #tpu.memory_space<vmem>>, vector<16xf32>,
        %get3A_340 = arith.index_cast %scan3A_311 : i32 to index
        %get3A_341 = arith.constant 48 : index
        %get3A_342 = tpu.vector_load %arg8[%get3A_340, %get3A_341] {strides = array<i32>} : memref<16x128xf32, #tpu.memory_space<vmem>>, vector<16xf32>,
        %mul3A_343 = arith.mulf %get3A_342, %gather3A_318 : vector<16xf32>
        %swap3A_344 = arith.index_cast %scan3A_311 : i32 to index
        %swap3A_345 = arith.constant 48 : index
        %swap3A_346 = tpu.vector_load %arg8[%swap3A_344, %swap3A_345] {strides = array<i32>} : memref<16x128xf32, #tpu.memory_space<vmem>>, vector<16xf32>,
        tpu.vector_store %arg8[%swap3A_344, %swap3A_345], %mul3A_343 {strides = array<i32>} : memref<16x128xf32, #tpu.memory_space<vmem>>, vector<16xf32>,
        %get3A_347 = arith.index_cast %scan3A_311 : i32 to index
        %get3A_348 = arith.constant 64 : index
        %get3A_349 = tpu.vector_load %arg8[%get3A_347, %get3A_348] {strides = array<i32>} : memref<16x128xf32, #tpu.memory_space<vmem>>, vector<16xf32>,
        %mul3A_350 = arith.mulf %get3A_349, %gather3A_318 : vector<16xf32>
        %swap3A_351 = arith.index_cast %scan3A_311 : i32 to index
        %swap3A_352 = arith.constant 64 : index
        %swap3A_353 = tpu.vector_load %arg8[%swap3A_351, %swap3A_352] {strides = array<i32>} : memref<16x128xf32, #tpu.memory_space<vmem>>, vector<16xf32>,
        tpu.vector_store %arg8[%swap3A_351, %swap3A_352], %mul3A_350 {strides = array<i32>} : memref<16x128xf32, #tpu.memory_space<vmem>>, vector<16xf32>,
        %get3A_354 = arith.index_cast %scan3A_311 : i32 to index
        %get3A_355 = arith.constant 80 : index
        %get3A_356 = tpu.vector_load %arg8[%get3A_354, %get3A_355] {strides = array<i32>} : memref<16x128xf32, #tpu.memory_space<vmem>>, vector<16xf32>,
        %mul3A_357 = arith.mulf %get3A_356, %gather3A_318 : vector<16xf32>
        %swap3A_358 = arith.index_cast %scan3A_311 : i32 to index
        %swap3A_359 = arith.constant 80 : index
        %swap3A_360 = tpu.vector_load %arg8[%swap3A_358, %swap3A_359] {strides = array<i32>} : memref<16x128xf32, #tpu.memory_space<vmem>>, vector<16xf32>,
        tpu.vector_store %arg8[%swap3A_358, %swap3A_359], %mul3A_357 {strides = array<i32>} : memref<16x128xf32, #tpu.memory_space<vmem>>, vector<16xf32>,
        %get3A_361 = arith.index_cast %scan3A_311 : i32 to index
        %get3A_362 = arith.constant 96 : index
        %get3A_363 = tpu.vector_load %arg8[%get3A_361, %get3A_362] {strides = array<i32>} : memref<16x128xf32, #tpu.memory_space<vmem>>, vector<16xf32>,
        %mul3A_364 = arith.mulf %get3A_363, %gather3A_318 : vector<16xf32>
        %swap3A_365 = arith.index_cast %scan3A_311 : i32 to index
        %swap3A_366 = arith.constant 96 : index
        %swap3A_367 = tpu.vector_load %arg8[%swap3A_365, %swap3A_366] {strides = array<i32>} : memref<16x128xf32, #tpu.memory_space<vmem>>, vector<16xf32>,
        tpu.vector_store %arg8[%swap3A_365, %swap3A_366], %mul3A_364 {strides = array<i32>} : memref<16x128xf32, #tpu.memory_space<vmem>>, vector<16xf32>,
        %get3A_368 = arith.index_cast %scan3A_311 : i32 to index
        %get3A_369 = arith.constant 112 : index
        %get3A_370 = tpu.vector_load %arg8[%get3A_368, %get3A_369] {strides = array<i32>} : memref<16x128xf32, #tpu.memory_space<vmem>>, vector<16xf32>,
        %mul3A_371 = arith.mulf %get3A_370, %gather3A_318 : vector<16xf32>
        %swap3A_372 = arith.index_cast %scan3A_311 : i32 to index
        %swap3A_373 = arith.constant 112 : index
        %swap3A_374 = tpu.vector_load %arg8[%swap3A_372, %swap3A_373] {strides = array<i32>} : memref<16x128xf32, #tpu.memory_space<vmem>>, vector<16xf32>,
        tpu.vector_store %arg8[%swap3A_372, %swap3A_373], %mul3A_371 {strides = array<i32>} : memref<16x128xf32, #tpu.memory_space<vmem>>, vector<16xf32>,
        %scan3A_375 = arith.constant 0 : i32
        scf.yield %scan3A_375 : i32
      }
      %scan3A_306 = arith.constant 16 : i32
      %mul3A_307 = arith.constant 16 : i32
      %mul3A_308 = arith.muli %while3A_295, %mul3A_307 : i32
      %add3A_309 = arith.addi %mul3A_2, %mul3A_308 : i32
      "tpu.region"() ({
        %run_scoped3A = tpu.sem_alloc : memref<!tpu.dma_semaphore, #tpu.memory_space<semaphore_mem>>
        %dma_start3A = arith.constant 0 : i32
        %dma_start3A_311 = tpu.memref_slice %arg7[%add3A_309, %dma_start3A] : memref<10000x128xf32, #tpu.memory_space<hbm>> -> memref<16x128xf32, #tpu.memory_space<hbm>>
        %dma_start3A_312 = arith.constant 0 : i32
        %dma_start3A_313 = tpu.memref_slice %arg7[%add3A_309, %dma_start3A_312] : memref<10000x128xf32, #tpu.memory_space<hbm>> -> memref<16x128xf32, #tpu.memory_space<hbm>>
        tpu.enqueue_dma source(%arg8 : memref<16x128xf32, #tpu.memory_space<vmem>>) target(%dma_start3A_313 : memref<16x128xf32, #tpu.memory_space<hbm>>) target_semaphore(%run_scoped3A : memref<!tpu.dma_semaphore, #tpu.memory_space<semaphore_mem>>)
        %dma_wait3A = arith.constant 0 : i32
        %dma_wait3A_314 = tpu.memref_slice %arg7[%add3A_309, %dma_wait3A] : memref<10000x128xf32, #tpu.memory_space<hbm>> -> memref<16x128xf32, #tpu.memory_space<hbm>>
        %dma_wait3A_315 = arith.constant 0 : i32
        %dma_wait3A_316 = tpu.memref_slice %arg7[%add3A_309, %dma_wait3A_315] : memref<10000x128xf32, #tpu.memory_space<hbm>> -> memref<16x128xf32, #tpu.memory_space<hbm>>
        tpu.wait_dma2 semaphore(%run_scoped3A : memref<!tpu.dma_semaphore, #tpu.memory_space<semaphore_mem>>) src(%arg8 : memref<16x128xf32, #tpu.memory_space<vmem>>) dst(%dma_wait3A_316 : memref<16x128xf32, #tpu.memory_space<hbm>>)
        tpu.yield
      }) : () -> ()
      %while3A_310 = arith.constant 0 : i32
      scf.yield %while3A_310 : i32
    }
    return
  }
}

</mosaic_0001>

<sc_bundles>
// kernel: kernel.4.cloned.1.call-start
scs
__scs_entry_jumppad:
0x0: {  	(pc) =	sbr.rel $0x88, $3  }
0x1: {  	(tag) =	ssettag $0x0;
	lr =	simm.s32 $0x1  }
0x2: {  	[smem:$0x3F9E] =	sst lr;
	_ =	strace $0xD0000000  }
0x3: {  	_ = 	snop  }
0x4: {  	_ = 	snop  }
0x5: {  	_ = 	snop  }
0x6: {  	_ = 	snop  }
0x7: {  	_ = 	snop  }
__scs_overlays_trampoline_lowered:
0x8: {  	[smem:$0x3FAD] =	sst s0  }
0x9: {  	[smem:$0x3FAE] =	sst s1  }
0xa: {  	[smem:$0x3FAF] =	sst s2  }
0xb: {  	[smem:$0x3FB0] =	sst s3  }
0xc: {  	[smem:$0x3FB1] =	sst s4  }
0xd: {  	[smem:$0x3FB2] =	sst s5  }
0xe: {  	[smem:$0x3FB3] =	sst s6  }
0xf: {  	[smem:$0x3FB4] =	sst s7  }
0x10: {  	[smem:$0x3FB5] =	sst s8  }
0x11: {  	[smem:$0x3FB6] =	sst s9;
	s0 =	simm.s32 @!p0 $0x0  }
0x12: {  	s1 =	sld [smem:$0x3F9C];
	s0 =	simm.s32 @p0 $0x1  }
0x13: {  	[smem:$0x3FB7] =	sst s0;
	s0 =	simm.s32 @!p1 $0x0  }
0x14: {  	s2 =	sld [smem:$0x3F9B];
	s0 =	simm.s32 @p1 $0x1  }
0x15: {  	[smem:$0x3FB8] =	sst s0;
	s0 =	simm.s32 @!p2 $0x0  }
0x16: {  	s3 =	sld [smem:$0x3FDB];
	s0 =	simm.s32 @p2 $0x1  }
0x17: {  	s4 =	simm.s32 $0x1BF5;
	[smem:$0x3FBA] =	sst s0  }
0x18: {  	s0 =	sld [smem:$0x3F9D];
	_ =	swait.ge [sflag:s4], $0x0  }
0x19: {  	s7 =	sld [smem:$0x3F9E]  }
0x1a: {  	s8 =	sadd.s32 $0xFFFFE003, lr  }
0x1b: {  	s9 =	sadd.s32 $0xFFFFFEF7, lr;
	s5 =	simm.s32 $0xFFFFFFFF;
	p2 =	slt.u32 s8, $0xFFFFF086  }
0x1c: {  	p1 =	slt.u32 s9, $0xF7A;
	s5 =	simm.s32 @!p2 $0x0  }
0x1d: {  	s5 =	simm.s32 @p1 $0x1;
	p0 =	seq.s32 s7, s2  }
0x1e: {  	s7 =	smul.u32 @!p0 $0xF7A, s2;
	p2 =	seq.s32 @!p0 s5, $0x0  }
0x1f: {  	s9 =	smul.u32 $0xF7A, s1;
	s8 =	simm.s32 @!p0 $0x1BF5;
	p2 =	por !p2, p0  }
0x20: {  	[sflag:s8] =	ssyncset.s32 @!p0 $0xFFFFF086;
	s6 =	sadd.s32 @!p0 s3, s7;
	s7 =	simm.s32 @!p0 $0x108  }
0x21: {  	s3 =	sadd.s32 s3, s9;
	s6 =	sadd.s32 @!p0 $0x88, s6;
	s7 =	simm.s32 @p2 $0x1082  }
0x22: {  	[simem:s7], [sflag:s8] =	dma.local @!p0 [hbm:s6], $0xF7A  }
0x23: {  	s9 =	sor.u32 $0xD0000000, s2;
	s6 =	simm.s32 $0x108;
	_ =	swait.ge @!p0 [sflag:s8], $0x0  }
0x24: {  	s3 =	sadd.s32 $0x88, s3;
	s6 =	simm.s32 @!p1 $0x1082;
	[sflag:s4] =	ssyncset.s32 $0xFFFFF086  }
0x25: {  	[simem:s6], [sflag:s4] =	dma.local [hbm:s3], $0xF7A  }
0x26: {  	[smem:$0x3F9E] =	sst s1;
	(tag) =	ssettag s2;
	_ =	strace s9  }
0x27: {  	s1 =	sld [smem:$0x3FAE]  }
0x28: {  	s2 =	sld [smem:$0x3FAF]  }
0x29: {  	s4 =	sld [smem:$0x3FB1]  }
0x2a: {  	p0 =	seq.s32 s5, $0x0;
	s5 =	sld [smem:$0x3FB2]  }
0x2b: {  	s6 =	sld [smem:$0x3FB3]  }
0x2c: {  	s7 =	sld [smem:$0x3FB4]  }
0x2d: {  	s3 =	simm.s32 $0x108;
	s8 =	sld [smem:$0x3FB5]  }
0x2e: {  	s3 =	simm.s32 @!p0 $0x1082;
	s9 =	sld [smem:$0x3FB6]  }
0x2f: {  	lr =	sadd.s32 s0, s3;
	s0 =	sld [smem:$0x3FAD]  }
0x30: {  	s3 =	sld [smem:$0x3FB0]  }
0x31: {  	[smem:$0x3FB9] =	sst s10  }
0x32: {  	s10 =	sld [smem:$0x3FB7];
	_ =	sdelay $0x3  }
0x33: {  	p0 =	seq.s32 s10, $0x1;
	s10 =	sld [smem:$0x3FB9];
	_ =	sdelay $0x3  }
0x34: {  	[smem:$0x3FB9] =	sst s10  }
0x35: {  	s10 =	sld [smem:$0x3FB8];
	_ =	sdelay $0x3  }
0x36: {  	p1 =	seq.s32 s10, $0x1;
	s10 =	sld [smem:$0x3FB9];
	_ =	sdelay $0x3  }
0x37: {  	[smem:$0x3FB9] =	sst s10  }
0x38: {  	s10 =	sld [smem:$0x3FBA]  }
0x39: {  	_ = 	snop;
	(pc) =	sbr.ind lr, $3  }
0x3a: {  	_ = 	snop  }
0x3b: {  	_ = 	snop  }
0x3c: {  	p2 =	seq.s32 s10, $0x1;
	s10 =	sld [smem:$0x3FB9]  }
0x3d: {  	_ =	shalt  }
0x3e: {  	_ =	shalt  }
0x3f: {  	_ =	shalt  }
0x40: {  	_ =	shalt  }
0x41: {  	_ =	shalt  }
0x42: {  	_ =	shalt  }
0x43: {  	_ =	shalt  }
0x44: {  	_ =	shalt  }
0x45: {  	_ =	shalt  }
0x46: {  	_ =	shalt  }
0x47: {  	_ =	shalt  }
0x48: {  	_ =	shalt  }
0x49: {  	_ =	shalt  }
0x4a: {  	_ =	shalt  }
0x4b: {  	_ =	shalt  }
0x4c: {  	_ =	shalt  }
0x4d: {  	_ =	shalt  }
0x4e: {  	_ =	shalt  }
0x4f: {  	_ =	shalt  }
0x50: {  	_ =	shalt  }
0x51: {  	_ =	shalt  }
0x52: {  	_ =	shalt  }
0x53: {  	_ =	shalt  }
0x54: {  	_ =	shalt  }
0x55: {  	_ =	shalt  }
0x56: {  	_ =	shalt  }
0x57: {  	_ =	shalt  }
0x58: {  	_ =	shalt  }
0x59: {  	_ =	shalt  }
0x5a: {  	_ =	shalt  }
0x5b: {  	_ =	shalt  }
0x5c: {  	_ =	shalt  }
0x5d: {  	_ =	shalt  }
0x5e: {  	_ =	shalt  }
0x5f: {  	_ =	shalt  }
0x60: {  	_ =	shalt  }
0x61: {  	_ =	shalt  }
0x62: {  	_ =	shalt  }
0x63: {  	_ =	shalt  }
0x64: {  	_ =	shalt  }
0x65: {  	_ =	shalt  }
0x66: {  	_ =	shalt  }
0x67: {  	_ =	shalt  }
0x68: {  	_ =	shalt  }
0x69: {  	_ =	shalt  }
0x6a: {  	_ =	shalt  }
0x6b: {  	_ =	shalt  }
0x6c: {  	_ =	shalt  }
0x6d: {  	_ =	shalt  }
0x6e: {  	_ =	shalt  }
0x6f: {  	_ =	shalt  }
0x70: {  	_ =	shalt  }
0x71: {  	_ =	shalt  }
0x72: {  	_ =	shalt  }
0x73: {  	_ =	shalt  }
0x74: {  	_ =	shalt  }
0x75: {  	_ =	shalt  }
0x76: {  	_ =	shalt  }
0x77: {  	_ =	shalt  }
0x78: {  	_ =	shalt  }
0x79: {  	_ =	shalt  }
0x7a: {  	_ =	shalt  }
0x7b: {  	_ =	shalt  }
0x7c: {  	_ =	shalt  }
0x7d: {  	_ =	shalt  }
0x7e: {  	_ =	shalt  }
0x7f: {  	_ =	shalt  }
0x80: {  	_ =	shalt  }
0x81: {  	_ =	shalt  }
0x82: {  	_ =	shalt  }
0x83: {  	_ =	shalt  }
0x84: {  	_ =	shalt  }
0x85: {  	_ =	shalt  }
0x86: {  	_ =	shalt  }
0x87: {  	_ =	shalt  }
.Lfunc_end0:
.L_simem_size_0:
called_computation_lowered:
.L_overlay_start_0:
0x88: {  	s2 =	sld [smem:$0x3FD9]  }
0x89: {  	s3 =	sld [smem:$0x3FFE];
	_ =	sdelay $0x1  }
0x8a: {  	s1 =	srdreg.scid  }
0x8b: {  	s0 =	sand.u32 $0x1, s1  }
0x8c: {  	s17 =	sshll.u32 s0, $0xA;
	s2 =	sadd.s32 s3, s2  }
0x8d: {  	s2 =	sadd.s32 s2, s17  }
0x8e: {  	[smem:$0x3FC5] =	sst s2  }
0x8f: {  	_ = 	snop  }
0x90: {  	s2 =	sld [smem:$0x3FC9]  }
0x91: {  	s18 =	sld [smem:$0x3FC7];
	(tm) =	ssettm $0x1  }
0x92: {  	s4 =	sld [smem:$0x3FFB];
	_ =	sdelay $0x3  }
0x93: {  	_ =	strace s4  }
0x94: {  	s4 =	sld [smem:$0x3FFC];
	_ =	sdelay $0x3  }
0x95: {  	_ =	strace s4  }
0x96: {  	s4 =	sld [smem:$0x3FFD];
	_ =	sdelay $0x3  }
0x97: {  	_ =	strace s4  }
0x98: {  	_ =	strace $0x8FFFFFFF  }
0x99: {  	s19 =	sld [smem:$0x3FDB];
	_ =	sdelay $0x1  }
0x9a: {  	s5 =	simm.s32 $_scs_section_size  }
0x9b: {  	s6 =	simm.s32 $_size__tile_overlayer_lowered;
	s7 =	simm.s32 $_tile_overlayer_lowered  }
0x9c: {  	s22 =	simm.s32 $0x1BFF;
	s21 =	sshll.u32 s7, $0x1;
	s4 =	sadd.s32 s5, s19  }
0x9d: {  	s8 =	simm.s32 $0x0;
	s20 =	sshll.u32 s6, $0x1;
	s6 =	sadd.s32 s21, s4  }
0x9e: {  	[timem:s8], [sflag:s22] =	dma.local [hbm:s6], s20  }
0x9f: {  	_ =	swait.ge [sflag:s22], s20  }
0xa0: {  	s5 =	ssub.s32 $0x0, s20;
	[sflag:s22] =	ssyncset.done $0x0  }
0xa1: {  	[sflag:s22] =	ssyncadd.s32 s5;
	_ =	sdelay $0x1  }
0xa2: {  	s23 =	simm.s32 $0x1B8B  }
0xa3: {  	_ =	swait.ge [sflag:s23], $0x1  }
0xa4: {  	[sflag:s23] =	ssyncset.done $0x0  }
0xa5: {  	s25 =	simm.s32 $0x1B8E;
	s24 =	sld [smem:$0x3FFE];
	[sflag:s23] =	ssyncadd.s32 $0xFFFFFFFF  }
0xa6: {  	s26 =	simm.s32 $execute0_lowered;
	[smem:$0x3FD2] =	sst s25  }
0xa7: {  	s6 =	sshll.u32 s26, $0x1;
	_ =	strace $0x80000046;
	[dreg:$0x1] =	wrdreg $0xFFFFFFFF  }
0xa8: {  	s28 =	simm.s32 $_size_execute0_lowered;
	s4 =	sadd.s32 s4, s6;
	[dreg:$0x0] =	wrdreg $0x0  }
0xa9: {  	s6 =	sshll.u32 s28, $0x1;
	[dreg:$0x2] =	wrdreg s4  }
0xaa: {  	[dreg:$0x3] =	wrdreg s6  }
0xab: {  	[dreg:$0x4] =	wrdreg $0xC0  }
0xac: {  	_ =	task [dreg:s8], $0x5FFFF  }
0xad: {  	[dreg:$0x1] =	wrdreg $0xFFFFFFFF  }
0xae: {  	[dreg:$0x0] =	wrdreg $0x60  }
0xaf: {  	[dreg:$0x2] =	wrdreg s2  }
0xb0: {  	[dreg:$0x3] =	wrdreg s24  }
0xb1: {  	[dreg:$0x4] =	wrdreg s18  }
0xb2: {  	[dreg:$0x5] =	wrdreg $0x9  }
0xb3: {  	_ =	task.clear_ibuf [dreg:s8], $0x6FFFF;
	_ =	strace $0x90000046  }
0xb4: {  	s29 =	simm.s32 $0x9;
	_ =	strace $0x80000048  }
0xb5: {  	_ =	swait.ge [sflag:s29], $0x1  }
0xb6: {  	[sflag:s29] =	ssyncadd.s32 $0xFFFFFFFF  }
0xb7: {  	_ =	strace $0x90000048  }
0xb8: {  	_ =	sfence  }
0xb9: {  	s30 =	sld [smem:$0x0];
	_ =	sdelay $0x2  }
0xba: {  	s31 =	sshll.u32 s1, $0xD;
	s1 =	sshrl.u32 s1, $0x2  }
0xbb: {  	s3 =	sand.u32 $0x4000, s31;
	s1 =	sadd.s32 s1, s30  }
0xbc: {  	s0 =	sor.u32 s3, s0;
	s1 =	sshll.u32 s1, $0x11  }
0xbd: {  	s0 =	sor.u32 s1, s0  }
0xbe: {  	s0 =	sadd.s32 $0x8F2B, s0  }
0xbf: {  	[sflag:s0] =	ssyncadd.remote.s32 $0x1  }
0xc0: {  	_ =	sfence.sel $0xFFFF  }
0xc1: {  	[dreg:$0x0] =	wrdreg $0xFFFFFFFF;
	(pc) =	sbr.abs _section_cstart, $3  }
0xc2: {  	[dreg:$0x1] =	wrdreg $0xFFFFFFFF  }
0xc3: {  	_ =	task.clear_ibuf [dreg:s8], $0x2FFFF;
	_ =	strace $0x9FFFFFFF  }
0xc4: {  	(tm) =	ssettm $0x7FFFFFFF  }
0xc5: {  	_ =	shalt  }
tec
execute0_lowered:
.L_overlay_start_1:
0x0: {  	(tag) =	ssettag $0x1  }
0x1: {  	s1 =	rddreg [dreg:$0x0]  }
0x2: {  	s0 =	srdreg.scid;
	s7 =	rddreg [dreg:$0x1]  }
0x3: {  	s3 =	rddreg [dreg:$0x2];
	s4 =	simm.s32 $0x0;
	s15 =	simm.s32 $0x800  }
0x4: {  	s16 =	simm.s32 $0xA00;
	s17 =	simm.s32 $0xB80;
	s18 =	simm.s32 $0xC00  }
0x5: {  	s19 =	simm.s32 $0x0;
	s6 =	sand.u32 $0x1, s0;
	s0 =	stileid.u32  }
0x6: {  	[smem:$0x7FF] =	sst s4;
	s2 =	sshll.u32 s6, $0x4;
	s11 =	smul.u32 $0xFFFFFEC0, s0  }
0x7: {  	s10 =	sshll.u32 s0, $0x4;
	s28 =	ssub.s32 $0x2, s6;
	s12 =	smul.u32 $0xFFFFEC00, s6  }
0x8: {  	s8 =	sor.u32 s0, s2;
	s2 =	rddreg [dreg:$0x3];
	_ =	strace $0x80000047  }
0x9: {  	s10 =	sand.u32 $0x70, s10;
	s29 =	sshrl.u32 s28, $0x1;
	s5 =	smul.u32 $0x140, s8  }
0xa: {  	s8 =	sshll.u32 s8, $0x4;
	s14 =	ssub.s32 s28, s29;
	s31 =	sadd.s32 s12, s11  }
0xb: {  	s8 =	sand.u32 $0x180, s8;
	s11 =	sadd.s32 $0x2710, s31;
	s12 =	smax.u32 s14, $0x1  }
.Ltmp0:
0xc: {  	s14 =	simm.s32 $0x1;
	s9 =	sshrl.u32 s5, $0x3;
	(pc) =	sbr.rel .LBB2_1-.Ltmp0, $4  }
0xd: {  	s8 =	sor.u32 s10, s8;
	s30 =	ssub.s32 $0x2710, s5;
	s11 =	smin.u32 s11, $0x140  }
0xe: {  	s9 =	sadd.s32 s9, s7;
	s13 =	sadd.s32 s8, s7;
	s6 =	smin.u32 s30, $0x140  }
0xf: {  	s11 =	sshrl.u32 s11, $0x4;
	s7 =	sadd.s32 $0xC00, s9;
	s8 =	sadd.s32 $0x1200, s9  }
0x10: {  	v0 =	vimm.f32 $-1.000000020e+30;
	v1 =	vlaneseq.u32;
	v2 =	vimm.f32 $0.0e+00;
	s9 =	sadd.s32 $0x1800, s13;
	s10 =	sadd.s32 $0x1A00, s13;
	s13 =	simm.s32 $0x980  }
.LBB2_8:
0x11: {  	v3 =	vsel vm8, v4, v3  }
0x12: {  	[tilespmem:s22+$0xC00] =	vst v3  }
.LBB2_9:
0x13: {  	[hbm4b:s8+s4] =	stream.linear.scatter [tilespmem:s16], [sflag:$0x1], $0x140, $0x38;
	[tilespmem:$0xC80] =	vst v63  }
0x14: {  	_ =	swait.ge [sflag:s14], $0x140  }
0x15: {  	[sflag:s14] =	ssyncset.done $0x0  }
0x16: {  	[sflag:s14] =	ssyncadd.s32 $0xFFFFFEC0  }
0x17: {  	[hbm4b:s9+s4] =	stream.linear.scatter [tilespmem:s17], [sflag:$0x1], $0x80, $0x38;
	[tilespmem:$0xC80] =	vst v63  }
0x18: {  	s19 =	sadd.s32 $0x1, s19;
	_ =	swait.ge [sflag:s14], $0x80  }
0x19: {  	p0 =	sne.s32 s19, s12;
	[sflag:s14] =	ssyncset.done $0x0  }
.Ltmp1:
0x1a: {  	[sflag:s14] =	ssyncadd.s32 $0xFFFFFF80;
	(pc) =	sbr.rel @!p0 .LBB2_10-.Ltmp1, $4  }
0x1b: {  	[hbm4b:s10+s4] =	stream.linear.scatter [tilespmem:s18], [sflag:$0x1], $0x80, $0x38;
	[tilespmem:$0xC80] =	vst v63  }
0x1c: {  	_ =	swait.ge [sflag:s14], $0x80  }
0x1d: {  	[sflag:s14] =	ssyncset.done $0x0  }
0x1e: {  	[sflag:s14] =	ssyncadd.s32 $0xFFFFFF80  }
.LBB2_1:
0x1f: {  	[tilespmem:s13], [sflag:$0x1] =	stream.linear.gather [hbm4b:s3+s4], $0x80, $0x38;
	[tilespmem:$0xC80] =	vst v63  }
0x20: {  	_ =	swait.ge [sflag:s14], $0x80  }
0x21: {  	[sflag:s14] =	ssyncset.done $0x0  }
0x22: {  	[sflag:s14] =	ssyncadd.s32 $0xFFFFFF80  }
0x23: {  	[tilespmem:s15], [sflag:$0x1] =	stream.linear.gather [hbm4b:s7+s4], $0x140, $0x38;
	[tilespmem:$0xC80] =	vst v63  }
0x24: {  	_ =	swait.ge [sflag:s14], $0x140  }
0x25: {  	[sflag:s14] =	ssyncset.done $0x0  }
0x26: {  	[sflag:s14] =	ssyncadd.s32 $0xFFFFFEC0  }
0x27: {  	[tilespmem:$0xA00] =	vst v0  }
0x28: {  	[tilespmem:$0xA10] =	vst v0  }
0x29: {  	[tilespmem:$0xA20] =	vst v0  }
0x2a: {  	[tilespmem:$0xA30] =	vst v0  }
0x2b: {  	[tilespmem:$0xA40] =	vst v0  }
0x2c: {  	[tilespmem:$0xA50] =	vst v0  }
0x2d: {  	[tilespmem:$0xA60] =	vst v0  }
0x2e: {  	[tilespmem:$0xA70] =	vst v0  }
0x2f: {  	[tilespmem:$0xA80] =	vst v0  }
0x30: {  	[tilespmem:$0xA90] =	vst v0  }
0x31: {  	[tilespmem:$0xAA0] =	vst v0  }
0x32: {  	[tilespmem:$0xAB0] =	vst v0  }
0x33: {  	v3 =	vld [tilespmem:$0x980];
	[tilespmem:$0xAC0] =	vst v0  }
0x34: {  	v4 =	vld [tilespmem:$0x990];
	[tilespmem:$0xAD0] =	vst v0  }
0x35: {  	v5 =	vld [tilespmem:$0x9A0];
	[tilespmem:$0xAE0] =	vst v0  }
0x36: {  	v6 =	vld [tilespmem:$0x9B0];
	[tilespmem:$0xAF0] =	vst v0  }
0x37: {  	v7 =	vld [tilespmem:$0x9C0];
	[tilespmem:$0xB00] =	vst v0  }
0x38: {  	v8 =	vld [tilespmem:$0x9D0];
	[tilespmem:$0xB10] =	vst v0  }
0x39: {  	v9 =	vld [tilespmem:$0x9E0];
	[tilespmem:$0xB20] =	vst v0  }
0x3a: {  	s20 =	simm.s32 $0x0;
	v10 =	vld [tilespmem:$0x9F0];
	[tilespmem:$0xB30] =	vst v0  }
.LBB2_2:
0x3b: {  	s21 =	sshll.u32 s20, $0x4  }
0x3c: {  	s22 =	sadd.s32 s5, s21  }
0x3d: {  	s22 =	sshll.u32 s22, $0x4  }
0x3e: {  	s30 =	simm.s32 $0x0;
	s23 =	sadd.s32 s1, s22  }
0x3f: {  	[tilespmem:s30], [sflag:$0x1] =	stream.linear.gather [hbm4b:s23+s30], $0x800, $0x38;
	[tilespmem:$0xC80] =	vst v63  }
0x40: {  	_ =	swait.ge [sflag:s14], $0x800  }
0x41: {  	[sflag:s14] =	ssyncset.done $0x0  }
0x42: {  	s31 =	simm.s32 $0x40;
	[sflag:s14] =	ssyncadd.s32 $0xFFFFF800  }
0x43: {  	v11 =	vld [tilespmem:s31+$0xFFFFFFC0]  }
0x44: {  	v12 =	vld [tilespmem:s31+$0xFFFFFFD0];
	_ =	sdelay $0x1  }
0x45: {  	v13 =	vld [tilespmem:s31+$0xFFFFFFE0];
	_ =	sdelay $0x1  }
0x46: {  	v14 =	vld [tilespmem:s31+$0xFFFFFFF0]  }
0x47: {  	v11 =	vmul.f32 v11, v3;
	v12 =	vmul.f32 v12, v4  }
0x48: {  	v16 =	vld [tilespmem:s31+$0x0]  }
0x49: {  	s24 =	simm.s32 $0xC0;
	v15 =	vld [tilespmem:s31+$0x10];
	v11 =	vadd.f32 v12, v11;
	v12 =	vmul.f32 v13, v5  }
0x4a: {  	v17 =	vld [tilespmem:s24+$0xFFFFFFC0]  }
0x4b: {  	v13 =	vld [tilespmem:s24+$0xFFFFFFD0];
	v11 =	vadd.f32 v12, v11;
	v12 =	vmul.f32 v14, v6  }
0x4c: {  	v14 =	vld [tilespmem:s31+$0x20]  }
0x4d: {  	v11 =	vadd.f32 v12, v11;
	v12 =	vmul.f32 v16, v7;
	v16 =	vld [tilespmem:s31+$0x30]  }
0x4e: {  	v18 =	vld [tilespmem:s24+$0xFFFFFFE0]  }
0x4f: {  	s25 =	simm.s32 $0x140;
	v19 =	vld [tilespmem:s24+$0xFFFFFFF0];
	v15 =	vmul.f32 v15, v8;
	v11 =	vadd.f32 v12, v11  }
0x50: {  	v21 =	vld [tilespmem:s25+$0xFFFFFFC0];
	v13 =	vmul.f32 v13, v4  }
0x51: {  	v14 =	vmul.f32 v14, v9;
	v11 =	vadd.f32 v15, v11;
	v15 =	vmul.f32 v17, v3;
	v17 =	vld [tilespmem:s25+$0xFFFFFFD0]  }
0x52: {  	v12 =	vld [tilespmem:s24+$0x0];
	v16 =	vmul.f32 v16, v10  }
0x53: {  	v11 =	vadd.f32 v14, v11;
	v13 =	vadd.f32 v13, v15;
	v14 =	vmul.f32 v18, v5;
	v15 =	vld [tilespmem:s25+$0xFFFFFFE0]  }
0x54: {  	v20 =	vld [tilespmem:s24+$0x10]  }
0x55: {  	v11 =	vadd.f32 v16, v11;
	v13 =	vadd.f32 v14, v13;
	v14 =	vmul.f32 v19, v6;
	v16 =	vld [tilespmem:s25+$0xFFFFFFF0]  }
0x56: {  	v22 =	vld [tilespmem:s24+$0x20];
	v19 =	vmul.f32 v21, v3;
	v17 =	vmul.f32 v17, v4  }
0x57: {  	(xrf2) =	vadd.scan.msk.f32 $0xffff, v11;
	v11 =	vadd.f32 v14, v13;
	v13 =	vld [tilespmem:s25+$0x0]  }
0x58: {  	v12 =	vmul.f32 v12, v7;
	v17 =	vadd.f32 v17, v19;
	v15 =	vmul.f32 v15, v5  }
0x59: {  	v18 =	vld [tilespmem:s24+$0x30];
	v19 =	vmul.f32 v20, v8  }
0x5a: {  	s23 =	simm.s32 $0x1C0;
	v21 =	vld [tilespmem:s25+$0x10];
	v11 =	vadd.f32 v12, v11;
	v15 =	vadd.f32 v15, v17;
	v16 =	vmul.f32 v16, v6  }
0x5b: {  	v14 =	vld [tilespmem:s23+$0xFFFFFFC0];
	v20 =	vmul.f32 v22, v9  }
0x5c: {  	v12 =	vld [tilespmem:s23+$0xFFFFFFD0];
	v19 =	vadd.f32 v19, v11;
	v15 =	vadd.f32 v16, v15;
	v16 =	vmul.f32 v13, v7  }
0x5d: {  	v17 =	vld [tilespmem:s25+$0x20]  }
0x5e: {  	v18 =	vmul.f32 v18, v10;
	v19 =	vadd.f32 v20, v19;
	v16 =	vadd.f32 v16, v15  }
0x5f: {  	v22 =	vld [tilespmem:s23+$0xFFFFFFE0]  }
0x60: {  	v23 =	vld [tilespmem:s25+$0x30];
	v21 =	vmul.f32 v21, v8;
	v18 =	vadd.f32 v18, v19  }
0x61: {  	v13 =	vld [tilespmem:s23+$0xFFFFFFF0];
	v20 =	vmul.f32 v14, v3  }
0x62: {  	v24 =	vmul.f32 v12, v4;
	v12 =	vld [tilespmem:s23+$0x10];
	v14 =	vmul.f32 v17, v9;
	v17 =	vadd.f32 v21, v16;
	v16, _, _ =	vpop (xrf2);
	(xrf2) =	vadd.scan.msk.f32 $0xffff, v18  }
0x63: {  	s28 =	simm.s32 $0x240;
	v25 =	vmov s30;
	v15 =	vld [tilespmem:s23+$0x0]  }
0x64: {  	s26 =	simm.s32 $0x3;
	s29 =	simm.s32 $0x5;
	vm0 =	veq.s32 v25, v1;
	v22 =	vmul.f32 v22, v5;
	v19 =	vld [tilespmem:s28+$0xFFFFFFC0];
	v20 =	vadd.f32 v24, v20  }
0x65: {  	s22 =	simm.s32 $0x4;
	s24 =	simm.s32 $0x2;
	s25 =	simm.s32 $0x1;
	v11 =	vimm.f32 $-1.000000020e+30;
	v21 =	vld [tilespmem:s28+$0xFFFFFFD0];
	v18 =	vmul.f32 v23, v10;
	v16 =	vbroadcast v16, $0xF  }
.LBB2_3:
0x66: {  	p0 =	sne.s32 s29, $0xF;
	v20 =	vadd.f32 v22, v20;
	v13 =	vmul.f32 v13, v6;
	v22 =	vld [tilespmem:s23+$0x20];
	v14 =	vadd.f32 v14, v17  }
0x67: {  	v17 =	vld [tilespmem:s28+$0xFFFFFFE0];
	v11 =	vsel vm0, v16, v11  }
0x68: {  	v16 =	vadd.f32 v13, v20;
	v15 =	vmul.f32 v15, v7;
	v23 =	vld [tilespmem:s23+$0x30];
	v14 =	vadd.f32 v18, v14;
	s23 =	smov.u32 s28  }
.Ltmp2:
0x69: {  	v18 =	vmul.f32 v12, v8;
	v13 =	vld [tilespmem:s28+$0xFFFFFFF0];
	(pc) =	sbr.rel @p0 .LBB2_3-.Ltmp2, $4  }
0x6a: {  	v20 =	vmul.f32 v19, v3;
	v21 =	vmul.f32 v21, v4;
	v12 =	vld [tilespmem:s28+$0x10];
	v25 =	vadd.f32 v15, v16;
	(xrf2) =	vadd.scan.msk.f32 $0xffff, v14  }
0x6b: {  	v24 =	vmov s25;
	s25 =	smov.u32 s24;
	s24 =	smov.u32 s26;
	s28 =	sadd.s32 $0x80, s28;
	v15 =	vld [tilespmem:s23+$0x0];
	v14 =	vmul.f32 v22, v9  }
0x6c: {  	s26 =	smov.u32 s22;
	s22 =	smov.u32 s29;
	v19 =	vld [tilespmem:s28+$0xFFFFFFC0];
	v20 =	vadd.f32 v21, v20;
	v22 =	vmul.f32 v17, v5;
	v17 =	vadd.f32 v18, v25;
	v16, _, _ =	vpop (xrf2)  }
0x6d: {  	s29 =	sadd.s32 $0x1, s29;
	vm0 =	veq.s32 v24, v1;
	v21 =	vld [tilespmem:s28+$0xFFFFFFD0];
	v18 =	vmul.f32 v23, v10;
	v16 =	vbroadcast v16, $0xF  }
0x6e: {  	_ = 	snop  }
0x6f: {  	v23 =	vld [tilespmem:s28+$0xFFFFFFE0];
	_ =	sdelay $0x1  }
0x70: {  	v24 =	vld [tilespmem:s28+$0xFFFFFFF0]  }
0x71: {  	v19 =	vmul.f32 v19, v3;
	v21 =	vmul.f32 v21, v4  }
0x72: {  	v25 =	vld [tilespmem:s28+$0x0]  }
0x73: {  	v45 =	vmul.f32 v23, v5;
	v19 =	vadd.f32 v21, v19  }
0x74: {  	v20 =	vadd.f32 v22, v20;
	v13 =	vmul.f32 v13, v6;
	v46 =	vld [tilespmem:s28+$0x10]  }
0x75: {  	v47 =	vld [tilespmem:s23+$0x20];
	v48 =	vmul.f32 v24, v6;
	v19 =	vadd.f32 v45, v19  }
0x76: {  	v49 =	vld [tilespmem:s28+$0x20];
	v13 =	vadd.f32 v13, v20;
	v15 =	vmul.f32 v15, v7  }
0x77: {  	v50 =	vld [tilespmem:s23+$0x30];
	v51 =	vmul.f32 v25, v7;
	v19 =	vadd.f32 v48, v19  }
0x78: {  	v52 =	vld [tilespmem:s28+$0x30];
	v12 =	vmul.f32 v12, v8;
	v13 =	vadd.f32 v15, v13  }
0x79: {  	v22 =	vmul.f32 v46, v8;
	v19 =	vadd.f32 v51, v19  }
0x7a: {  	v53 =	vmul.f32 v47, v9;
	v12 =	vadd.f32 v12, v13  }
0x7b: {  	v14 =	vadd.f32 v14, v17;
	v54 =	vmul.f32 v49, v9;
	v19 =	vadd.f32 v22, v19  }
0x7c: {  	v55 =	vmul.f32 v50, v10;
	v12 =	vadd.f32 v53, v12  }
0x7d: {  	v14 =	vadd.f32 v18, v14;
	v15 =	vmul.f32 v52, v10;
	v13 =	vadd.f32 v54, v19  }
0x7e: {  	v12 =	vadd.f32 v55, v12  }
0x7f: {  	(xrf2) =	vadd.scan.msk.f32 $0xffff, v14;
	v13 =	vadd.f32 v15, v13  }
0x80: {  	(xrf2) =	vadd.scan.msk.f32 $0xffff, v12  }
0x81: {  	(xrf2) =	vadd.scan.msk.f32 $0xffff, v13;
	_ =	sdelay $0x6  }
0x82: {  	v58 =	vmov s25;
	v59 =	vmov s24;
	v56, _, _ =	vpop (xrf2)  }
0x83: {  	v61 =	vmov s26;
	v63 =	vmov s22;
	s20 =	sadd.s32 $0x1, s20;
	v12 =	vbroadcast v56, $0xF;
	v57, _, _ =	vpop (xrf2)  }
0x84: {  	v11 =	vsel vm0, v16, v11;
	vm12 =	veq.s32 v58, v1;
	p0 =	sne.s32 s20, s11;
	v13 =	vbroadcast v57, $0xF;
	v60, _, _ =	vpop (xrf2)  }
.Ltmp3:
0x85: {  	vm13 =	veq.s32 v59, v1;
	v11 =	vsel vm12, v12, v11;
	v12 =	vbroadcast v60, $0xF;
	v62, _, _ =	vpop (xrf2);
	(pc) =	sbr.rel @p0 .LBB2_2-.Ltmp3, $4  }
0x86: {  	vm14 =	veq.s32 v61, v1;
	v11 =	vsel vm13, v13, v11;
	v14 =	vbroadcast v62, $0xF  }
0x87: {  	vm15 =	veq.s32 v63, v1;
	v11 =	vsel vm14, v12, v11  }
0x88: {  	v11 =	vsel vm15, v14, v11  }
0x89: {  	[tilespmem:s21+$0xA00] =	vst v11  }
0x8a: {  	[tilespmem:$0xB80] =	vst v0  }
0x8b: {  	[tilespmem:$0xC00] =	vst v2  }
0x8c: {  	[tilespmem:$0xB90] =	vst v0  }
0x8d: {  	[tilespmem:$0xC10] =	vst v2  }
0x8e: {  	[tilespmem:$0xBA0] =	vst v0  }
0x8f: {  	[tilespmem:$0xC20] =	vst v2  }
0x90: {  	[tilespmem:$0xBB0] =	vst v0  }
0x91: {  	[tilespmem:$0xC30] =	vst v2;
	v3 =	vld [tilespmem:$0x800]  }
0x92: {  	v4 =	vld [tilespmem:s6+$0x7F0];
	_ =	sdelay $0x3  }
0x93: {  	v3 =	vxor.u32 $0x80000000, v3  }
0x94: {  	(xrf0) =	vmin.scan.msk.u32 $0xffff, v3;
	v3 =	vxor.u32 $0x80000000, v4  }
0x95: {  	(xrf0) =	vmax.scan.msk.u32 $0xffff, v3;
	_ =	sdelay $0x4  }
0x96: {  	v3, _, _ =	vpop (xrf0)  }
0x97: {  	(v2sf) =	vpush v3, $0xF;
	v3, _, _ =	vpop (xrf0)  }
0x98: {  	(v2sf) =	vpush v3, $0xF;
	_ =	sdelay $0xd  }
0x99: {  	s21 =	spop (v2sf)  }
0x9a: {  	s20 =	spop (v2sf)  }
0x9b: {  	s22 =	sxor.u32 $0x80000000, s21;
	s23 =	sadd.s32 $0x80000001, s20  }
0x9c: {  	p0 =	sge.s32 s22, s23  }
.Ltmp4:
0x9d: {  	_ = 	snop;
	(pc) =	sbr.rel @p0 .LBB2_9-.Ltmp4, $1  }
0x9e: {  	_ =	sdelay $0x3  }
0x9f: {  	v3 =	vld [tilespmem:$0x810]  }
0xa0: {  	v4 =	vld [tilespmem:$0x910]  }
0xa1: {  	v5 =	vld [tilespmem:$0x8C0]  }
0xa2: {  	v6 =	vld [tilespmem:$0x8B0]  }
0xa3: {  	v7 =	vld [tilespmem:$0x8A0]  }
0xa4: {  	v8 =	vld [tilespmem:$0x930]  }
0xa5: {  	v9 =	vld [tilespmem:$0x920]  }
0xa6: {  	v10 =	vld [tilespmem:$0x890]  }
0xa7: {  	v11 =	vld [tilespmem:$0x8E0]  }
0xa8: {  	v12 =	vld [tilespmem:$0x880]  }
0xa9: {  	v13 =	vld [tilespmem:$0x870]  }
0xaa: {  	v14 =	vld [tilespmem:$0x900]  }
0xab: {  	v15 =	vld [tilespmem:$0x8F0]  }
0xac: {  	v16 =	vld [tilespmem:$0x8D0]  }
0xad: {  	v17 =	vld [tilespmem:$0xA00]  }
0xae: {  	v18 =	vld [tilespmem:$0x860]  }
0xaf: {  	v19 =	vld [tilespmem:$0x850]  }
0xb0: {  	v20 =	vld [tilespmem:$0x840]  }
0xb1: {  	v23 =	vld [tilespmem:$0x800]  }
0xb2: {  	v22 =	vld [tilespmem:$0x820]  }
0xb3: {  	v21 =	vld [tilespmem:$0x830]  }
0xb4: {  	v24 =	vld [tilespmem:$0xA10]  }
0xb5: {  	v25 =	vld [tilespmem:$0xA20];
	s23 =	sadd.s32 $0x80000000, s21;
	v42 =	vimm.s32 $0x0;
	v46 =	vimm.s32 $0x0  }
0xb6: {  	v26 =	vld [tilespmem:$0xA30];
	v48 =	vimm.s32 $0x0;
	v50 =	vimm.s32 $0x0;
	vm0 =	veq.s32 v23, s23  }
0xb7: {  	v27 =	vld [tilespmem:$0xA40];
	v36 =	vmax.f32 v17, $-1.000000020e+30;
	vm1 =	veq.s32 v3, s23;
	vm15 =	veq.s32 v22, s23  }
0xb8: {  	v28 =	vld [tilespmem:$0xA50];
	vm2 =	veq.s32 v21, s23;
	vm3 =	veq.s32 v20, s23;
	vm4 =	veq.s32 v19, s23  }
0xb9: {  	v22 =	vld [tilespmem:$0xA60];
	vm12 =	veq.s32 v18, s23;
	v3 =	vnsel vm0, $0xF149F2CA, v36;
	v37 =	vnsel vm1, $0xF149F2CA, v24  }
0xba: {  	v39 =	vld [tilespmem:$0xA70];
	vm13 =	veq.s32 v13, s23;
	v38 =	vnsel vm15, $0xF149F2CA, v25;
	v3 =	vmax.f32 v3, v37  }
0xbb: {  	v41 =	vld [tilespmem:$0xA80];
	vm14 =	veq.s32 v12, s23;
	v40 =	vnsel vm2, $0xF149F2CA, v26;
	v3 =	vmax.f32 v3, v38  }
0xbc: {  	v44 =	vld [tilespmem:$0xA90];
	v43 =	vnsel vm3, $0xF149F2CA, v27;
	v18 =	vsel vm12, $0xFFFFFFFF, v46;
	v3 =	vmax.f32 v3, v40  }
0xbd: {  	v45 =	vnsel vm4, $0xF149F2CA, v28;
	v13 =	vsel vm13, $0xFFFFFFFF, v48;
	[tilespmem:$0x1FFD0] =	vst v18;
	v18 =	vld [tilespmem:$0xAA0];
	v3 =	vmax.f32 v3, v43  }
0xbe: {  	vm5 =	veq.s32 v7, s23;
	[tilespmem:$0x1FFE0] =	vst v13;
	v13 =	vld [tilespmem:$0xAB0];
	v47 =	vnsel vm12, $0xF149F2CA, v22;
	v3 =	vmax.f32 v3, v45  }
0xbf: {  	v51 =	vld [tilespmem:$0xAC0];
	v19 =	vsel vm4, $0xFFFFFFFF, v42;
	v49 =	vnsel vm13, $0xF149F2CA, v39;
	v3 =	vmax.f32 v3, v47  }
0xc0: {  	v53 =	vld [tilespmem:$0xAD0];
	v52 =	vnsel vm14, $0xF149F2CA, v41;
	vm4 =	veq.s32 v10, s23;
	v3 =	vmax.f32 v3, v49  }
0xc1: {  	v7 =	vld [tilespmem:$0xAE0];
	vm6 =	veq.s32 v6, s23;
	v54 =	vnsel vm4, $0xF149F2CA, v44;
	v3 =	vmax.f32 v3, v52  }
0xc2: {  	v6 =	vld [tilespmem:$0xAF0];
	vm8 =	veq.s32 v5, s23;
	v55 =	vnsel vm5, $0xF149F2CA, v18;
	v3 =	vmax.f32 v3, v54  }
0xc3: {  	v5 =	vld [tilespmem:$0xB00];
	vm7 =	veq.s32 v16, s23;
	v56 =	vnsel vm6, $0xF149F2CA, v13;
	v3 =	vmax.f32 v3, v55  }
0xc4: {  	v58 =	vld [tilespmem:$0xB10];
	vm9 =	veq.s32 v11, s23;
	v57 =	vnsel vm8, $0xF149F2CA, v51;
	v3 =	vmax.f32 v3, v56  }
0xc5: {  	v60 =	vld [tilespmem:$0xB20];
	vm10 =	veq.s32 v15, s23;
	v59 =	vnsel vm7, $0xF149F2CA, v53;
	v3 =	vmax.f32 v3, v57  }
0xc6: {  	v62 =	vld [tilespmem:$0xB30];
	v12 =	vsel vm14, $0xFFFFFFFF, v50;
	v61 =	vnsel vm9, $0xF149F2CA, v7;
	v3 =	vmax.f32 v3, v59  }
0xc7: {  	v63 =	vnsel vm10, $0xF149F2CA, v6;
	vm12 =	veq.s32 v14, s23;
	v3 =	vmax.f32 v3, v61  }
0xc8: {  	vm13 =	veq.s32 v4, s23;
	v29 =	vnsel vm12, $0xF149F2CA, v5;
	v3 =	vmax.f32 v3, v63  }
0xc9: {  	vm14 =	veq.s32 v9, s23;
	v4 =	vnsel vm13, $0xF149F2CA, v58;
	v3 =	vmax.f32 v3, v29  }
0xca: {  	vm11 =	veq.s32 v8, s23;
	v3 =	vmax.f32 v3, v4;
	v4 =	vnsel vm14, $0xF149F2CA, v60  }
0xcb: {  	v3 =	vmax.f32 v3, v4;
	v4 =	vnsel vm11, $0xF149F2CA, v62  }
0xcc: {  	v3 =	vmax.f32 v3, v4  }
0xcd: {  	(xrf0) =	vmax.scan.msk.f32 $0xffff, v3;
	_ =	sdelay $0x5  }
0xce: {  	v3, _, _ =	vpop (xrf0)  }
0xcf: {  	v3 =	vbroadcast v3, $0xF;
	_ =	sdelay $0x1  }
0xd0: {  	v4 =	vsub.f32 v17, v3  }
0xd1: {  	v30 =	vsub.f32 v25, v3  }
0xd2: {  	v31 =	vsub.f32 v24, v3;
	v4 =	vmul.f32 $1.442695020e+00, v4  }
0xd3: {  	v8 =	vmul.f32 $1.442695020e+00, v30  }
0xd4: {  	(erf) = vpow2.f32 v4;
	v4 =	vmul.f32 $1.442695020e+00, v31  }
0xd5: {  	(erf) = vpow2.f32 v8  }
0xd6: {  	(erf) = vpow2.f32 v4;
	v4 =	vsub.f32 v26, v3  }
0xd7: {  	v32 =	vsub.f32 v27, v3  }
0xd8: {  	v4 =	vmul.f32 $1.442695020e+00, v4  }
0xd9: {  	v8 =	vmul.f32 $1.442695020e+00, v32  }
0xda: {  	v33 =	vsub.f32 v41, v3;
	(erf) = vpow2.f32 v4  }
0xdb: {  	(erf) = vpow2.f32 v8  }
0xdc: {  	v34 =	vsub.f32 v44, v3;
	v36 =	vsub.f32 v39, v3;
	v8 =	vmul.f32 $1.442695020e+00, v33  }
0xdd: {  	[tilespmem:$0x1FFF0] =	vst v12;
	v12 =	vsub.f32 v51, v3;
	v38 =	vsub.f32 v28, v3  }
0xde: {  	v39 =	vsub.f32 v53, v3;
	v9 =	vmul.f32 $1.442695020e+00, v34;
	v4 =	vpop (erf);
	(erf) = vpow2.f32 v8  }
0xdf: {  	v7 =	vsub.f32 v7, v3;
	v14 =	vmul.f32 $1.442695020e+00, v36;
	v40 =	vmul.f32 $1.442695020e+00, v12  }
0xe0: {  	v41 =	vsub.f32 v22, v3;
	v42 =	vmul.f32 $1.442695020e+00, v38;
	v35 =	vpop (erf);
	(erf) = vpow2.f32 v9  }
0xe1: {  	v6 =	vsub.f32 v6, v3;
	v7 =	vmul.f32 $1.442695020e+00, v7;
	v37 =	vpop (erf);
	(erf) = vpow2.f32 v14  }
0xe2: {  	v5 =	vsub.f32 v5, v3;
	v8 =	vmul.f32 $1.442695020e+00, v39;
	(erf) = vpow2.f32 v40  }
0xe3: {  	v4 =	vadd.f32 $0.0e+00, v4;
	v9 =	vmul.f32 $1.442695020e+00, v41;
	v43 =	vpop (erf);
	(erf) = vpow2.f32 v42  }
0xe4: {  	v45 =	vsub.f32 v58, v3;
	v6 =	vmul.f32 $1.442695020e+00, v6;
	v44 =	vpop (erf);
	(erf) = vpow2.f32 v8  }
0xe5: {  	v4 =	vnsel vm0, $0x0, v4;
	v17 =	vnsel vm1, $0x0, v37;
	(erf) = vpow2.f32 v9  }
0xe6: {  	[tilespmem:$0x1FFC0] =	vst v19;
	v5 =	vmul.f32 $1.442695020e+00, v5;
	v4 =	vadd.f32 v4, v17;
	(erf) = vpow2.f32 v7  }
0xe7: {  	v53 =	vld [tilespmem:$0x1FFC0];
	v11 =	vnsel vm15, $0x0, v35;
	v7 =	vpop (erf);
	(erf) = vpow2.f32 v6;
	v6 =	vsub.f32 v18, v3  }
0xe8: {  	v46 =	vsub.f32 v60, v3;
	v4 =	vadd.f32 v4, v11  }
0xe9: {  	v55 =	vld [tilespmem:$0x1FFD0];
	v10 =	vnsel vm2, $0x0, v43;
	v8 =	vmul.f32 $1.442695020e+00, v45;
	v48 =	vpop (erf);
	v6 =	vmul.f32 $1.442695020e+00, v6  }
0xea: {  	v9 =	vmul.f32 $1.442695020e+00, v46;
	v4 =	vadd.f32 v4, v10;
	(erf) = vpow2.f32 v5;
	v5 =	vpop (erf)  }
0xeb: {  	v56 =	vld [tilespmem:$0x1FFE0];
	v12 =	vnsel vm3, $0x0, v44;
	(erf) = vpow2.f32 v8;
	v50 =	vpop (erf)  }
0xec: {  	vm15 =	vnez.u8 v53;
	v4 =	vadd.f32 v4, v12;
	v52 =	vpop (erf);
	(erf) = vpow2.f32 v9  }
0xed: {  	v9 =	vnsel vm15, $0x0, v52;
	(erf) = vpow2.f32 v6;
	v6 =	vpop (erf)  }
0xee: {  	vm15 =	vnez.u8 v55;
	v54 =	vpop (erf);
	v4 =	vadd.f32 v4, v9  }
0xef: {  	v47 =	vsub.f32 v62, v3;
	v9 =	vnsel vm15, $0x0, v54  }
0xf0: {  	v49 =	vsub.f32 v13, v3;
	vm15 =	vnez.u8 v56;
	v4 =	vadd.f32 v4, v9  }
0xf1: {  	v51 =	vmul.f32 $1.442695020e+00, v47;
	v5 =	vnsel vm15, $0x0, v5  }
0xf2: {  	v10 =	vmul.f32 $1.442695020e+00, v49;
	v4 =	vadd.f32 v4, v5;
	v5 =	vld [tilespmem:$0x1FFF0]  }
0xf3: {  	(erf) = vpow2.f32 v51  }
0xf4: {  	(erf) = vpow2.f32 v10;
	_ =	sdelay $0x1  }
0xf5: {  	v57 =	vpop (erf)  }
0xf6: {  	v58 =	vpop (erf);
	vm15 =	vnez.u8 v5  }
0xf7: {  	v5 =	vnsel vm15, $0x0, v7;
	v7 =	vpop (erf)  }
0xf8: {  	v59 =	vpop (erf);
	v4 =	vadd.f32 v4, v5  }
0xf9: {  	v5 =	vnsel vm4, $0x0, v48;
	v60 =	vpop (erf)  }
0xfa: {  	v61 =	vpop (erf);
	v4 =	vadd.f32 v4, v5  }
0xfb: {  	v5 =	vnsel vm5, $0x0, v61;
	v62 =	vpop (erf)  }
0xfc: {  	v63 =	vpop (erf);
	v4 =	vadd.f32 v4, v5  }
0xfd: {  	v5 =	vnsel vm6, $0x0, v63  }
0xfe: {  	v4 =	vadd.f32 v4, v5  }
0xff: {  	v5 =	vnsel vm8, $0x0, v50  }
0x100: {  	v4 =	vadd.f32 v4, v5  }
0x101: {  	v5 =	vnsel vm7, $0x0, v6  }
0x102: {  	v4 =	vadd.f32 v4, v5  }
0x103: {  	v5 =	vnsel vm9, $0x0, v57  }
0x104: {  	v4 =	vadd.f32 v4, v5  }
0x105: {  	v5 =	vnsel vm10, $0x0, v58  }
0x106: {  	v4 =	vadd.f32 v4, v5  }
0x107: {  	v5 =	vnsel vm12, $0x0, v7  }
0x108: {  	s22 =	sshra.s32 s23, $0x1F;
	v4 =	vadd.f32 v4, v5  }
0x109: {  	s22 =	sshrl.u32 s22, $0x1C;
	v5 =	vnsel vm13, $0x0, v59  }
0x10a: {  	s22 =	sadd.s32 s22, s23;
	v4 =	vadd.f32 v4, v5  }
0x10b: {  	s24 =	sand.u32 $0xFFFFFFF0, s22;
	v5 =	vnsel vm14, $0x0, v60  }
0x10c: {  	p0 =	slt.s32 s23, $0x1;
	p1 =	sne.s32 s23, s24;
	v4 =	vadd.f32 v4, v5  }
0x10d: {  	p0 =	por !p0, !p1;
	v5 =	vnsel vm11, $0x0, v62  }
0x10e: {  	s24 =	simm.s32 $0x1;
	p0 =	por !p0, !p0;
	v4 =	vadd.f32 v4, v5  }
0x10f: {  	s22 =	sshrl.u32 s22, $0x4;
	s24 =	simm.s32 @!p0 $0x0  }
0x110: {  	s22 =	ssub.s32 s22, s24;
	(xrf2) =	vadd.scan.msk.f32 $0xffff, v4  }
0x111: {  	s22 =	sshll.u32 s22, $0x4  }
0x112: {  	v4 =	vld [tilespmem:s22+$0xB80];
	_ =	sdelay $0x1  }
0x113: {  	s23 =	sand.u32 $0xF, s23  }
0x114: {  	v5 =	vmov s23  }
0x115: {  	s20 =	sadd.s32 $0x1, s20;
	s21 =	sadd.s32 $0x1, s21;
	vm8 =	veq.s32 v5, v1  }
0x116: {  	p0 =	sne.s32 s20, s21;
	v3 =	vsel vm8, v3, v4  }
.Ltmp5:
0x117: {  	[tilespmem:s22+$0xB80] =	vst v3;
	v3 =	vld [tilespmem:s22+$0xC00];
	(pc) =	sbr.rel @!p0 .LBB2_8-.Ltmp5, $3  }
0x118: {  	_ = 	snop  }
0x119: {  	v4, _, _ =	vpop (xrf2)  }
0x11a: {  	v4 =	vbroadcast v4, $0xF;
	_ =	sdelay $0x1  }
.LBB2_7:
0x11b: {  	v3 =	vsel vm8, v4, v3  }
0x11c: {  	[tilespmem:s22+$0xC00] =	vst v3  }
0x11d: {  	v3 =	vld [tilespmem:$0x810]  }
0x11e: {  	v7 =	vld [tilespmem:$0x910]  }
0x11f: {  	v8 =	vld [tilespmem:$0x8C0]  }
0x120: {  	v9 =	vld [tilespmem:$0x8B0]  }
0x121: {  	v10 =	vld [tilespmem:$0x8A0]  }
0x122: {  	v11 =	vld [tilespmem:$0x930]  }
0x123: {  	v12 =	vld [tilespmem:$0x920]  }
0x124: {  	v13 =	vld [tilespmem:$0x890]  }
0x125: {  	v6 =	vld [tilespmem:$0x8E0]  }
0x126: {  	v14 =	vld [tilespmem:$0x880]  }
0x127: {  	v15 =	vld [tilespmem:$0x870]  }
0x128: {  	v16 =	vld [tilespmem:$0x900]  }
0x129: {  	v17 =	vld [tilespmem:$0x8F0]  }
0x12a: {  	v4 =	vld [tilespmem:$0xA00]  }
0x12b: {  	v19 =	vld [tilespmem:$0x860]  }
0x12c: {  	v20 =	vld [tilespmem:$0x850]  }
0x12d: {  	v21 =	vld [tilespmem:$0x840]  }
0x12e: {  	s23 =	smov.u32 s21;
	v22 =	vld [tilespmem:$0x830]  }
0x12f: {  	s30 =	sadd.s32 $0x80000000, s23;
	v24 =	vld [tilespmem:$0x800]  }
0x130: {  	v23 =	vld [tilespmem:$0x820];
	vm2 =	veq.s32 v6, s30;
	v6 =	vimm.s32 $0x0  }
0x131: {  	v5 =	vld [tilespmem:$0xA10];
	v6 =	vsel vm2, $0xFFFFFFFF, v6  }
0x132: {  	v32 =	vimm.s32 $0x0;
	v48 =	vimm.s32 $0x0;
	v51 =	vimm.s32 $0x0;
	[tilespmem:$0x1FF70] =	vst v6;
	v6 =	vld [tilespmem:$0xA20]  }
0x133: {  	v54 =	vimm.s32 $0x0;
	vm0 =	veq.s32 v20, s30;
	vm5 =	veq.s32 v7, s30;
	v7 =	vld [tilespmem:$0xA30]  }
0x134: {  	vm3 =	veq.s32 v16, s30;
	vm4 =	veq.s32 v12, s30;
	v12 =	vld [tilespmem:$0xA40];
	vm7 =	veq.s32 v24, s30  }
0x135: {  	v35 =	vld [tilespmem:$0xA50];
	v34 =	vmax.f32 v4, $-1.000000020e+30;
	vm10 =	veq.s32 v3, s30;
	vm9 =	veq.s32 v23, s30  }
0x136: {  	v37 =	vld [tilespmem:$0xA60];
	vm11 =	veq.s32 v22, s30;
	v3 =	vnsel vm7, $0xF149F2CA, v34;
	v36 =	vnsel vm10, $0xF149F2CA, v5  }
0x137: {  	v42 =	vld [tilespmem:$0xA90];
	v20 =	vsel vm0, $0xFFFFFFFF, v32;
	v3 =	vmax.f32 v3, v36;
	v38 =	vnsel vm9, $0xF149F2CA, v6  }
0x138: {  	vm13 =	veq.s32 v21, s30;
	[tilespmem:$0x1FF50] =	vst v20;
	v20 =	vld [tilespmem:$0xA70];
	v39 =	vnsel vm11, $0xF149F2CA, v7;
	v3 =	vmax.f32 v3, v38  }
0x139: {  	v40 =	vld [tilespmem:$0xA80];
	vm15 =	veq.s32 v19, s30;
	v41 =	vnsel vm13, $0xF149F2CA, v12;
	v3 =	vmax.f32 v3, v39  }
0x13a: {  	vm14 =	veq.s32 v15, s30;
	vm12 =	veq.s32 v14, s30;
	v16 =	vmax.f32 v3, v41;
	v3 =	vld [tilespmem:$0xAA0]  }
0x13b: {  	v18 =	vld [tilespmem:$0x8D0];
	v43 =	vnsel vm0, $0xF149F2CA, v35;
	v19 =	vnsel vm15, $0xF149F2CA, v37;
	vm0 =	veq.s32 v13, s30  }
0x13c: {  	v44 =	vld [tilespmem:$0xAB0];
	v13 =	vsel vm0, $0xFFFFFFFF, v48;
	v50 =	vnsel vm0, $0xF149F2CA, v42;
	v16 =	vmax.f32 v16, v43  }
0x13d: {  	v46 =	vld [tilespmem:$0xAC0];
	vm0 =	veq.s32 v10, s30;
	v45 =	vnsel vm14, $0xF149F2CA, v20;
	v16 =	vmax.f32 v16, v19  }
0x13e: {  	v49 =	vld [tilespmem:$0xAD0];
	v47 =	vnsel vm12, $0xF149F2CA, v40;
	v10 =	vsel vm0, $0xFFFFFFFF, v51;
	v16 =	vmax.f32 v16, v45  }
0x13f: {  	v52 =	vld [tilespmem:$0xAE0];
	v16 =	vmax.f32 v16, v47;
	v53 =	vnsel vm0, $0xF149F2CA, v3;
	vm0 =	veq.s32 v9, s30  }
0x140: {  	v55 =	vld [tilespmem:$0xAF0];
	v16 =	vmax.f32 v16, v50;
	v9 =	vsel vm0, $0xFFFFFFFF, v54  }
0x141: {  	v58 =	vld [tilespmem:$0xB00];
	v16 =	vmax.f32 v16, v53;
	v56 =	vnsel vm0, $0xF149F2CA, v44;
	vm0 =	veq.s32 v8, s30  }
0x142: {  	v60 =	vld [tilespmem:$0xB10];
	vm1 =	veq.s32 v18, s30;
	v16 =	vmax.f32 v16, v56;
	v59 =	vnsel vm0, $0xF149F2CA, v46  }
0x143: {  	v62 =	vld [tilespmem:$0xB20];
	v61 =	vnsel vm1, $0xF149F2CA, v49;
	v16 =	vmax.f32 v16, v59  }
0x144: {  	v25 =	vld [tilespmem:$0xB30];
	vm6 =	veq.s32 v17, s30;
	v63 =	vnsel vm2, $0xF149F2CA, v52;
	v16 =	vmax.f32 v16, v61  }
0x145: {  	v27 =	vnsel vm6, $0xF149F2CA, v55;
	v16 =	vmax.f32 v16, v63  }
0x146: {  	v28 =	vnsel vm3, $0xF149F2CA, v58;
	v16 =	vmax.f32 v16, v27  }
0x147: {  	v29 =	vnsel vm5, $0xF149F2CA, v60;
	v16 =	vmax.f32 v16, v28  }
0x148: {  	vm8 =	veq.s32 v11, s30;
	v30 =	vnsel vm4, $0xF149F2CA, v62;
	v16 =	vmax.f32 v16, v29  }
0x149: {  	v31 =	vnsel vm8, $0xF149F2CA, v25;
	v16 =	vmax.f32 v16, v30  }
0x14a: {  	v16 =	vmax.f32 v16, v31  }
0x14b: {  	(xrf0) =	vmax.scan.msk.f32 $0xffff, v16;
	_ =	sdelay $0x2  }
0x14c: {  	v33 =	vimm.s32 $0x0;
	_ =	sdelay $0x2  }
0x14d: {  	v18 =	vsel vm1, $0xFFFFFFFF, v33;
	v33, _, _ =	vpop (xrf0)  }
0x14e: {  	v19 =	vbroadcast v33, $0xF;
	_ =	sdelay $0x1  }
0x14f: {  	s24 =	sand.u32 $0xF, s30;
	v4 =	vsub.f32 v4, v19  }
0x150: {  	v57 =	vimm.s32 $0x0;
	v11 =	vmov s24;
	v6 =	vsub.f32 v6, v19  }
0x151: {  	vm2 =	vmmov vm8;
	v5 =	vsub.f32 v5, v19;
	v4 =	vmul.f32 $1.442695020e+00, v4  }
0x152: {  	vm8 =	veq.s32 v11, v1;
	v8 =	vsel vm0, $0xFFFFFFFF, v57;
	v6 =	vmul.f32 $1.442695020e+00, v6  }
0x153: {  	v7 =	vsub.f32 v7, v19;
	(erf) = vpow2.f32 v4;
	v4 =	vmul.f32 $1.442695020e+00, v5  }
0x154: {  	v34 =	vsub.f32 v42, v19;
	v12 =	vsub.f32 v12, v19;
	(erf) = vpow2.f32 v6  }
0x155: {  	v38 =	vsub.f32 v40, v19;
	v7 =	vmul.f32 $1.442695020e+00, v7;
	(erf) = vpow2.f32 v4  }
0x156: {  	v14 =	vsub.f32 v46, v19;
	v11 =	vmul.f32 $1.442695020e+00, v34;
	v5 =	vmul.f32 $1.442695020e+00, v12  }
0x157: {  	v15 =	vmul.f32 $1.442695020e+00, v38;
	v4 =	vsub.f32 v20, v19;
	(erf) = vpow2.f32 v7  }
0x158: {  	[tilespmem:$0x1FF90] =	vst v10;
	v10 =	vsub.f32 v52, v19;
	v39 =	vmul.f32 $1.442695020e+00, v14;
	(erf) = vpow2.f32 v5  }
0x159: {  	v35 =	vsub.f32 v35, v19;
	v4 =	vmul.f32 $1.442695020e+00, v4;
	(erf) = vpow2.f32 v15  }
0x15a: {  	[tilespmem:$0x1FF80] =	vst v13;
	v13 =	vsub.f32 v49, v19;
	v10 =	vmul.f32 $1.442695020e+00, v10;
	(erf) = vpow2.f32 v11  }
0x15b: {  	v36 =	vsub.f32 v37, v19;
	v6 =	vmul.f32 $1.442695020e+00, v35;
	(erf) = vpow2.f32 v4  }
0x15c: {  	v7 =	vmul.f32 $1.442695020e+00, v13;
	v5 =	vsub.f32 v55, v19;
	v41 =	vpop (erf);
	(erf) = vpow2.f32 v39  }
0x15d: {  	v43 =	vmul.f32 $1.442695020e+00, v36;
	v42 =	vadd.f32 $0.0e+00, v41;
	(erf) = vpow2.f32 v6;
	v45 =	vpop (erf)  }
0x15e: {  	[tilespmem:$0x1FFB0] =	vst v8;
	v8 =	vsub.f32 v58, v19;
	v4 =	vmul.f32 $1.442695020e+00, v5;
	(erf) = vpow2.f32 v7;
	v47 =	vpop (erf)  }
0x15f: {  	v7 =	vnsel vm7, $0x0, v42;
	(erf) = vpow2.f32 v43;
	v48 =	vnsel vm10, $0x0, v47  }
0x160: {  	v6 =	vmul.f32 $1.442695020e+00, v8;
	v49 =	vpop (erf);
	(erf) = vpow2.f32 v10;
	v7 =	vadd.f32 v7, v48  }
0x161: {  	v40 =	vsub.f32 v60, v19;
	v14 =	vnsel vm9, $0x0, v45;
	v50 =	vpop (erf);
	(erf) = vpow2.f32 v4  }
0x162: {  	v5 =	vsub.f32 v62, v19;
	v51 =	vpop (erf);
	(erf) = vpow2.f32 v6;
	v6 =	vadd.f32 v7, v14  }
0x163: {  	v46 =	vmul.f32 $1.442695020e+00, v40;
	v7 =	vnsel vm11, $0x0, v49;
	v52 =	vpop (erf)  }
0x164: {  	v5 =	vmul.f32 $1.442695020e+00, v5;
	v53 =	vpop (erf);
	v6 =	vadd.f32 v6, v7  }
0x165: {  	(erf) = vpow2.f32 v46;
	v7 =	vnsel vm13, $0x0, v50;
	v55 =	vpop (erf)  }
0x166: {  	v57 =	vpop (erf);
	(erf) = vpow2.f32 v5;
	v5 =	vadd.f32 v6, v7;
	v6 =	vld [tilespmem:$0x1FF50]  }
0x167: {  	[tilespmem:$0x1FF60] =	vst v18  }
0x168: {  	v3 =	vsub.f32 v3, v19;
	v7 =	vld [tilespmem:$0x1FF60]  }
0x169: {  	v37 =	vsub.f32 v44, v19;
	v44 =	vsub.f32 v25, v19  }
0x16a: {  	v54 =	vmul.f32 $1.442695020e+00, v3  }
0x16b: {  	v4 =	vmul.f32 $1.442695020e+00, v44;
	vm13 =	vnez.u8 v6  }
0x16c: {  	(erf) = vpow2.f32 v54;
	v3 =	vpop (erf);
	v12 =	vnsel vm13, $0x0, v57  }
0x16d: {  	vm13 =	vnez.u8 v7;
	v7 =	vpop (erf);
	(erf) = vpow2.f32 v4;
	v4 =	vadd.f32 v5, v12  }
0x16e: {  	v5 =	vnsel vm15, $0x0, v7  }
0x16f: {  	v4 =	vadd.f32 v4, v5  }
0x170: {  	v5 =	vnsel vm14, $0x0, v53  }
0x171: {  	v4 =	vadd.f32 v4, v5  }
0x172: {  	v5 =	vnsel vm12, $0x0, v51  }
0x173: {  	v4 =	vadd.f32 v4, v5;
	v5 =	vld [tilespmem:$0x1FF80];
	_ =	sdelay $0x2  }
0x174: {  	v7 =	vld [tilespmem:$0x1FF70];
	_ =	sdelay $0x1  }
0x175: {  	vm12 =	vnez.u8 v5  }
0x176: {  	v5 =	vnsel vm12, $0x0, v52  }
0x177: {  	v6 =	vpop (erf);
	v4 =	vadd.f32 v4, v5;
	v5 =	vld [tilespmem:$0x1FF90]  }
0x178: {  	v56 =	vmul.f32 $1.442695020e+00, v37;
	vm15 =	vnez.u8 v7;
	v7 =	vpop (erf)  }
0x179: {  	v58 =	vpop (erf)  }
0x17a: {  	(erf) = vpow2.f32 v56;
	v59 =	vpop (erf)  }
0x17b: {  	v60 =	vpop (erf)  }
0x17c: {  	v3 =	vnsel vm13, $0x0, v3;
	v61 =	vpop (erf);
	vm13 =	vnez.u8 v5  }
0x17d: {  	[tilespmem:$0x1FFA0] =	vst v9;
	v5 =	vnsel vm13, $0x0, v61  }
0x17e: {  	v4 =	vadd.f32 v4, v5;
	v5 =	vld [tilespmem:$0x1FFA0];
	_ =	sdelay $0x3  }
0x17f: {  	v62 =	vpop (erf)  }
0x180: {  	v63 =	vpop (erf);
	vm14 =	vnez.u8 v5  }
0x181: {  	v5 =	vnsel vm14, $0x0, v63  }
0x182: {  	v4 =	vadd.f32 v4, v5;
	v5 =	vld [tilespmem:$0x1FFB0];
	_ =	sdelay $0x4  }
0x183: {  	v6 =	vnsel vm15, $0x0, v6;
	vm15 =	vnez.u8 v5  }
0x184: {  	v5 =	vnsel vm15, $0x0, v55  }
0x185: {  	v4 =	vadd.f32 v4, v5;
	_ =	sdelay $0x1  }
0x186: {  	v3 =	vadd.f32 v4, v3;
	_ =	sdelay $0x1  }
0x187: {  	v3 =	vadd.f32 v3, v6  }
0x188: {  	v7 =	vnsel vm6, $0x0, v7  }
0x189: {  	v3 =	vadd.f32 v3, v7  }
0x18a: {  	v11 =	vnsel vm3, $0x0, v58  }
0x18b: {  	v3 =	vadd.f32 v3, v11  }
0x18c: {  	v8 =	vnsel vm5, $0x0, v59  }
0x18d: {  	v3 =	vadd.f32 v3, v8  }
0x18e: {  	s23 =	sshra.s32 s30, $0x1F;
	v10 =	vnsel vm4, $0x0, v60  }
0x18f: {  	s23 =	sshrl.u32 s23, $0x1C;
	v3 =	vadd.f32 v3, v10  }
0x190: {  	s23 =	sadd.s32 s23, s30;
	v12 =	vnsel vm2, $0x0, v62  }
0x191: {  	s31 =	sshrl.u32 s23, $0x4;
	s23 =	sand.u32 $0xFFFFFFF0, s23;
	v3 =	vadd.f32 v3, v12  }
0x192: {  	p1 =	slt.s32 s30, $0x1;
	p2 =	sne.s32 s30, s23  }
0x193: {  	p1 =	por !p1, !p2;
	(xrf2) =	vadd.scan.msk.f32 $0xffff, v3  }
0x194: {  	s23 =	simm.s32 $0x1;
	p1 =	por !p1, !p1  }
0x195: {  	s23 =	simm.s32 @!p1 $0x0  }
0x196: {  	s23 =	ssub.s32 s31, s23  }
0x197: {  	s22 =	sshll.u32 s23, $0x4  }
0x198: {  	s21 =	sadd.s32 $0x1, s21;
	v32 =	vld [tilespmem:s22+$0xB80]  }
0x199: {  	p0 =	sne.s32 s20, s21  }
.Ltmp6:
0x19a: {  	_ = 	snop;
	(pc) =	sbr.rel @p0 .LBB2_7-.Ltmp6, $3  }
0x19b: {  	_ =	sdelay $0x1  }
0x19c: {  	v16 =	vsel vm8, v19, v32;
	v4, _, _ =	vpop (xrf2)  }
0x19d: {  	[tilespmem:s22+$0xB80] =	vst v16;
	v3 =	vld [tilespmem:s22+$0xC00];
	v4 =	vbroadcast v4, $0xF  }
.Ltmp7:
0x19e: {  	_ = 	snop;
	(pc) =	sbr.rel .LBB2_8-.Ltmp7, $1  }
0x19f: {  	_ =	sdelay $0x3  }
.LBB2_10:
0x1a0: {  	_ =	sfence.sel $0x180000  }
0x1a1: {  	[bflag:$0x0] =	sbarrier.arrive $0xFFFF  }
0x1a2: {  	p0 =	sne.s32 s0, $0x0;
	_ =	strace $0x90000047  }
0x1a3: {  	s0 =	sadd.s32 @!p0 $0x100000, s2;
	[bflag:$0x2] =	sbarrier.arrive $0xFFFF  }
0x1a4: {  	[sflag:s0] =	ssyncadd.tile.s32 @!p0 $0x1;
	_ =	shalt  }
.Lfunc_end2:
_tile_overlayer_lowered:
.L_overlay_start_2:
0x1a5: {  	(tag) =	ssettag $0x2  }
0x1a6: {  	s0 =	rddreg [dreg:$0x0];
	s2 =	stileid.u32  }
0x1a7: {  	s1 =	rddreg [dreg:$0x1];
	p0 =	sne.s32 s2, $0x0  }
0x1a8: {  	s3 =	rddreg [dreg:$0x2];
	[bflag:$0x3] =	sbarrier.arrive $0xFFFF;
	s2 =	simm.s32 @!p0 $0x1C01  }
0x1a9: {  	[timem:s3], [sflag:s2] =	dma.local @!p0 [hbm:s0], s1  }
0x1aa: {  	s0 =	simm.s32 @!p0 $0x1  }
0x1ab: {  	_ =	swait.ge @!p0 [sflag:s0], s1  }
0x1ac: {  	s1 =	ssub.s32 @!p0 $0x0, s1;
	[sflag:s0] =	ssyncset.done @!p0 $0x0  }
0x1ad: {  	[sflag:s0] =	ssyncadd.s32 @!p0 s1  }
0x1ae: {  	[bflag:$0x3] =	sbarrier.arrive $0xFFFF  }
0x1af: {  	_ =	shalt  }

// kernel: kernel.7.cloned.1.call-start
scs
__scs_entry_jumppad:
0x0: {  	(pc) =	sbr.rel $0x88, $3  }
0x1: {  	(tag) =	ssettag $0x0;
	lr =	simm.s32 $0x1  }
0x2: {  	[smem:$0x3F9E] =	sst lr;
	_ =	strace $0xD0000000  }
0x3: {  	_ = 	snop  }
0x4: {  	_ = 	snop  }
0x5: {  	_ = 	snop  }
0x6: {  	_ = 	snop  }
0x7: {  	_ = 	snop  }
__scs_overlays_trampoline_lowered:
0x8: {  	[smem:$0x3FAD] =	sst s0  }
0x9: {  	[smem:$0x3FAE] =	sst s1  }
0xa: {  	[smem:$0x3FAF] =	sst s2  }
0xb: {  	[smem:$0x3FB0] =	sst s3  }
0xc: {  	[smem:$0x3FB1] =	sst s4  }
0xd: {  	[smem:$0x3FB2] =	sst s5  }
0xe: {  	[smem:$0x3FB3] =	sst s6  }
0xf: {  	[smem:$0x3FB4] =	sst s7  }
0x10: {  	[smem:$0x3FB5] =	sst s8  }
0x11: {  	[smem:$0x3FB6] =	sst s9;
	s0 =	simm.s32 @!p0 $0x0  }
0x12: {  	s1 =	sld [smem:$0x3F9C];
	s0 =	simm.s32 @p0 $0x1  }
0x13: {  	[smem:$0x3FB7] =	sst s0;
	s0 =	simm.s32 @!p1 $0x0  }
0x14: {  	s2 =	sld [smem:$0x3F9B];
	s0 =	simm.s32 @p1 $0x1  }
0x15: {  	[smem:$0x3FB8] =	sst s0;
	s0 =	simm.s32 @!p2 $0x0  }
0x16: {  	s3 =	sld [smem:$0x3FDB];
	s0 =	simm.s32 @p2 $0x1  }
0x17: {  	s4 =	simm.s32 $0x1BF5;
	[smem:$0x3FBA] =	sst s0  }
0x18: {  	s0 =	sld [smem:$0x3F9D];
	_ =	swait.ge [sflag:s4], $0x0  }
0x19: {  	s7 =	sld [smem:$0x3F9E]  }
0x1a: {  	s8 =	sadd.s32 $0xFFFFE003, lr  }
0x1b: {  	s9 =	sadd.s32 $0xFFFFFEF7, lr;
	s5 =	simm.s32 $0xFFFFFFFF;
	p2 =	slt.u32 s8, $0xFFFFF086  }
0x1c: {  	p1 =	slt.u32 s9, $0xF7A;
	s5 =	simm.s32 @!p2 $0x0  }
0x1d: {  	s5 =	simm.s32 @p1 $0x1;
	p0 =	seq.s32 s7, s2  }
0x1e: {  	s7 =	smul.u32 @!p0 $0xF7A, s2;
	p2 =	seq.s32 @!p0 s5, $0x0  }
0x1f: {  	s9 =	smul.u32 $0xF7A, s1;
	s8 =	simm.s32 @!p0 $0x1BF5;
	p2 =	por !p2, p0  }
0x20: {  	[sflag:s8] =	ssyncset.s32 @!p0 $0xFFFFF086;
	s6 =	sadd.s32 @!p0 s3, s7;
	s7 =	simm.s32 @!p0 $0x108  }
0x21: {  	s3 =	sadd.s32 s3, s9;
	s6 =	sadd.s32 @!p0 $0x88, s6;
	s7 =	simm.s32 @p2 $0x1082  }
0x22: {  	[simem:s7], [sflag:s8] =	dma.local @!p0 [hbm:s6], $0xF7A  }
0x23: {  	s9 =	sor.u32 $0xD0000000, s2;
	s6 =	simm.s32 $0x108;
	_ =	swait.ge @!p0 [sflag:s8], $0x0  }
0x24: {  	s3 =	sadd.s32 $0x88, s3;
	s6 =	simm.s32 @!p1 $0x1082;
	[sflag:s4] =	ssyncset.s32 $0xFFFFF086  }
0x25: {  	[simem:s6], [sflag:s4] =	dma.local [hbm:s3], $0xF7A  }
0x26: {  	[smem:$0x3F9E] =	sst s1;
	(tag) =	ssettag s2;
	_ =	strace s9  }
0x27: {  	s1 =	sld [smem:$0x3FAE]  }
0x28: {  	s2 =	sld [smem:$0x3FAF]  }
0x29: {  	s4 =	sld [smem:$0x3FB1]  }
0x2a: {  	p0 =	seq.s32 s5, $0x0;
	s5 =	sld [smem:$0x3FB2]  }
0x2b: {  	s6 =	sld [smem:$0x3FB3]  }
0x2c: {  	s7 =	sld [smem:$0x3FB4]  }
0x2d: {  	s3 =	simm.s32 $0x108;
	s8 =	sld [smem:$0x3FB5]  }
0x2e: {  	s3 =	simm.s32 @!p0 $0x1082;
	s9 =	sld [smem:$0x3FB6]  }
0x2f: {  	lr =	sadd.s32 s0, s3;
	s0 =	sld [smem:$0x3FAD]  }
0x30: {  	s3 =	sld [smem:$0x3FB0]  }
0x31: {  	[smem:$0x3FB9] =	sst s10  }
0x32: {  	s10 =	sld [smem:$0x3FB7];
	_ =	sdelay $0x3  }
0x33: {  	p0 =	seq.s32 s10, $0x1;
	s10 =	sld [smem:$0x3FB9];
	_ =	sdelay $0x3  }
0x34: {  	[smem:$0x3FB9] =	sst s10  }
0x35: {  	s10 =	sld [smem:$0x3FB8];
	_ =	sdelay $0x3  }
0x36: {  	p1 =	seq.s32 s10, $0x1;
	s10 =	sld [smem:$0x3FB9];
	_ =	sdelay $0x3  }
0x37: {  	[smem:$0x3FB9] =	sst s10  }
0x38: {  	s10 =	sld [smem:$0x3FBA]  }
0x39: {  	_ = 	snop;
	(pc) =	sbr.ind lr, $3  }
0x3a: {  	_ = 	snop  }
0x3b: {  	_ = 	snop  }
0x3c: {  	p2 =	seq.s32 s10, $0x1;
	s10 =	sld [smem:$0x3FB9]  }
0x3d: {  	_ =	shalt  }
0x3e: {  	_ =	shalt  }
0x3f: {  	_ =	shalt  }
0x40: {  	_ =	shalt  }
0x41: {  	_ =	shalt  }
0x42: {  	_ =	shalt  }
0x43: {  	_ =	shalt  }
0x44: {  	_ =	shalt  }
0x45: {  	_ =	shalt  }
0x46: {  	_ =	shalt  }
0x47: {  	_ =	shalt  }
0x48: {  	_ =	shalt  }
0x49: {  	_ =	shalt  }
0x4a: {  	_ =	shalt  }
0x4b: {  	_ =	shalt  }
0x4c: {  	_ =	shalt  }
0x4d: {  	_ =	shalt  }
0x4e: {  	_ =	shalt  }
0x4f: {  	_ =	shalt  }
0x50: {  	_ =	shalt  }
0x51: {  	_ =	shalt  }
0x52: {  	_ =	shalt  }
0x53: {  	_ =	shalt  }
0x54: {  	_ =	shalt  }
0x55: {  	_ =	shalt  }
0x56: {  	_ =	shalt  }
0x57: {  	_ =	shalt  }
0x58: {  	_ =	shalt  }
0x59: {  	_ =	shalt  }
0x5a: {  	_ =	shalt  }
0x5b: {  	_ =	shalt  }
0x5c: {  	_ =	shalt  }
0x5d: {  	_ =	shalt  }
0x5e: {  	_ =	shalt  }
0x5f: {  	_ =	shalt  }
0x60: {  	_ =	shalt  }
0x61: {  	_ =	shalt  }
0x62: {  	_ =	shalt  }
0x63: {  	_ =	shalt  }
0x64: {  	_ =	shalt  }
0x65: {  	_ =	shalt  }
0x66: {  	_ =	shalt  }
0x67: {  	_ =	shalt  }
0x68: {  	_ =	shalt  }
0x69: {  	_ =	shalt  }
0x6a: {  	_ =	shalt  }
0x6b: {  	_ =	shalt  }
0x6c: {  	_ =	shalt  }
0x6d: {  	_ =	shalt  }
0x6e: {  	_ =	shalt  }
0x6f: {  	_ =	shalt  }
0x70: {  	_ =	shalt  }
0x71: {  	_ =	shalt  }
0x72: {  	_ =	shalt  }
0x73: {  	_ =	shalt  }
0x74: {  	_ =	shalt  }
0x75: {  	_ =	shalt  }
0x76: {  	_ =	shalt  }
0x77: {  	_ =	shalt  }
0x78: {  	_ =	shalt  }
0x79: {  	_ =	shalt  }
0x7a: {  	_ =	shalt  }
0x7b: {  	_ =	shalt  }
0x7c: {  	_ =	shalt  }
0x7d: {  	_ =	shalt  }
0x7e: {  	_ =	shalt  }
0x7f: {  	_ =	shalt  }
0x80: {  	_ =	shalt  }
0x81: {  	_ =	shalt  }
0x82: {  	_ =	shalt  }
0x83: {  	_ =	shalt  }
0x84: {  	_ =	shalt  }
0x85: {  	_ =	shalt  }
0x86: {  	_ =	shalt  }
0x87: {  	_ =	shalt  }
.Lfunc_end0:
.L_simem_size_0:
called_computation.1_lowered:
.L_overlay_start_0:
0x88: {  	s2 =	sld [smem:$0x3FD9]  }
0x89: {  	s3 =	sld [smem:$0x3FFE];
	_ =	sdelay $0x1  }
0x8a: {  	s1 =	srdreg.scid  }
0x8b: {  	s0 =	sand.u32 $0x1, s1  }
0x8c: {  	s17 =	sshll.u32 s0, $0xA;
	s2 =	sadd.s32 s3, s2  }
0x8d: {  	s2 =	sadd.s32 s2, s17  }
0x8e: {  	[smem:$0x3FC5] =	sst s2  }
0x8f: {  	_ = 	snop  }
0x90: {  	s2 =	sld [smem:$0x3FC9]  }
0x91: {  	s18 =	sld [smem:$0x3FD0];
	(tm) =	ssettm $0x1  }
0x92: {  	s4 =	sld [smem:$0x3FFB];
	_ =	sdelay $0x3  }
0x93: {  	_ =	strace s4  }
0x94: {  	s4 =	sld [smem:$0x3FFC];
	_ =	sdelay $0x3  }
0x95: {  	_ =	strace s4  }
0x96: {  	s4 =	sld [smem:$0x3FFD];
	_ =	sdelay $0x3  }
0x97: {  	_ =	strace s4  }
0x98: {  	_ =	strace $0x8FFFFFFF  }
0x99: {  	s19 =	sld [smem:$0x3FDB];
	_ =	sdelay $0x1  }
0x9a: {  	s5 =	simm.s32 $_scs_section_size  }
0x9b: {  	s6 =	simm.s32 $_size__tile_overlayer_lowered;
	s7 =	simm.s32 $_tile_overlayer_lowered  }
0x9c: {  	s22 =	simm.s32 $0x1BFF;
	s21 =	sshll.u32 s7, $0x1;
	s4 =	sadd.s32 s5, s19  }
0x9d: {  	s8 =	simm.s32 $0x0;
	s20 =	sshll.u32 s6, $0x1;
	s6 =	sadd.s32 s21, s4  }
0x9e: {  	[timem:s8], [sflag:s22] =	dma.local [hbm:s6], s20  }
0x9f: {  	_ =	swait.ge [sflag:s22], s20  }
0xa0: {  	s5 =	ssub.s32 $0x0, s20;
	[sflag:s22] =	ssyncset.done $0x0  }
0xa1: {  	[sflag:s22] =	ssyncadd.s32 s5;
	_ =	sdelay $0x1  }
0xa2: {  	s23 =	simm.s32 $0x1B8B  }
0xa3: {  	_ =	swait.ge [sflag:s23], $0x1  }
0xa4: {  	[sflag:s23] =	ssyncset.done $0x0  }
0xa5: {  	s25 =	simm.s32 $0x1B8E;
	s24 =	sld [smem:$0x3FFE];
	[sflag:s23] =	ssyncadd.s32 $0xFFFFFFFF  }
0xa6: {  	s26 =	simm.s32 $execute0_lowered;
	[smem:$0x3FD2] =	sst s25  }
0xa7: {  	s6 =	sshll.u32 s26, $0x1;
	_ =	strace $0x80000049;
	[dreg:$0x1] =	wrdreg $0xFFFFFFFF  }
0xa8: {  	s28 =	simm.s32 $_size_execute0_lowered;
	s4 =	sadd.s32 s4, s6;
	[dreg:$0x0] =	wrdreg $0x0  }
0xa9: {  	s6 =	sshll.u32 s28, $0x1;
	[dreg:$0x2] =	wrdreg s4  }
0xaa: {  	[dreg:$0x3] =	wrdreg s6  }
0xab: {  	[dreg:$0x4] =	wrdreg $0xC0  }
0xac: {  	_ =	task [dreg:s8], $0x5FFFF  }
0xad: {  	[dreg:$0x1] =	wrdreg $0xFFFFFFFF  }
0xae: {  	[dreg:$0x0] =	wrdreg $0x60  }
0xaf: {  	[dreg:$0x2] =	wrdreg s2  }
0xb0: {  	[dreg:$0x3] =	wrdreg s24  }
0xb1: {  	[dreg:$0x4] =	wrdreg s18  }
0xb2: {  	[dreg:$0x5] =	wrdreg $0x9  }
0xb3: {  	_ =	task.clear_ibuf [dreg:s8], $0x6FFFF;
	_ =	strace $0x90000049  }
0xb4: {  	s29 =	simm.s32 $0x9;
	_ =	strace $0x8000004B  }
0xb5: {  	_ =	swait.ge [sflag:s29], $0x1  }
0xb6: {  	[sflag:s29] =	ssyncadd.s32 $0xFFFFFFFF  }
0xb7: {  	_ =	strace $0x9000004B  }
0xb8: {  	_ =	sfence  }
0xb9: {  	s30 =	sld [smem:$0x0];
	_ =	sdelay $0x2  }
0xba: {  	s31 =	sshll.u32 s1, $0xD;
	s1 =	sshrl.u32 s1, $0x2  }
0xbb: {  	s3 =	sand.u32 $0x4000, s31;
	s1 =	sadd.s32 s1, s30  }
0xbc: {  	s0 =	sor.u32 s3, s0;
	s1 =	sshll.u32 s1, $0x11  }
0xbd: {  	s0 =	sor.u32 s1, s0  }
0xbe: {  	s0 =	sadd.s32 $0x8F2B, s0  }
0xbf: {  	[sflag:s0] =	ssyncadd.remote.s32 $0x1  }
0xc0: {  	_ =	sfence.sel $0xFFFF  }
0xc1: {  	[dreg:$0x0] =	wrdreg $0xFFFFFFFF;
	(pc) =	sbr.abs _section_cstart, $3  }
0xc2: {  	[dreg:$0x1] =	wrdreg $0xFFFFFFFF  }
0xc3: {  	_ =	task.clear_ibuf [dreg:s8], $0x2FFFF;
	_ =	strace $0x9FFFFFFF  }
0xc4: {  	(tm) =	ssettm $0x7FFFFFFF  }
0xc5: {  	_ =	shalt  }
tec
execute0_lowered:
.L_overlay_start_1:
0x0: {  	(tag) =	ssettag $0x1  }
0x1: {  	s1 =	rddreg [dreg:$0x0]  }
0x2: {  	s8 =	rddreg [dreg:$0x1]  }
0x3: {  	s0 =	srdreg.scid;
	s3 =	rddreg [dreg:$0x2];
	s5 =	simm.s32 $0x0  }
0x4: {  	s13 =	simm.s32 $0x1;
	s14 =	simm.s32 $0x1C80;
	s15 =	simm.s32 $0x800  }
0x5: {  	s16 =	simm.s32 $0x980;
	s17 =	simm.s32 $0x2C80;
	s18 =	simm.s32 $0x2D00  }
0x6: {  	s19 =	simm.s32 $0xB00;
	s7 =	sand.u32 $0x1, s0;
	s0 =	stileid.u32  }
0x7: {  	s20 =	simm.s32 $0x0;
	s2 =	sshll.u32 s7, $0x4;
	s9 =	smul.u32 $0xFFFFFEC0, s0  }
0x8: {  	[smem:$0x7FF] =	sst s5;
	s10 =	smul.u32 $0xFFFFEC00, s7;
	s2 =	sor.u32 s0, s2  }
0x9: {  	s12 =	ssub.s32 $0x2, s7;
	s7 =	sadd.s32 $0x1A00, s8;
	s4 =	smul.u32 $0x140, s2  }
0xa: {  	s30 =	sshrl.u32 s12, $0x1;
	s2 =	rddreg [dreg:$0x3];
	s9 =	sadd.s32 s10, s9  }
0xb: {  	_ =	strace $0x8000004A;
	s9 =	sadd.s32 $0x2710, s9;
	s6 =	sshrl.u32 s4, $0x3  }
0xc: {  	s12 =	ssub.s32 s12, s30;
	s31 =	smin.u32 s9, $0x140;
	s11 =	sadd.s32 s6, s8  }
0xd: {  	s6 =	sadd.s32 $0x1800, s8;
	s10 =	sshrl.u32 s31, $0x4;
	s8 =	sadd.s32 $0xC00, s11  }
0xe: {  	s9 =	sadd.s32 $0x1200, s11;
	s11 =	smax.u32 s12, $0x1;
	s12 =	simm.s32 $0xC80  }
.LBB2_1:
0xf: {  	[tilespmem:s12], [sflag:$0x1] =	stream.linear.gather [hbm4b:s6+s5], $0x1000, $0x38;
	[tilespmem:$0x2D80] =	vst v63  }
0x10: {  	_ =	swait.ge [sflag:s13], $0x1000  }
0x11: {  	[sflag:s13] =	ssyncset.done $0x0  }
0x12: {  	[sflag:s13] =	ssyncadd.s32 $0xFFFFF000  }
0x13: {  	[tilespmem:s14], [sflag:$0x1] =	stream.linear.gather [hbm4b:s7+s5], $0x1000, $0x38;
	[tilespmem:$0x2D80] =	vst v63  }
0x14: {  	_ =	swait.ge [sflag:s13], $0x1000  }
0x15: {  	[sflag:s13] =	ssyncset.done $0x0  }
0x16: {  	[sflag:s13] =	ssyncadd.s32 $0xFFFFF000  }
0x17: {  	[tilespmem:s15], [sflag:$0x1] =	stream.linear.gather [hbm4b:s8+s5], $0x140, $0x38;
	[tilespmem:$0x2D80] =	vst v63  }
0x18: {  	_ =	swait.ge [sflag:s13], $0x140  }
0x19: {  	[sflag:s13] =	ssyncset.done $0x0  }
0x1a: {  	[sflag:s13] =	ssyncadd.s32 $0xFFFFFEC0  }
0x1b: {  	[tilespmem:s16], [sflag:$0x1] =	stream.linear.gather [hbm4b:s9+s5], $0x140, $0x38;
	[tilespmem:$0x2D80] =	vst v63  }
0x1c: {  	_ =	swait.ge [sflag:s13], $0x140  }
0x1d: {  	[sflag:s13] =	ssyncset.done $0x0  }
0x1e: {  	s22 =	simm.s32 $0x0;
	[sflag:s13] =	ssyncadd.s32 $0xFFFFFEC0  }
0x1f: {  	v3 =	vld [tilespmem:s22+$0xCB0]  }
0x20: {  	v5 =	vld [tilespmem:s22+$0xC80]  }
0x21: {  	v0 =	vimm.f32 $-1.000000020e+30;
	v2 =	vld [tilespmem:s22+$0xC90]  }
0x22: {  	s21 =	simm.s32 $0x200;
	v7 =	vimm.f32 $-1.000000020e+30;
	v6 =	vimm.f32 $-1.000000020e+30;
	v4 =	vimm.f32 $-1.000000020e+30;
	v1 =	vld [tilespmem:s22+$0xCA0]  }
.LBB2_2:
0x23: {  	p0 =	sne.s32 s21, $0x3E00  }
.Ltmp0:
0x24: {  	s22 =	sshra.s32 s21, $0x2;
	s21 =	sadd.s32 $0x200, s21;
	v0 =	vmax.f32 v0, v3;
	(pc) =	sbr.rel @p0 .LBB2_2-.Ltmp0, $4  }
0x25: {  	v3 =	vld [tilespmem:s22+$0xCB0];
	v7 =	vmax.f32 v7, v5  }
0x26: {  	v5 =	vld [tilespmem:s22+$0xC80];
	v6 =	vmax.f32 v6, v2  }
0x27: {  	v2 =	vld [tilespmem:s22+$0xC90];
	v4 =	vmax.f32 v4, v1  }
0x28: {  	v1 =	vld [tilespmem:s22+$0xCA0]  }
0x29: {  	s21 =	simm.s32 $0x0  }
0x2a: {  	v8 =	vld [tilespmem:s21+$0xCB0];
	_ =	sdelay $0x1  }
0x2b: {  	v9 =	vld [tilespmem:s21+$0xC80]  }
0x2c: {  	v10 =	vld [tilespmem:s21+$0xC90]  }
0x2d: {  	v11 =	vld [tilespmem:s21+$0xCA0];
	v0 =	vmax.f32 v0, v3  }
0x2e: {  	v3 =	vmax.f32 v7, v5;
	v5 =	vsub.f32 v8, v0  }
0x2f: {  	s22 =	simm.s32 $0x80  }
0x30: {  	v8 =	vld [tilespmem:s22+$0xCB0];
	v5 =	vmul.f32 $1.442695020e+00, v5  }
0x31: {  	v12 =	vld [tilespmem:s21+$0x1C90];
	v2 =	vmax.f32 v6, v2;
	v1 =	vmax.f32 v4, v1;
	v6 =	vsub.f32 v9, v3  }
0x32: {  	v4 =	vsub.f32 v10, v2;
	v9 =	vsub.f32 v11, v1;
	v11 =	vld [tilespmem:s22+$0xC80];
	(erf) = vpow2.f32 v5  }
0x33: {  	v13 =	vld [tilespmem:s22+$0xC90];
	v6 =	vmul.f32 $1.442695020e+00, v6  }
0x34: {  	v14 =	vld [tilespmem:s21+$0x1CB0];
	v4 =	vmul.f32 $1.442695020e+00, v4  }
0x35: {  	v7 =	vld [tilespmem:s21+$0x1C80];
	v5 =	vmul.f32 $1.442695020e+00, v9;
	(erf) = vpow2.f32 v6;
	v8 =	vsub.f32 v8, v0  }
0x36: {  	v9 =	vld [tilespmem:s22+$0xCA0];
	(erf) = vpow2.f32 v4  }
0x37: {  	v10 =	vld [tilespmem:s21+$0x1CA0];
	s21 =	simm.s32 $0x100;
	v11 =	vsub.f32 v11, v3;
	(erf) = vpow2.f32 v5;
	v8 =	vmul.f32 $1.442695020e+00, v8  }
0x38: {  	v13 =	vsub.f32 v13, v2;
	v16 =	vld [tilespmem:s21+$0xCB0]  }
0x39: {  	v17 =	vld [tilespmem:s21+$0xC80];
	v11 =	vmul.f32 $1.442695020e+00, v11  }
0x3a: {  	v18 =	vld [tilespmem:s21+$0xC90];
	v13 =	vmul.f32 $1.442695020e+00, v13;
	(erf) = vpow2.f32 v8  }
0x3b: {  	v15 =	vld [tilespmem:s21+$0xCA0];
	v9 =	vsub.f32 v9, v1;
	(erf) = vpow2.f32 v11;
	v8 =	vpop (erf)  }
0x3c: {  	v6 =	vld [tilespmem:s22+$0x1CA0];
	(erf) = vpow2.f32 v13;
	v13 =	vmul.f32 v8, v14  }
0x3d: {  	v4 =	vld [tilespmem:s22+$0x1C80];
	v19 =	vmul.f32 $1.442695020e+00, v9  }
0x3e: {  	v5 =	vld [tilespmem:s22+$0x1C90];
	v11 =	vpop (erf)  }
0x3f: {  	v9 =	vld [tilespmem:s21+$0x1C80];
	v8 =	vimm.f32 $0.0e+00;
	(erf) = vpow2.f32 v19;
	v19 =	vmul.f32 v11, v7;
	v7 =	vpop (erf)  }
0x40: {  	v20 =	vsub.f32 v16, v0;
	v11 =	vld [tilespmem:s21+$0x1C90];
	v21 =	vmul.f32 v7, v12;
	v7 =	vadd.f32 v13, v8;
	v13 =	vpop (erf)  }
0x41: {  	v17 =	vsub.f32 v17, v3;
	v18 =	vsub.f32 v18, v2;
	v14 =	vld [tilespmem:s22+$0x1CB0];
	v16 =	vmul.f32 v13, v10  }
0x42: {  	s23 =	simm.s32 $0x800;
	s22 =	simm.s32 $0x180;
	v12 =	vadd.f32 v19, v8;
	v19 =	vmul.f32 $1.442695020e+00, v20;
	v10 =	vld [tilespmem:s21+$0x1CA0];
	v13 =	vadd.f32 v21, v8  }
.LBB2_4:
0x43: {  	p0 =	sne.s32 s23, $0x3E00;
	v20 =	vld [tilespmem:s22+$0xCB0];
	v23 =	vmul.f32 $1.442695020e+00, v17;
	v15 =	vsub.f32 v15, v1;
	v8 =	vadd.f32 v16, v8  }
0x44: {  	v16 =	vld [tilespmem:s22+$0xC80];
	v18 =	vmul.f32 $1.442695020e+00, v18;
	(erf) = vpow2.f32 v19  }
0x45: {  	v19 =	vld [tilespmem:s22+$0xC90];
	v21 =	vmul.f32 $1.442695020e+00, v15;
	(erf) = vpow2.f32 v23;
	v17 =	vpop (erf);
	v22 =	vmov v11  }
.Ltmp1:
0x46: {  	v15 =	vld [tilespmem:s22+$0xCA0];
	(erf) = vpow2.f32 v18;
	v14 =	vmul.f32 v17, v14;
	v11 =	vpop (erf);
	(pc) =	sbr.rel @p0 .LBB2_4-.Ltmp1, $4  }
0x47: {  	(erf) = vpow2.f32 v21;
	v18 =	vmul.f32 v11, v4;
	v17 =	vpop (erf);
	v4 =	vmov v9;
	v9 =	vld [tilespmem:s22+$0x1C80]  }
0x48: {  	v11 =	vld [tilespmem:s22+$0x1C90];
	v20 =	vsub.f32 v20, v0;
	v21 =	vmul.f32 v17, v5;
	v7 =	vadd.f32 v14, v7;
	v5 =	vpop (erf)  }
0x49: {  	v17 =	vsub.f32 v16, v3;
	v14 =	vld [tilespmem:s21+$0x1CB0];
	v12 =	vadd.f32 v18, v12;
	v16 =	vmul.f32 v5, v6;
	v5 =	vmovc v22;
	s21 =	smov.u32 s22  }
0x4a: {  	s22 =	sshra.s32 s23, $0x2;
	s23 =	sadd.s32 $0x200, s23;
	v6 =	vmovc v10;
	v18 =	vsub.f32 v19, v2;
	v19 =	vmul.f32 $1.442695020e+00, v20;
	v13 =	vadd.f32 v21, v13;
	v10 =	vld [tilespmem:s21+$0x1CA0]  }
0x4b: {  	v20 =	vld [tilespmem:s22+$0xCB0]  }
0x4c: {  	v21 =	vld [tilespmem:s22+$0xC80]  }
0x4d: {  	v22 =	vld [tilespmem:s22+$0xC90]  }
0x4e: {  	v34 =	vld [tilespmem:s22+$0xCA0]  }
0x4f: {  	v17 =	vmul.f32 $1.442695020e+00, v17;
	v15 =	vsub.f32 v15, v1  }
0x50: {  	v18 =	vmul.f32 $1.442695020e+00, v18;
	(erf) = vpow2.f32 v19;
	v20 =	vsub.f32 v20, v0  }
0x51: {  	v15 =	vmul.f32 $1.442695020e+00, v15;
	(erf) = vpow2.f32 v17;
	v35 =	vsub.f32 v21, v3  }
0x52: {  	(erf) = vpow2.f32 v18;
	v37 =	vsub.f32 v22, v2;
	v36 =	vmul.f32 $1.442695020e+00, v20  }
0x53: {  	(erf) = vpow2.f32 v15;
	v19 =	vsub.f32 v34, v1;
	v17 =	vmul.f32 $1.442695020e+00, v35  }
0x54: {  	v15 =	vmul.f32 $1.442695020e+00, v37;
	(erf) = vpow2.f32 v36  }
0x55: {  	v38 =	vpop (erf);
	v19 =	vmul.f32 $1.442695020e+00, v19;
	(erf) = vpow2.f32 v17  }
0x56: {  	v39 =	vpop (erf);
	(erf) = vpow2.f32 v15  }
0x57: {  	v47 =	vld [tilespmem:s21+$0x1CB0];
	v40 =	vpop (erf);
	(erf) = vpow2.f32 v19  }
0x58: {  	v41 =	vpop (erf)  }
0x59: {  	v53 =	vld [tilespmem:s22+$0x1CB0];
	v42 =	vpop (erf)  }
0x5a: {  	v44 =	vld [tilespmem:s22+$0x1C80];
	v52 =	vmul.f32 v38, v14;
	v4 =	vmul.f32 v39, v4;
	v43 =	vpop (erf)  }
0x5b: {  	v23 =	vld [tilespmem:s22+$0x1C90];
	v8 =	vadd.f32 v16, v8;
	v5 =	vmul.f32 v40, v5;
	v6 =	vmul.f32 v41, v6;
	v45 =	vpop (erf)  }
0x5c: {  	v49 =	vld [tilespmem:s22+$0x1CA0];
	v7 =	vadd.f32 v52, v7;
	v4 =	vadd.f32 v4, v12;
	v56 =	vmul.f32 v42, v47;
	v46 =	vpop (erf)  }
0x5d: {  	v5 =	vadd.f32 v5, v13;
	v6 =	vadd.f32 v6, v8;
	v9 =	vmul.f32 v43, v9;
	v48 =	vpop (erf)  }
0x5e: {  	[tilespmem:$0x2C80] =	vst v3;
	v58 =	vld [tilespmem:$0x800];
	v11 =	vmul.f32 v45, v11;
	v60 =	vadd.f32 v56, v7;
	v50 =	vpop (erf);
	v61 =	vmul.f32 v48, v53  }
0x5f: {  	[tilespmem:$0x2C90] =	vst v2;
	v4 =	vadd.f32 v9, v4;
	v10 =	vmul.f32 v46, v10;
	v51 =	vmul.f32 v50, v44;
	v54 =	vpop (erf)  }
0x60: {  	[tilespmem:$0x2CA0] =	vst v1;
	v5 =	vadd.f32 v11, v5;
	v55 =	vmul.f32 v54, v23;
	v57 =	vpop (erf);
	v62 =	vadd.f32 v61, v60  }
0x61: {  	[tilespmem:$0x2CB0] =	vst v0;
	v6 =	vadd.f32 v10, v6;
	v4 =	vadd.f32 v51, v4;
	v59 =	vmul.f32 v57, v49  }
0x62: {  	v5 =	vadd.f32 v55, v5;
	[tilespmem:$0x2D30] =	vst v62  }
0x63: {  	[tilespmem:$0x2D00] =	vst v4;
	v6 =	vadd.f32 v59, v6  }
0x64: {  	[tilespmem:$0x2D10] =	vst v5  }
0x65: {  	v63 =	vld [tilespmem:$0x980];
	[tilespmem:$0x2D20] =	vst v6  }
0x66: {  	v0 =	vld.idx.msk [tilespmem:v58+s17+$0x0], $0xffff;
	_ =	sdelay $0x4  }
0x67: {  	v4 =	vld.idx.msk [tilespmem:v58+s18+$0x0], $0xffff;
	v0 =	vsub.f32 v63, v0;
	_ =	sdelay $0x1  }
0x68: {  	v0 =	vmul.f32 $1.442695020e+00, v0;
	_ =	sdelay $0x1  }
0x69: {  	(erf) = vpow2.f32 v0  }
0x6a: {  	(erf) = vrcp.f32 v4;
	_ =	sdelay $0x4  }
0x6b: {  	v5 =	vld [tilespmem:$0x810];
	_ =	sdelay $0x2  }
0x6c: {  	v6 =	vpop (erf)  }
0x6d: {  	v2 =	vpop (erf)  }
0x6e: {  	v1 =	vmul.f32 v6, v2;
	_ =	sdelay $0x1  }
0x6f: {  	v7 =	vld [tilespmem:$0x990];
	[tilespmem:$0xB00] =	vst v1  }
0x70: {  	v1 =	vld.idx.msk [tilespmem:v5+s17+$0x0], $0xffff;
	_ =	sdelay $0x4  }
0x71: {  	v0 =	vld.idx.msk [tilespmem:v5+s18+$0x0], $0xffff;
	v1 =	vsub.f32 v7, v1;
	_ =	sdelay $0x1  }
0x72: {  	v1 =	vmul.f32 $1.442695020e+00, v1;
	_ =	sdelay $0x1  }
0x73: {  	(erf) = vpow2.f32 v1  }
0x74: {  	(erf) = vrcp.f32 v0;
	_ =	sdelay $0x4  }
0x75: {  	v8 =	vld [tilespmem:$0x820];
	_ =	sdelay $0x2  }
0x76: {  	v1 =	vpop (erf)  }
0x77: {  	v9 =	vpop (erf)  }
0x78: {  	v1 =	vmul.f32 v1, v9;
	_ =	sdelay $0x1  }
0x79: {  	v10 =	vld [tilespmem:$0x9A0];
	[tilespmem:$0xB10] =	vst v1  }
0x7a: {  	v1 =	vld.idx.msk [tilespmem:v8+s17+$0x0], $0xffff;
	_ =	sdelay $0x4  }
0x7b: {  	v0 =	vld.idx.msk [tilespmem:v8+s18+$0x0], $0xffff;
	v1 =	vsub.f32 v10, v1;
	_ =	sdelay $0x1  }
0x7c: {  	v1 =	vmul.f32 $1.442695020e+00, v1;
	_ =	sdelay $0x1  }
0x7d: {  	(erf) = vpow2.f32 v1  }
0x7e: {  	(erf) = vrcp.f32 v0;
	_ =	sdelay $0x4  }
0x7f: {  	v11 =	vld [tilespmem:$0x830];
	_ =	sdelay $0x2  }
0x80: {  	v1 =	vpop (erf)  }
0x81: {  	v12 =	vpop (erf)  }
0x82: {  	v1 =	vmul.f32 v1, v12;
	_ =	sdelay $0x1  }
0x83: {  	v13 =	vld [tilespmem:$0x9B0];
	[tilespmem:$0xB20] =	vst v1  }
0x84: {  	v1 =	vld.idx.msk [tilespmem:v11+s17+$0x0], $0xffff;
	_ =	sdelay $0x4  }
0x85: {  	v0 =	vld.idx.msk [tilespmem:v11+s18+$0x0], $0xffff;
	v1 =	vsub.f32 v13, v1;
	_ =	sdelay $0x1  }
0x86: {  	v1 =	vmul.f32 $1.442695020e+00, v1;
	_ =	sdelay $0x1  }
0x87: {  	(erf) = vpow2.f32 v1  }
0x88: {  	(erf) = vrcp.f32 v0;
	_ =	sdelay $0x4  }
0x89: {  	v14 =	vld [tilespmem:$0x840];
	_ =	sdelay $0x2  }
0x8a: {  	v1 =	vpop (erf)  }
0x8b: {  	v15 =	vpop (erf)  }
0x8c: {  	v1 =	vmul.f32 v1, v15;
	_ =	sdelay $0x1  }
0x8d: {  	v16 =	vld [tilespmem:$0x9C0];
	[tilespmem:$0xB30] =	vst v1  }
0x8e: {  	v1 =	vld.idx.msk [tilespmem:v14+s17+$0x0], $0xffff;
	_ =	sdelay $0x4  }
0x8f: {  	v0 =	vld.idx.msk [tilespmem:v14+s18+$0x0], $0xffff;
	v1 =	vsub.f32 v16, v1;
	_ =	sdelay $0x1  }
0x90: {  	v1 =	vmul.f32 $1.442695020e+00, v1;
	_ =	sdelay $0x1  }
0x91: {  	(erf) = vpow2.f32 v1  }
0x92: {  	(erf) = vrcp.f32 v0;
	_ =	sdelay $0x4  }
0x93: {  	v17 =	vld [tilespmem:$0x850];
	_ =	sdelay $0x2  }
0x94: {  	v1 =	vpop (erf)  }
0x95: {  	v18 =	vpop (erf)  }
0x96: {  	v1 =	vmul.f32 v1, v18;
	_ =	sdelay $0x1  }
0x97: {  	v19 =	vld [tilespmem:$0x9D0];
	[tilespmem:$0xB40] =	vst v1  }
0x98: {  	v1 =	vld.idx.msk [tilespmem:v17+s17+$0x0], $0xffff;
	_ =	sdelay $0x4  }
0x99: {  	v0 =	vld.idx.msk [tilespmem:v17+s18+$0x0], $0xffff;
	v1 =	vsub.f32 v19, v1;
	_ =	sdelay $0x1  }
0x9a: {  	v1 =	vmul.f32 $1.442695020e+00, v1;
	_ =	sdelay $0x1  }
0x9b: {  	(erf) = vpow2.f32 v1  }
0x9c: {  	(erf) = vrcp.f32 v0;
	_ =	sdelay $0x4  }
0x9d: {  	v20 =	vld [tilespmem:$0x860];
	_ =	sdelay $0x2  }
0x9e: {  	v1 =	vpop (erf)  }
0x9f: {  	v21 =	vpop (erf)  }
0xa0: {  	v1 =	vmul.f32 v1, v21;
	_ =	sdelay $0x1  }
0xa1: {  	v22 =	vld [tilespmem:$0x9E0];
	[tilespmem:$0xB50] =	vst v1  }
0xa2: {  	v1 =	vld.idx.msk [tilespmem:v20+s17+$0x0], $0xffff;
	_ =	sdelay $0x4  }
0xa3: {  	v0 =	vld.idx.msk [tilespmem:v20+s18+$0x0], $0xffff;
	v1 =	vsub.f32 v22, v1;
	_ =	sdelay $0x1  }
0xa4: {  	v1 =	vmul.f32 $1.442695020e+00, v1;
	_ =	sdelay $0x1  }
0xa5: {  	(erf) = vpow2.f32 v1  }
0xa6: {  	(erf) = vrcp.f32 v0;
	_ =	sdelay $0x4  }
0xa7: {  	v23 =	vld [tilespmem:$0x870];
	_ =	sdelay $0x2  }
0xa8: {  	v1 =	vpop (erf)  }
0xa9: {  	v24 =	vpop (erf)  }
0xaa: {  	v1 =	vmul.f32 v1, v24;
	_ =	sdelay $0x1  }
0xab: {  	v25 =	vld [tilespmem:$0x9F0];
	[tilespmem:$0xB60] =	vst v1  }
0xac: {  	v1 =	vld.idx.msk [tilespmem:v23+s17+$0x0], $0xffff;
	_ =	sdelay $0x4  }
0xad: {  	v0 =	vld.idx.msk [tilespmem:v23+s18+$0x0], $0xffff;
	v1 =	vsub.f32 v25, v1;
	_ =	sdelay $0x1  }
0xae: {  	v1 =	vmul.f32 $1.442695020e+00, v1;
	_ =	sdelay $0x1  }
0xaf: {  	(erf) = vpow2.f32 v1  }
0xb0: {  	(erf) = vrcp.f32 v0;
	_ =	sdelay $0x4  }
0xb1: {  	v26 =	vld [tilespmem:$0x880];
	_ =	sdelay $0x2  }
0xb2: {  	v1 =	vpop (erf)  }
0xb3: {  	v27 =	vpop (erf)  }
0xb4: {  	v1 =	vmul.f32 v1, v27;
	_ =	sdelay $0x1  }
0xb5: {  	v28 =	vld [tilespmem:$0xA00];
	[tilespmem:$0xB70] =	vst v1  }
0xb6: {  	v1 =	vld.idx.msk [tilespmem:v26+s17+$0x0], $0xffff;
	_ =	sdelay $0x4  }
0xb7: {  	v0 =	vld.idx.msk [tilespmem:v26+s18+$0x0], $0xffff;
	v1 =	vsub.f32 v28, v1;
	_ =	sdelay $0x1  }
0xb8: {  	v1 =	vmul.f32 $1.442695020e+00, v1;
	_ =	sdelay $0x1  }
0xb9: {  	(erf) = vpow2.f32 v1  }
0xba: {  	(erf) = vrcp.f32 v0;
	_ =	sdelay $0x4  }
0xbb: {  	v29 =	vld [tilespmem:$0x890];
	_ =	sdelay $0x2  }
0xbc: {  	v1 =	vpop (erf)  }
0xbd: {  	v30 =	vpop (erf)  }
0xbe: {  	v1 =	vmul.f32 v1, v30;
	_ =	sdelay $0x1  }
0xbf: {  	v31 =	vld [tilespmem:$0xA10];
	[tilespmem:$0xB80] =	vst v1  }
0xc0: {  	v1 =	vld.idx.msk [tilespmem:v29+s17+$0x0], $0xffff;
	_ =	sdelay $0x4  }
0xc1: {  	v0 =	vld.idx.msk [tilespmem:v29+s18+$0x0], $0xffff;
	v1 =	vsub.f32 v31, v1;
	_ =	sdelay $0x1  }
0xc2: {  	v1 =	vmul.f32 $1.442695020e+00, v1;
	_ =	sdelay $0x1  }
0xc3: {  	(erf) = vpow2.f32 v1  }
0xc4: {  	(erf) = vrcp.f32 v0;
	_ =	sdelay $0x4  }
0xc5: {  	v32 =	vld [tilespmem:$0x8A0];
	_ =	sdelay $0x2  }
0xc6: {  	v1 =	vpop (erf)  }
0xc7: {  	v33 =	vpop (erf)  }
0xc8: {  	v1 =	vmul.f32 v1, v33;
	_ =	sdelay $0x1  }
0xc9: {  	v34 =	vld [tilespmem:$0xA20];
	[tilespmem:$0xB90] =	vst v1  }
0xca: {  	v1 =	vld.idx.msk [tilespmem:v32+s17+$0x0], $0xffff;
	_ =	sdelay $0x4  }
0xcb: {  	v0 =	vld.idx.msk [tilespmem:v32+s18+$0x0], $0xffff;
	v1 =	vsub.f32 v34, v1;
	_ =	sdelay $0x1  }
0xcc: {  	v1 =	vmul.f32 $1.442695020e+00, v1;
	_ =	sdelay $0x1  }
0xcd: {  	(erf) = vpow2.f32 v1  }
0xce: {  	(erf) = vrcp.f32 v0;
	_ =	sdelay $0x4  }
0xcf: {  	v35 =	vld [tilespmem:$0x8B0];
	_ =	sdelay $0x2  }
0xd0: {  	v1 =	vpop (erf)  }
0xd1: {  	v36 =	vpop (erf)  }
0xd2: {  	v1 =	vmul.f32 v1, v36;
	_ =	sdelay $0x1  }
0xd3: {  	v37 =	vld [tilespmem:$0xA30];
	[tilespmem:$0xBA0] =	vst v1  }
0xd4: {  	v1 =	vld.idx.msk [tilespmem:v35+s17+$0x0], $0xffff;
	_ =	sdelay $0x4  }
0xd5: {  	v0 =	vld.idx.msk [tilespmem:v35+s18+$0x0], $0xffff;
	v1 =	vsub.f32 v37, v1;
	_ =	sdelay $0x1  }
0xd6: {  	v1 =	vmul.f32 $1.442695020e+00, v1;
	_ =	sdelay $0x1  }
0xd7: {  	(erf) = vpow2.f32 v1  }
0xd8: {  	(erf) = vrcp.f32 v0;
	_ =	sdelay $0x4  }
0xd9: {  	v38 =	vld [tilespmem:$0x8C0];
	_ =	sdelay $0x2  }
0xda: {  	v1 =	vpop (erf)  }
0xdb: {  	v39 =	vpop (erf)  }
0xdc: {  	v1 =	vmul.f32 v1, v39;
	_ =	sdelay $0x1  }
0xdd: {  	v40 =	vld [tilespmem:$0xA40];
	[tilespmem:$0xBB0] =	vst v1  }
0xde: {  	v1 =	vld.idx.msk [tilespmem:v38+s17+$0x0], $0xffff;
	_ =	sdelay $0x4  }
0xdf: {  	v0 =	vld.idx.msk [tilespmem:v38+s18+$0x0], $0xffff;
	v1 =	vsub.f32 v40, v1;
	_ =	sdelay $0x1  }
0xe0: {  	v1 =	vmul.f32 $1.442695020e+00, v1;
	_ =	sdelay $0x1  }
0xe1: {  	(erf) = vpow2.f32 v1  }
0xe2: {  	(erf) = vrcp.f32 v0;
	_ =	sdelay $0x4  }
0xe3: {  	v41 =	vld [tilespmem:$0x8D0];
	_ =	sdelay $0x2  }
0xe4: {  	v1 =	vpop (erf)  }
0xe5: {  	v42 =	vpop (erf)  }
0xe6: {  	v1 =	vmul.f32 v1, v42;
	_ =	sdelay $0x1  }
0xe7: {  	v43 =	vld [tilespmem:$0xA50];
	[tilespmem:$0xBC0] =	vst v1  }
0xe8: {  	v1 =	vld.idx.msk [tilespmem:v41+s17+$0x0], $0xffff;
	_ =	sdelay $0x4  }
0xe9: {  	v0 =	vld.idx.msk [tilespmem:v41+s18+$0x0], $0xffff;
	v1 =	vsub.f32 v43, v1;
	_ =	sdelay $0x1  }
0xea: {  	v1 =	vmul.f32 $1.442695020e+00, v1;
	_ =	sdelay $0x1  }
0xeb: {  	(erf) = vpow2.f32 v1  }
0xec: {  	(erf) = vrcp.f32 v0;
	_ =	sdelay $0x4  }
0xed: {  	v44 =	vld [tilespmem:$0x8E0];
	_ =	sdelay $0x2  }
0xee: {  	v1 =	vpop (erf)  }
0xef: {  	v45 =	vpop (erf)  }
0xf0: {  	v1 =	vmul.f32 v1, v45;
	_ =	sdelay $0x1  }
0xf1: {  	v46 =	vld [tilespmem:$0xA60];
	[tilespmem:$0xBD0] =	vst v1  }
0xf2: {  	v1 =	vld.idx.msk [tilespmem:v44+s17+$0x0], $0xffff;
	_ =	sdelay $0x4  }
0xf3: {  	v0 =	vld.idx.msk [tilespmem:v44+s18+$0x0], $0xffff;
	v1 =	vsub.f32 v46, v1;
	_ =	sdelay $0x1  }
0xf4: {  	v1 =	vmul.f32 $1.442695020e+00, v1;
	_ =	sdelay $0x1  }
0xf5: {  	(erf) = vpow2.f32 v1  }
0xf6: {  	(erf) = vrcp.f32 v0;
	_ =	sdelay $0x4  }
0xf7: {  	v47 =	vld [tilespmem:$0x8F0];
	_ =	sdelay $0x2  }
0xf8: {  	v1 =	vpop (erf)  }
0xf9: {  	v48 =	vpop (erf)  }
0xfa: {  	v1 =	vmul.f32 v1, v48;
	_ =	sdelay $0x1  }
0xfb: {  	v49 =	vld [tilespmem:$0xA70];
	[tilespmem:$0xBE0] =	vst v1  }
0xfc: {  	v1 =	vld.idx.msk [tilespmem:v47+s17+$0x0], $0xffff;
	_ =	sdelay $0x4  }
0xfd: {  	v0 =	vld.idx.msk [tilespmem:v47+s18+$0x0], $0xffff;
	v1 =	vsub.f32 v49, v1;
	_ =	sdelay $0x1  }
0xfe: {  	v1 =	vmul.f32 $1.442695020e+00, v1;
	_ =	sdelay $0x1  }
0xff: {  	(erf) = vpow2.f32 v1  }
0x100: {  	(erf) = vrcp.f32 v0;
	_ =	sdelay $0x4  }
0x101: {  	v50 =	vld [tilespmem:$0x900];
	_ =	sdelay $0x2  }
0x102: {  	v1 =	vpop (erf)  }
0x103: {  	v51 =	vpop (erf)  }
0x104: {  	v1 =	vmul.f32 v1, v51;
	_ =	sdelay $0x1  }
0x105: {  	v52 =	vld [tilespmem:$0xA80];
	[tilespmem:$0xBF0] =	vst v1  }
0x106: {  	v1 =	vld.idx.msk [tilespmem:v50+s17+$0x0], $0xffff;
	_ =	sdelay $0x4  }
0x107: {  	v0 =	vld.idx.msk [tilespmem:v50+s18+$0x0], $0xffff;
	v1 =	vsub.f32 v52, v1;
	_ =	sdelay $0x1  }
0x108: {  	v1 =	vmul.f32 $1.442695020e+00, v1;
	_ =	sdelay $0x1  }
0x109: {  	(erf) = vpow2.f32 v1  }
0x10a: {  	(erf) = vrcp.f32 v0;
	_ =	sdelay $0x4  }
0x10b: {  	v53 =	vld [tilespmem:$0x910];
	_ =	sdelay $0x2  }
0x10c: {  	v1 =	vpop (erf)  }
0x10d: {  	v54 =	vpop (erf)  }
0x10e: {  	v1 =	vmul.f32 v1, v54;
	_ =	sdelay $0x1  }
0x10f: {  	v55 =	vld [tilespmem:$0xA90];
	[tilespmem:$0xC00] =	vst v1  }
0x110: {  	v1 =	vld.idx.msk [tilespmem:v53+s17+$0x0], $0xffff;
	_ =	sdelay $0x4  }
0x111: {  	v0 =	vld.idx.msk [tilespmem:v53+s18+$0x0], $0xffff;
	v1 =	vsub.f32 v55, v1;
	_ =	sdelay $0x1  }
0x112: {  	v1 =	vmul.f32 $1.442695020e+00, v1;
	_ =	sdelay $0x1  }
0x113: {  	(erf) = vpow2.f32 v1  }
0x114: {  	(erf) = vrcp.f32 v0;
	_ =	sdelay $0x4  }
0x115: {  	v56 =	vld [tilespmem:$0x920];
	_ =	sdelay $0x2  }
0x116: {  	v1 =	vpop (erf)  }
0x117: {  	v57 =	vpop (erf)  }
0x118: {  	v1 =	vmul.f32 v1, v57;
	_ =	sdelay $0x1  }
0x119: {  	v58 =	vld [tilespmem:$0xAA0];
	[tilespmem:$0xC10] =	vst v1  }
0x11a: {  	v1 =	vld.idx.msk [tilespmem:v56+s17+$0x0], $0xffff;
	_ =	sdelay $0x4  }
0x11b: {  	v0 =	vld.idx.msk [tilespmem:v56+s18+$0x0], $0xffff;
	v1 =	vsub.f32 v58, v1;
	_ =	sdelay $0x1  }
0x11c: {  	v1 =	vmul.f32 $1.442695020e+00, v1;
	_ =	sdelay $0x1  }
0x11d: {  	(erf) = vpow2.f32 v1  }
0x11e: {  	(erf) = vrcp.f32 v0;
	_ =	sdelay $0x4  }
0x11f: {  	v59 =	vld [tilespmem:$0x930];
	_ =	sdelay $0x2  }
0x120: {  	v1 =	vpop (erf)  }
0x121: {  	v60 =	vpop (erf)  }
0x122: {  	v1 =	vmul.f32 v1, v60;
	_ =	sdelay $0x1  }
0x123: {  	v61 =	vld [tilespmem:$0xAB0];
	[tilespmem:$0xC20] =	vst v1  }
0x124: {  	v1 =	vld.idx.msk [tilespmem:v59+s17+$0x0], $0xffff;
	_ =	sdelay $0x4  }
0x125: {  	v0 =	vld.idx.msk [tilespmem:v59+s18+$0x0], $0xffff;
	v1 =	vsub.f32 v61, v1;
	_ =	sdelay $0x1  }
0x126: {  	v1 =	vmul.f32 $1.442695020e+00, v1;
	_ =	sdelay $0x1  }
0x127: {  	(erf) = vpow2.f32 v1  }
0x128: {  	(erf) = vrcp.f32 v0;
	_ =	sdelay $0x7  }
0x129: {  	v62 =	vpop (erf)  }
0x12a: {  	v63 =	vpop (erf)  }
0x12b: {  	v0 =	vmul.f32 v62, v63;
	_ =	sdelay $0x1  }
0x12c: {  	s21 =	simm.s32 $0x0;
	s22 =	simm.s32 $0x0;
	[tilespmem:$0xC30] =	vst v0  }
.LBB2_6:
0x12d: {  	s25 =	sshll.u32 s22, $0x4  }
0x12e: {  	s23 =	sadd.s32 s4, s25  }
0x12f: {  	s23 =	sshll.u32 s23, $0x4  }
0x130: {  	s24 =	sadd.s32 s1, s23  }
0x131: {  	[tilespmem:s21], [sflag:$0x1] =	stream.linear.gather [hbm4b:s24+s21], $0x800, $0x38;
	[tilespmem:$0x2D80] =	vst v63  }
0x132: {  	s31 =	sadd.s32 $0x0, s25;
	_ =	swait.ge [sflag:s13], $0x800  }
0x133: {  	v0 =	vmov s31;
	[sflag:s13] =	ssyncset.done $0x0  }
0x134: {  	s24 =	simm.s32 $0x40;
	[sflag:s13] =	ssyncadd.s32 $0xFFFFF800  }
0x135: {  	v4 =	vld [tilespmem:s24+$0x30]  }
0x136: {  	v7 =	vld [tilespmem:s24+$0x10]  }
0x137: {  	v5 =	vld [tilespmem:s24+$0xFFFFFFC0]  }
0x138: {  	v1 =	vld.idx.msk [tilespmem:v0+s19+$0x0], $0xffff  }
0x139: {  	v9 =	vld [tilespmem:s24+$0xFFFFFFE0]  }
0x13a: {  	v0 =	vld [tilespmem:s24+$0xFFFFFFF0]  }
0x13b: {  	v2 =	vld [tilespmem:s24+$0x20]  }
0x13c: {  	v3 =	vld [tilespmem:s24+$0xFFFFFFD0]  }
0x13d: {  	v8 =	vmul.f32 v4, v1;
	v4 =	vld [tilespmem:s24+$0x0]  }
0x13e: {  	v6 =	vmul.f32 v5, v1  }
0x13f: {  	s26 =	simm.s32 $0x1;
	s28 =	simm.s32 $0x40;
	v5 =	vmul.f32 v9, v1;
	v7 =	vmul.f32 v7, v1  }
.LBB2_7:
0x140: {  	p0 =	sne.s32 s26, $0xF  }
0x141: {  	v3 =	vmul.f32 v3, v1;
	v2 =	vmul.f32 v2, v1;
	[tilespmem:s24+$0x30] =	vst v8;
	s28 =	sadd.s32 $0x80, s28;
	s29 =	smov.u32 s26;
	s26 =	sadd.s32 $0x1, s26  }
0x142: {  	[tilespmem:s24+$0xFFFFFFC0] =	vst v6;
	v6 =	vmul.f32 v0, v1;
	v1 =	vmul.f32 v4, v1  }
0x143: {  	s29 =	sadd.s32 s25, s29;
	[tilespmem:s24+$0x10] =	vst v7  }
0x144: {  	v4 =	vmov s29;
	[tilespmem:s24+$0xFFFFFFE0] =	vst v5  }
0x145: {  	v0 =	vld [tilespmem:s28+$0xFFFFFFF0];
	[tilespmem:s24+$0xFFFFFFF0] =	vst v6  }
0x146: {  	v5 =	vld [tilespmem:s28+$0x30];
	[tilespmem:s24+$0x0] =	vst v1  }
0x147: {  	v7 =	vld [tilespmem:s28+$0x10];
	[tilespmem:s24+$0x20] =	vst v2  }
0x148: {  	v6 =	vld [tilespmem:s28+$0xFFFFFFC0];
	[tilespmem:s24+$0xFFFFFFD0] =	vst v3;
	s24 =	smov.u32 s28  }
0x149: {  	v1 =	vld.idx.msk [tilespmem:v4+s19+$0x0], $0xffff  }
0x14a: {  	v9 =	vld [tilespmem:s28+$0xFFFFFFE0]  }
0x14b: {  	v2 =	vld [tilespmem:s28+$0x20]  }
.Ltmp2:
0x14c: {  	v3 =	vld [tilespmem:s28+$0xFFFFFFD0];
	(pc) =	sbr.rel @p0 .LBB2_7-.Ltmp2, $3  }
0x14d: {  	v4 =	vld [tilespmem:s28+$0x0];
	_ =	sdelay $0x1  }
0x14e: {  	v6 =	vmul.f32 v6, v1;
	v8 =	vmul.f32 v5, v1  }
0x14f: {  	v7 =	vmul.f32 v7, v1;
	v5 =	vmul.f32 v9, v1  }
0x150: {  	[tilespmem:s24+$0x30] =	vst v8  }
0x151: {  	[tilespmem:s24+$0xFFFFFFC0] =	vst v6  }
0x152: {  	v0 =	vmul.f32 v0, v1;
	[tilespmem:s24+$0x10] =	vst v7  }
0x153: {  	v2 =	vmul.f32 v2, v1;
	[tilespmem:s24+$0xFFFFFFE0] =	vst v5  }
0x154: {  	v63 =	vmul.f32 v3, v1;
	[tilespmem:s24+$0xFFFFFFF0] =	vst v0  }
0x155: {  	s22 =	sadd.s32 $0x1, s22;
	v4 =	vmul.f32 v4, v1;
	[tilespmem:s24+$0x20] =	vst v2  }
0x156: {  	p0 =	sne.s32 s22, s10;
	[tilespmem:s24+$0xFFFFFFD0] =	vst v63  }
.Ltmp3:
0x157: {  	s23 =	sadd.s32 s3, s23;
	[tilespmem:s24+$0x0] =	vst v4;
	(pc) =	sbr.rel @p0 .LBB2_6-.Ltmp3, $4  }
0x158: {  	[hbm4b:s23+s5] =	stream.linear.scatter [tilespmem:s5], [sflag:$0x1], $0x800, $0x38;
	[tilespmem:$0x2D80] =	vst v63  }
0x159: {  	_ =	swait.ge [sflag:s13], $0x800  }
0x15a: {  	[sflag:s13] =	ssyncset.done $0x0  }
0x15b: {  	[sflag:s13] =	ssyncadd.s32 $0xFFFFF800  }
0x15c: {  	s20 =	sadd.s32 $0x1, s20  }
0x15d: {  	p0 =	sne.s32 s20, s11  }
.Ltmp4:
0x15e: {  	_ = 	snop;
	(pc) =	sbr.rel @p0 .LBB2_1-.Ltmp4, $1  }
0x15f: {  	_ =	sdelay $0x3  }
0x160: {  	_ =	sfence.sel $0x180000  }
0x161: {  	[bflag:$0x0] =	sbarrier.arrive $0xFFFF  }
0x162: {  	p0 =	sne.s32 s0, $0x0;
	_ =	strace $0x9000004A  }
0x163: {  	s0 =	sadd.s32 @!p0 $0x100000, s2;
	[bflag:$0x2] =	sbarrier.arrive $0xFFFF  }
0x164: {  	[sflag:s0] =	ssyncadd.tile.s32 @!p0 $0x1;
	_ =	shalt  }
.Lfunc_end2:
_tile_overlayer_lowered:
.L_overlay_start_2:
0x165: {  	(tag) =	ssettag $0x2  }
0x166: {  	s0 =	rddreg [dreg:$0x0];
	s2 =	stileid.u32  }
0x167: {  	s1 =	rddreg [dreg:$0x1];
	p0 =	sne.s32 s2, $0x0  }
0x168: {  	s3 =	rddreg [dreg:$0x2];
	[bflag:$0x3] =	sbarrier.arrive $0xFFFF;
	s2 =	simm.s32 @!p0 $0x1C01  }
0x169: {  	[timem:s3], [sflag:s2] =	dma.local @!p0 [hbm:s0], s1  }
0x16a: {  	s0 =	simm.s32 @!p0 $0x1  }
0x16b: {  	_ =	swait.ge @!p0 [sflag:s0], s1  }
0x16c: {  	s1 =	ssub.s32 @!p0 $0x0, s1;
	[sflag:s0] =	ssyncset.done @!p0 $0x0  }
0x16d: {  	[sflag:s0] =	ssyncadd.s32 @!p0 s1  }
0x16e: {  	[bflag:$0x3] =	sbarrier.arrive $0xFFFF  }
0x16f: {  	_ =	shalt  }

</sc_bundles>
